<compile_context>
chip_gen: v7x
topology: tpu7x:2x2x1
jax: 0.10.2.dev20260603
libtpu: 0.0.44.dev20260713+nightly
codegen_flags: <defaults>
</compile_context>

<pallas_src>
import functools

import jax
import jax.numpy as jnp
from jax import lax
from jax.experimental import pallas as pl
from jax.experimental.pallas import tpu as pltpu
from jax.experimental.pallas import tpu_sc as plsc

D = 768
E = 8
H = 4 * D
N = 2048
BN = 256
P = 6144
NB = P // BN
HBS = 1536
HB = H // HBS

NW = 32
NC = 2
TN = N // NW


def _sigmoid(v):
    return 1.0 / (1.0 + jnp.exp(-v))


def _dotT(a, b):
    return jax.lax.dot_general(a, b, (((1,), (1,)), ((), ())),
                               preferred_element_type=jnp.float32)



def _router_body(x_r, gw_r, i0_r, i1_r, w0_r, w1_r, hist_r, aux_r, blke_r):
    logits = _dotT(x_r[...], gw_r[...])
    col = jax.lax.broadcasted_iota(jnp.int32, (N, E), 1)
    m1 = jnp.max(logits, axis=1, keepdims=True)
    i1 = jnp.min(jnp.where(logits == m1, col, E), axis=1, keepdims=True)
    masked = jnp.where(col == i1, -jnp.inf, logits)
    m2 = jnp.max(masked, axis=1, keepdims=True)
    i2 = jnp.min(jnp.where(masked == m2, col, E), axis=1, keepdims=True)
    p1 = _sigmoid(m1 - m2)
    i0_r[...] = i1
    i1_r[...] = i2
    w0_r[...] = p1 + jnp.zeros((N, 128), jnp.float32)
    w1_r[...] = (1.0 - p1) + jnp.zeros((N, 128), jnp.float32)

    col16 = jax.lax.broadcasted_iota(jnp.int32, (N, 16), 1)
    oh = (jnp.where(col16 == i1, 1.0, 0.0)
          + jnp.where(col16 == i2, 1.0, 0.0))
    rowi = jax.lax.broadcasted_iota(jnp.int32, (NW, N), 0)
    coln = jax.lax.broadcasted_iota(jnp.int32, (NW, N), 1)
    S = jnp.where((coln // TN) == rowi, 1.0, 0.0)
    hist = jax.lax.dot_general(S, oh, (((1,), (0,)), ((), ())),
                               preferred_element_type=jnp.float32)
    hist_r[...] = hist.astype(jnp.int32)

    cnt = jnp.sum(oh, axis=0, keepdims=True)
    nblk = jnp.floor((cnt + (BN - 1)) * (1.0 / BN))
    tri = jnp.where(
        jax.lax.broadcasted_iota(jnp.int32, (16, 16), 0)
        <= jax.lax.broadcasted_iota(jnp.int32, (16, 16), 1), 1.0, 0.0)
    incl = jax.lax.dot_general(nblk, tri, (((1,), (0,)), ((), ())),
                               preferred_element_type=jnp.float32)
    base_row = (incl - nblk) * BN
    aux = jnp.concatenate([cnt, nblk, base_row, incl,
                           jnp.zeros((4, 16), jnp.float32)], axis=0)
    aux_r[...] = aux.astype(jnp.int32)

    bcols = jax.lax.broadcasted_iota(jnp.int32, (8, NB), 1).astype(jnp.float32)
    acc = jnp.zeros((8, NB), jnp.float32)
    for e in range(E):
        acc = acc + jnp.where(bcols >= incl[0, e], 1.0, 0.0)
    blke_r[...] = jnp.minimum(acc, E - 1).astype(jnp.int32)


def _router(xf, gate_w):
    return pl.pallas_call(
        _router_body,
        out_shape=(
            jax.ShapeDtypeStruct((N, 1), jnp.int32),
            jax.ShapeDtypeStruct((N, 1), jnp.int32),
            jax.ShapeDtypeStruct((N, 128), jnp.float32),
            jax.ShapeDtypeStruct((N, 128), jnp.float32),
            jax.ShapeDtypeStruct((NW, 16), jnp.int32),
            jax.ShapeDtypeStruct((8, 16), jnp.int32),
            jax.ShapeDtypeStruct((8, NB), jnp.int32),
        ),
    )(xf, gate_w)



_sc_mesh = plsc.VectorSubcoreMesh(core_axis_name="c", subcore_axis_name="s")


@functools.partial(
    pl.kernel,
    out_type=(
        jax.ShapeDtypeStruct((P, D), jnp.float32),
        jax.ShapeDtypeStruct((N,), jnp.int32),
        jax.ShapeDtypeStruct((N,), jnp.int32),
        jax.ShapeDtypeStruct((P, 128), jnp.float32),
    ),
    mesh=_sc_mesh,
    scratch_types=[
        pltpu.VMEM((TN,), jnp.int32),
        pltpu.VMEM((TN,), jnp.int32),
        pltpu.VMEM((NW, 16), jnp.int32),
        pltpu.VMEM((8, 16), jnp.int32),
        pltpu.VMEM((16,), jnp.int32),
        pltpu.VMEM((TN,), jnp.int32),
        pltpu.VMEM((TN,), jnp.int32),
        pltpu.VMEM((TN,), jnp.int32),
        pltpu.VMEM((TN, D), jnp.float32),
        pltpu.VMEM((TN, 128), jnp.float32),
        pltpu.VMEM((TN, 128), jnp.float32),
        pltpu.SemaphoreType.DMA,
        pltpu.SemaphoreType.DMA,
    ],
    compiler_params=pltpu.CompilerParams(needs_layout_passes=False),
)
def _dispatch(i0_h, i1_h, x_h, hist_h, aux_h, w0_h, w1_h,
              xd_h, s0_h, s1_h, wd_h,
              e0_v, e1_v, hist_v, aux_v, start_v, sl0_v, sl1_v, tok_v,
              rows_v, wv_v, wv2_v, sem, semw):
    wid = lax.axis_index("s") * NC + lax.axis_index("c")
    base = wid * TN
    pltpu.sync_copy(i0_h.at[pl.ds(base, TN)], e0_v)
    pltpu.sync_copy(i1_h.at[pl.ds(base, TN)], e1_v)
    pltpu.sync_copy(hist_h, hist_v)
    pltpu.sync_copy(aux_h, aux_v)

    lane = lax.iota(jnp.int32, 16)
    widv = jnp.full((16,), wid, jnp.int32)
    zero = jnp.zeros((16,), jnp.int32)
    one = jnp.full((16,), 1, jnp.int32)

    pre = zero
    for w2 in range(NW):
        m = jnp.full((16,), w2, jnp.int32) < widv
        pre = pre + jnp.where(m, hist_v[w2], zero)
    start_v[...] = aux_v[2] + pre

    for ev, slv in ((e0_v, sl0_v), (e1_v, sl1_v)):
        for r in range(TN // 16):
            v = ev[pl.ds(r * 16, 16)]
            sg = plsc.load_gather(start_v, [v])
            start = start_v[...]
            rank = zero
            for e in range(E):
                m = v == jnp.int32(e)
                c = plsc.cumsum(jnp.where(m, one, zero))
                rank = jnp.where(m, c - 1, rank)
                pc = plsc.all_reduce_population_count(m)
                start = jnp.where(lane == jnp.int32(e), start + pc, start)
            start_v[...] = start
            slv[pl.ds(r * 16, 16)] = sg + rank

    for r in range(TN // 16):
        tok_v[pl.ds(r * 16, 16)] = jnp.full((16,), base + r * 16, jnp.int32) + lane
    cpx = pltpu.async_copy(x_h.at[tok_v], rows_v, sem)
    cpw = pltpu.async_copy(w0_h.at[tok_v], wv_v, semw)
    cpx.wait()
    cs0 = pltpu.async_copy(rows_v, xd_h.at[sl0_v], sem)
    cs1 = pltpu.async_copy(rows_v, xd_h.at[sl1_v], sem)
    cpw.wait()
    cw0 = pltpu.async_copy(wv_v, wd_h.at[sl0_v], semw)
    cw0.wait()
    cpw2 = pltpu.async_copy(w1_h.at[tok_v], wv2_v, semw)
    cpw2.wait()
    cw1 = pltpu.async_copy(wv2_v, wd_h.at[sl1_v], semw)
    cs0.wait()
    cs1.wait()
    cw1.wait()

    pltpu.sync_copy(sl0_v, s0_h.at[pl.ds(base, TN)])
    pltpu.sync_copy(sl1_v, s1_h.at[pl.ds(base, TN)])



def _ffn_body(be_ref, xd_r, wi_r, wg_r, bi_r, bg_r, wo_r, bo_r, wd_r, out_r):
    hb = pl.program_id(0)
    nb = pl.program_id(1)
    xv = xd_r[...].astype(jnp.bfloat16)
    g = _dotT(xv, wg_r[0].astype(jnp.bfloat16)) + bg_r[0]
    p = _dotT(xv, wi_r[0].astype(jnp.bfloat16)) + bi_r[0]
    h = ((g * _sigmoid(g)) * p).astype(jnp.bfloat16)
    y = _dotT(h, wo_r[0].astype(jnp.bfloat16))
    sl = pl.ds(nb * BN, BN)

    wv = wd_r[:, :1]

    @pl.when(hb == 0)
    def _init():
        out_r[sl, :] = wv * (y + bo_r[0])

    @pl.when(hb > 0)
    def _acc():
        out_r[sl, :] += wv * y


def _grouped_ffn(blk_e, xd, W_in, b_in, W_gate, b_gate, W_out, b_out, wd):
    spec = pltpu.PrefetchScalarGridSpec(
        num_scalar_prefetch=1,
        grid=(HB, NB),
        in_specs=[
            pl.BlockSpec((BN, D), lambda hb, nb, be: (nb, 0)),
            pl.BlockSpec((1, HBS, D), lambda hb, nb, be: (be[nb], hb, 0)),
            pl.BlockSpec((1, HBS, D), lambda hb, nb, be: (be[nb], hb, 0)),
            pl.BlockSpec((1, 1, HBS), lambda hb, nb, be: (be[nb], 0, hb)),
            pl.BlockSpec((1, 1, HBS), lambda hb, nb, be: (be[nb], 0, hb)),
            pl.BlockSpec((1, D, HBS), lambda hb, nb, be: (be[nb], 0, hb)),
            pl.BlockSpec((1, 1, D), lambda hb, nb, be: (be[nb], 0, 0)),
            pl.BlockSpec((BN, 128), lambda hb, nb, be: (nb, 0)),
        ],
        out_specs=pl.BlockSpec((P, D), lambda hb, nb, be: (0, 0)),
    )
    return pl.pallas_call(
        _ffn_body, grid_spec=spec,
        out_shape=jax.ShapeDtypeStruct((P, D), jnp.float32),
    )(blk_e, xd, W_in, W_gate, b_in.reshape(E, 1, H), b_gate.reshape(E, 1, H),
      W_out, b_out.reshape(E, 1, D), wd)



@functools.partial(
    pl.kernel,
    out_type=jax.ShapeDtypeStruct((N, D), jnp.float32),
    mesh=_sc_mesh,
    scratch_types=[
        pltpu.VMEM((TN,), jnp.int32),
        pltpu.VMEM((TN,), jnp.int32),
        pltpu.VMEM((TN, D), jnp.float32),
        pltpu.VMEM((TN, D), jnp.float32),
        pltpu.SemaphoreType.DMA,
        pltpu.SemaphoreType.DMA,
    ],
    compiler_params=pltpu.CompilerParams(needs_layout_passes=False),
)
def _combine(yd_h, s0_h, s1_h, out_h, s0_v, s1_v, r0_v, r1_v, sem0, sem1):
    wid = lax.axis_index("s") * NC + lax.axis_index("c")
    base = wid * TN
    pltpu.sync_copy(s0_h.at[pl.ds(base, TN)], s0_v)
    pltpu.sync_copy(s1_h.at[pl.ds(base, TN)], s1_v)
    cp0 = pltpu.async_copy(yd_h.at[s0_v], r0_v, sem0)
    cp1 = pltpu.async_copy(yd_h.at[s1_v], r1_v, sem1)
    cp0.wait()
    cp1.wait()

    def tok_body(t, carry):
        def ch_body(c, inner):
            s = pl.ds(c * 16, 16)
            plsc.addupdate(r0_v.at[t, s], r1_v[t, s])
            return inner

        return jax.lax.fori_loop(0, D // 16, ch_body, carry)

    jax.lax.fori_loop(0, TN, tok_body, 0)
    pltpu.sync_copy(r0_v, out_h.at[pl.ds(base, TN)])



def kernel(x, gate_w, W_in, b_in, W_gate, b_gate, W_out, b_out):
    B, T, C = x.shape
    xf = x.reshape(B * T, C)
    i0, i1, w0, w1, hist, aux, blkeT = _router(xf, gate_w)
    xd, s0, s1, wd = _dispatch(i0.reshape(N), i1.reshape(N), xf, hist, aux,
                               w0, w1)
    yd = _grouped_ffn(blkeT[0], xd, W_in, b_in, W_gate, b_gate, W_out, b_out,
                      wd)
    out = _combine(yd, s0, s1)
    return out.reshape(B, T, C)

# --- scband reference (transcript-rebuilt; emitter-appended) ---
"""Pipeline reference for scband-moe-reg-layer-16922171146616 (READ-ONLY COPY).

The authoritative reference and input builder live on the scoring server;
editing this copy changes nothing except your own understanding.
"""

import jax, jax.numpy as jnp
import numpy as np

D = 768
E = 8
H = 4 * D


def setup_inputs(seed: int = 0) -> dict:
    key = jax.random.key(seed)
    ks = jax.random.split(key, 8)
    x = jax.random.normal(ks[0], (1, 2048, D), dtype=jnp.float32)
    gate_w = jax.random.normal(ks[1], (E, D), dtype=jnp.float32) * 0.02
    W_in = jax.random.normal(ks[2], (E, H, D), dtype=jnp.float32) * 0.02
    b_in = jnp.zeros((E, H), dtype=jnp.float32)
    W_gate = jax.random.normal(ks[3], (E, H, D), dtype=jnp.float32) * 0.02
    b_gate = jnp.zeros((E, H), dtype=jnp.float32)
    W_out = jax.random.normal(ks[4], (E, D, H), dtype=jnp.float32) * 0.02
    b_out = jnp.zeros((E, D), dtype=jnp.float32)
    return {"x": x, "gate_w": gate_w, "W_in": W_in, "b_in": b_in,
            "W_gate": W_gate, "b_gate": b_gate, "W_out": W_out, "b_out": b_out}


def reference(x, gate_w, W_in, b_in, W_gate, b_gate, W_out, b_out):
    B, T, C = x.shape
    xf = x.reshape(B * T, C)
    logits = xf @ gate_w.T                              # [N, E]
    vals, idxs = jax.lax.top_k(logits, 2)               # [N, 2]
    probs = jax.nn.softmax(vals, axis=1)                # [N, 2]
    # per-expert combine weight: w[n, e] = sum_k probs[n, k] * (idxs[n, k] == e)
    onehot = jax.nn.one_hot(idxs, E, dtype=xf.dtype)    # [N, 2, E]
    w = jnp.einsum('nk,nke->ne', probs, onehot)         # [N, E]
    # GatedFeedForward per expert (dense over all experts, masked by w):
    # out_e(x) = proj_out(silu(gate(x)) * proj_in(x))
    g = jnp.einsum('nc,ehc->neh', xf, W_gate) + b_gate[None, :, :]
    p = jnp.einsum('nc,ehc->neh', xf, W_in) + b_in[None, :, :]
    h = jax.nn.silu(g) * p
    y = jnp.einsum('neh,edh->ned', h, W_out) + b_out[None, :, :]
    out = jnp.einsum('ne,ned->nd', w, y)
    return out.reshape(B, T, C)

if __name__ == "__main__":
    import jax
    _d = setup_inputs()
    print(jax.jit(kernel)(*tuple(_d.values())))

</pallas_src>

<mosaic_0001>
#map = affine_map<(d0, d1) -> (0, 0)>
#map1 = affine_map<(d0, d1) -> (0)>
module attributes {stable_mosaic.version = 14 : i64} {
  func.func @_combine(%arg0: i32, %arg1: i32, %arg2: memref<6144x768xf32, #tpu.memory_space<hbm>>, %arg3: memref<2048xi32, #tpu.memory_space<hbm>>, %arg4: memref<2048xi32, #tpu.memory_space<hbm>>, %arg5: memref<2048x768xf32, #tpu.memory_space<hbm>>, %arg6: memref<64xi32, #tpu.memory_space<vmem>>, %arg7: memref<64xi32, #tpu.memory_space<vmem>>, %arg8: memref<64x768xf32, #tpu.memory_space<vmem>>, %arg9: memref<64x768xf32, #tpu.memory_space<vmem>>, %arg10: memref<!tpu.dma_semaphore, #tpu.memory_space<semaphore_mem>>, %arg11: memref<!tpu.dma_semaphore, #tpu.memory_space<semaphore_mem>>) attributes {dimension_semantics = [#tpu.dimension_semantics<core_parallel>, #tpu.dimension_semantics<subcore_parallel>], iteration_bounds = array<i64: 2, 16>, scalar_prefetch = 0 : i64, scratch_operands = 6 : i64, tpu.core_type = #tpu.core_type<sc_vector_subcore>, window_params = [{transform_indices = #map}, {transform_indices = #map1}, {transform_indices = #map1}, {transform_indices = #map}]} {
    %mul3A = arith.constant 2 : i32
    %mul3A_0 = arith.muli %arg1, %mul3A : i32
    %add3A = arith.addi %mul3A_0, %arg0 : i32
    %mul3A_1 = arith.constant 64 : i32
    %mul3A_2 = arith.muli %add3A, %mul3A_1 : i32
    "tpu.region"() ({
      %run_scoped3A = tpu.sem_alloc : memref<!tpu.dma_semaphore, #tpu.memory_space<semaphore_mem>>
      %dma_start3A_18 = tpu.memref_slice %arg3[%mul3A_2] : memref<2048xi32, #tpu.memory_space<hbm>> -> memref<64xi32, #tpu.memory_space<hbm>>
      %dma_start3A_19 = tpu.memref_slice %arg3[%mul3A_2] : memref<2048xi32, #tpu.memory_space<hbm>> -> memref<64xi32, #tpu.memory_space<hbm>>
      tpu.enqueue_dma source(%dma_start3A_19 : memref<64xi32, #tpu.memory_space<hbm>>) target(%arg6 : memref<64xi32, #tpu.memory_space<vmem>>) target_semaphore(%run_scoped3A : memref<!tpu.dma_semaphore, #tpu.memory_space<semaphore_mem>>)
      %dma_wait3A_20 = tpu.memref_slice %arg3[%mul3A_2] : memref<2048xi32, #tpu.memory_space<hbm>> -> memref<64xi32, #tpu.memory_space<hbm>>
      %dma_wait3A_21 = tpu.memref_slice %arg3[%mul3A_2] : memref<2048xi32, #tpu.memory_space<hbm>> -> memref<64xi32, #tpu.memory_space<hbm>>
      tpu.wait_dma2 semaphore(%run_scoped3A : memref<!tpu.dma_semaphore, #tpu.memory_space<semaphore_mem>>) src(%dma_wait3A_21 : memref<64xi32, #tpu.memory_space<hbm>>) dst(%arg6 : memref<64xi32, #tpu.memory_space<vmem>>)
      tpu.yield
    }) : () -> ()
    "tpu.region"() ({
      %run_scoped3A = tpu.sem_alloc : memref<!tpu.dma_semaphore, #tpu.memory_space<semaphore_mem>>
      %dma_start3A_18 = tpu.memref_slice %arg4[%mul3A_2] : memref<2048xi32, #tpu.memory_space<hbm>> -> memref<64xi32, #tpu.memory_space<hbm>>
      %dma_start3A_19 = tpu.memref_slice %arg4[%mul3A_2] : memref<2048xi32, #tpu.memory_space<hbm>> -> memref<64xi32, #tpu.memory_space<hbm>>
      tpu.enqueue_dma source(%dma_start3A_19 : memref<64xi32, #tpu.memory_space<hbm>>) target(%arg7 : memref<64xi32, #tpu.memory_space<vmem>>) target_semaphore(%run_scoped3A : memref<!tpu.dma_semaphore, #tpu.memory_space<semaphore_mem>>)
      %dma_wait3A_20 = tpu.memref_slice %arg4[%mul3A_2] : memref<2048xi32, #tpu.memory_space<hbm>> -> memref<64xi32, #tpu.memory_space<hbm>>
      %dma_wait3A_21 = tpu.memref_slice %arg4[%mul3A_2] : memref<2048xi32, #tpu.memory_space<hbm>> -> memref<64xi32, #tpu.memory_space<hbm>>
      tpu.wait_dma2 semaphore(%run_scoped3A : memref<!tpu.dma_semaphore, #tpu.memory_space<semaphore_mem>>) src(%dma_wait3A_21 : memref<64xi32, #tpu.memory_space<hbm>>) dst(%arg7 : memref<64xi32, #tpu.memory_space<vmem>>)
      tpu.yield
    }) : () -> ()
    %dma_start3A = arith.constant 0 : i32
    %dma_start3A_3 = arith.constant 0 : i32
    %dma_start3A_4 = tpu.memref_slice %arg2[%dma_start3A, %dma_start3A_3] : memref<6144x768xf32, #tpu.memory_space<hbm>> -> memref<6144x768xf32, #tpu.memory_space<hbm>>
    tpu.enqueue_indirect_dma source(%dma_start3A_4 : memref<6144x768xf32, #tpu.memory_space<hbm>>) target(%arg8 : memref<64x768xf32, #tpu.memory_space<vmem>>) offsets(%arg6 : memref<64xi32, #tpu.memory_space<vmem>>) semaphore(%arg10 : memref<!tpu.dma_semaphore, #tpu.memory_space<semaphore_mem>>)
    %dma_start3A_5 = arith.constant 0 : i32
    %dma_start3A_6 = arith.constant 0 : i32
    %dma_start3A_7 = tpu.memref_slice %arg2[%dma_start3A_5, %dma_start3A_6] : memref<6144x768xf32, #tpu.memory_space<hbm>> -> memref<6144x768xf32, #tpu.memory_space<hbm>>
    tpu.enqueue_indirect_dma source(%dma_start3A_7 : memref<6144x768xf32, #tpu.memory_space<hbm>>) target(%arg9 : memref<64x768xf32, #tpu.memory_space<vmem>>) offsets(%arg7 : memref<64xi32, #tpu.memory_space<vmem>>) semaphore(%arg11 : memref<!tpu.dma_semaphore, #tpu.memory_space<semaphore_mem>>)
    %dma_wait3A = arith.constant 0 : i32
    %dma_wait3A_8 = arith.constant 0 : i32
    %dma_wait3A_9 = tpu.memref_slice %arg2[%dma_wait3A, %dma_wait3A_8] : memref<6144x768xf32, #tpu.memory_space<hbm>> -> memref<6144x768xf32, #tpu.memory_space<hbm>>
    tpu.wait_indirect_dma semaphore(%arg10 : memref<!tpu.dma_semaphore, #tpu.memory_space<semaphore_mem>>) src(%dma_wait3A_9 : memref<6144x768xf32, #tpu.memory_space<hbm>>) dst(%arg8 : memref<64x768xf32, #tpu.memory_space<vmem>>)
    %dma_wait3A_10 = arith.constant 0 : i32
    %dma_wait3A_11 = arith.constant 0 : i32
    %dma_wait3A_12 = tpu.memref_slice %arg2[%dma_wait3A_10, %dma_wait3A_11] : memref<6144x768xf32, #tpu.memory_space<hbm>> -> memref<6144x768xf32, #tpu.memory_space<hbm>>
    tpu.wait_indirect_dma semaphore(%arg11 : memref<!tpu.dma_semaphore, #tpu.memory_space<semaphore_mem>>) src(%dma_wait3A_12 : memref<6144x768xf32, #tpu.memory_space<hbm>>) dst(%arg9 : memref<64x768xf32, #tpu.memory_space<vmem>>)
    %scan3A = arith.constant 0 : i32
    %scan3A_13 = arith.constant 0 : i32
    %scan3A_14 = arith.constant 64 : i32
    %scan3A_15 = arith.addi %scan3A_13, %scan3A_14 : i32
    %scan3A_16 = arith.constant 1 : i32
    scf.for %scan3A_18 = %scan3A_13 to %scan3A_15 step %scan3A_16  : i32 {
      %scan3A_19 = arith.constant 0 : i32
      %scan3A_20 = arith.constant 48 : i32
      %scan3A_21 = arith.addi %scan3A_19, %scan3A_20 : i32
      %scan3A_22 = arith.constant 1 : i32
      scf.for %scan3A_24 = %scan3A_19 to %scan3A_21 step %scan3A_22  : i32 {
        %mul3A_25 = arith.constant 16 : i32
        %mul3A_26 = arith.muli %scan3A_24, %mul3A_25 : i32
        %get3A = arith.index_cast %scan3A_18 : i32 to index
        %get3A_27 = arith.index_cast %mul3A_26 : i32 to index
        %get3A_28 = tpu.vector_load %arg9[%get3A, %get3A_27] {strides = array<i32>} : memref<64x768xf32, #tpu.memory_space<vmem>>, vector<16xf32>,
        %swap3A = arith.index_cast %scan3A_18 : i32 to index
        %swap3A_29 = arith.index_cast %mul3A_26 : i32 to index
        %swap3A_30 = tpu.vector_load %arg8[%swap3A, %swap3A_29] {strides = array<i32>} : memref<64x768xf32, #tpu.memory_space<vmem>>, vector<16xf32>,
        tpu.vector_store %arg8[%swap3A, %swap3A_29], %get3A_28 {add = true, strides = array<i32>} : memref<64x768xf32, #tpu.memory_space<vmem>>, vector<16xf32>,
      }
      %scan3A_23 = arith.constant 48 : i32
    }
    %scan3A_17 = arith.constant 64 : i32
    "tpu.region"() ({
      %run_scoped3A = tpu.sem_alloc : memref<!tpu.dma_semaphore, #tpu.memory_space<semaphore_mem>>
      %dma_start3A_18 = arith.constant 0 : i32
      %dma_start3A_19 = tpu.memref_slice %arg5[%mul3A_2, %dma_start3A_18] : memref<2048x768xf32, #tpu.memory_space<hbm>> -> memref<64x768xf32, #tpu.memory_space<hbm>>
      %dma_start3A_20 = arith.constant 0 : i32
      %dma_start3A_21 = tpu.memref_slice %arg5[%mul3A_2, %dma_start3A_20] : memref<2048x768xf32, #tpu.memory_space<hbm>> -> memref<64x768xf32, #tpu.memory_space<hbm>>
      tpu.enqueue_dma source(%arg8 : memref<64x768xf32, #tpu.memory_space<vmem>>) target(%dma_start3A_21 : memref<64x768xf32, #tpu.memory_space<hbm>>) target_semaphore(%run_scoped3A : memref<!tpu.dma_semaphore, #tpu.memory_space<semaphore_mem>>)
      %dma_wait3A_22 = arith.constant 0 : i32
      %dma_wait3A_23 = tpu.memref_slice %arg5[%mul3A_2, %dma_wait3A_22] : memref<2048x768xf32, #tpu.memory_space<hbm>> -> memref<64x768xf32, #tpu.memory_space<hbm>>
      %dma_wait3A_24 = arith.constant 0 : i32
      %dma_wait3A_25 = tpu.memref_slice %arg5[%mul3A_2, %dma_wait3A_24] : memref<2048x768xf32, #tpu.memory_space<hbm>> -> memref<64x768xf32, #tpu.memory_space<hbm>>
      tpu.wait_dma2 semaphore(%run_scoped3A : memref<!tpu.dma_semaphore, #tpu.memory_space<semaphore_mem>>) src(%arg8 : memref<64x768xf32, #tpu.memory_space<vmem>>) dst(%dma_wait3A_25 : memref<64x768xf32, #tpu.memory_space<hbm>>)
      tpu.yield
    }) : () -> ()
    return
  }
}

#map = affine_map<(d0, d1) -> (0)>
#map1 = affine_map<(d0, d1) -> (0, 0)>
module attributes {stable_mosaic.version = 14 : i64} {
  func.func @_dispatch(%arg0: i32, %arg1: i32, %arg2: memref<2048xi32, #tpu.memory_space<hbm>>, %arg3: memref<2048xi32, #tpu.memory_space<hbm>>, %arg4: memref<2048x768xf32, #tpu.memory_space<hbm>>, %arg5: memref<32x16xi32, #tpu.memory_space<hbm>>, %arg6: memref<8x16xi32, #tpu.memory_space<hbm>>, %arg7: memref<2048x128xf32, #tpu.memory_space<hbm>>, %arg8: memref<2048x128xf32, #tpu.memory_space<hbm>>, %arg9: memref<6144x768xf32, #tpu.memory_space<hbm>>, %arg10: memref<2048xi32, #tpu.memory_space<hbm>>, %arg11: memref<2048xi32, #tpu.memory_space<hbm>>, %arg12: memref<6144x128xf32, #tpu.memory_space<hbm>>, %arg13: memref<64xi32, #tpu.memory_space<vmem>>, %arg14: memref<64xi32, #tpu.memory_space<vmem>>, %arg15: memref<32x16xi32, #tpu.memory_space<vmem>>, %arg16: memref<8x16xi32, #tpu.memory_space<vmem>>, %arg17: memref<16xi32, #tpu.memory_space<vmem>>, %arg18: memref<64xi32, #tpu.memory_space<vmem>>, %arg19: memref<64xi32, #tpu.memory_space<vmem>>, %arg20: memref<64xi32, #tpu.memory_space<vmem>>, %arg21: memref<64x768xf32, #tpu.memory_space<vmem>>, %arg22: memref<64x128xf32, #tpu.memory_space<vmem>>, %arg23: memref<64x128xf32, #tpu.memory_space<vmem>>, %arg24: memref<!tpu.dma_semaphore, #tpu.memory_space<semaphore_mem>>, %arg25: memref<!tpu.dma_semaphore, #tpu.memory_space<semaphore_mem>>) attributes {dimension_semantics = [#tpu.dimension_semantics<core_parallel>, #tpu.dimension_semantics<subcore_parallel>], iteration_bounds = array<i64: 2, 16>, scalar_prefetch = 0 : i64, scratch_operands = 13 : i64, tpu.core_type = #tpu.core_type<sc_vector_subcore>, window_params = [{transform_indices = #map}, {transform_indices = #map}, {transform_indices = #map1}, {transform_indices = #map1}, {transform_indices = #map1}, {transform_indices = #map1}, {transform_indices = #map1}, {transform_indices = #map1}, {transform_indices = #map}, {transform_indices = #map}, {transform_indices = #map1}]} {
    %mul3A = arith.constant 2 : i32
    %mul3A_0 = arith.muli %arg1, %mul3A : i32
    %add3A = arith.addi %mul3A_0, %arg0 : i32
    %mul3A_1 = arith.constant 64 : i32
    %mul3A_2 = arith.muli %add3A, %mul3A_1 : i32
    "tpu.region"() ({
      %run_scoped3A = tpu.sem_alloc : memref<!tpu.dma_semaphore, #tpu.memory_space<semaphore_mem>>
      %dma_start3A_1525 = tpu.memref_slice %arg2[%mul3A_2] : memref<2048xi32, #tpu.memory_space<hbm>> -> memref<64xi32, #tpu.memory_space<hbm>>
      %dma_start3A_1526 = tpu.memref_slice %arg2[%mul3A_2] : memref<2048xi32, #tpu.memory_space<hbm>> -> memref<64xi32, #tpu.memory_space<hbm>>
      tpu.enqueue_dma source(%dma_start3A_1526 : memref<64xi32, #tpu.memory_space<hbm>>) target(%arg13 : memref<64xi32, #tpu.memory_space<vmem>>) target_semaphore(%run_scoped3A : memref<!tpu.dma_semaphore, #tpu.memory_space<semaphore_mem>>)
      %dma_wait3A_1527 = tpu.memref_slice %arg2[%mul3A_2] : memref<2048xi32, #tpu.memory_space<hbm>> -> memref<64xi32, #tpu.memory_space<hbm>>
      %dma_wait3A_1528 = tpu.memref_slice %arg2[%mul3A_2] : memref<2048xi32, #tpu.memory_space<hbm>> -> memref<64xi32, #tpu.memory_space<hbm>>
      tpu.wait_dma2 semaphore(%run_scoped3A : memref<!tpu.dma_semaphore, #tpu.memory_space<semaphore_mem>>) src(%dma_wait3A_1528 : memref<64xi32, #tpu.memory_space<hbm>>) dst(%arg13 : memref<64xi32, #tpu.memory_space<vmem>>)
      tpu.yield
    }) : () -> ()
    "tpu.region"() ({
      %run_scoped3A = tpu.sem_alloc : memref<!tpu.dma_semaphore, #tpu.memory_space<semaphore_mem>>
      %dma_start3A_1525 = tpu.memref_slice %arg3[%mul3A_2] : memref<2048xi32, #tpu.memory_space<hbm>> -> memref<64xi32, #tpu.memory_space<hbm>>
      %dma_start3A_1526 = tpu.memref_slice %arg3[%mul3A_2] : memref<2048xi32, #tpu.memory_space<hbm>> -> memref<64xi32, #tpu.memory_space<hbm>>
      tpu.enqueue_dma source(%dma_start3A_1526 : memref<64xi32, #tpu.memory_space<hbm>>) target(%arg14 : memref<64xi32, #tpu.memory_space<vmem>>) target_semaphore(%run_scoped3A : memref<!tpu.dma_semaphore, #tpu.memory_space<semaphore_mem>>)
      %dma_wait3A_1527 = tpu.memref_slice %arg3[%mul3A_2] : memref<2048xi32, #tpu.memory_space<hbm>> -> memref<64xi32, #tpu.memory_space<hbm>>
      %dma_wait3A_1528 = tpu.memref_slice %arg3[%mul3A_2] : memref<2048xi32, #tpu.memory_space<hbm>> -> memref<64xi32, #tpu.memory_space<hbm>>
      tpu.wait_dma2 semaphore(%run_scoped3A : memref<!tpu.dma_semaphore, #tpu.memory_space<semaphore_mem>>) src(%dma_wait3A_1528 : memref<64xi32, #tpu.memory_space<hbm>>) dst(%arg14 : memref<64xi32, #tpu.memory_space<vmem>>)
      tpu.yield
    }) : () -> ()
    "tpu.region"() ({
      %run_scoped3A = tpu.sem_alloc : memref<!tpu.dma_semaphore, #tpu.memory_space<semaphore_mem>>
      tpu.enqueue_dma source(%arg5 : memref<32x16xi32, #tpu.memory_space<hbm>>) target(%arg15 : memref<32x16xi32, #tpu.memory_space<vmem>>) target_semaphore(%run_scoped3A : memref<!tpu.dma_semaphore, #tpu.memory_space<semaphore_mem>>)
      tpu.wait_dma2 semaphore(%run_scoped3A : memref<!tpu.dma_semaphore, #tpu.memory_space<semaphore_mem>>) src(%arg5 : memref<32x16xi32, #tpu.memory_space<hbm>>) dst(%arg15 : memref<32x16xi32, #tpu.memory_space<vmem>>)
      tpu.yield
    }) : () -> ()
    "tpu.region"() ({
      %run_scoped3A = tpu.sem_alloc : memref<!tpu.dma_semaphore, #tpu.memory_space<semaphore_mem>>
      tpu.enqueue_dma source(%arg6 : memref<8x16xi32, #tpu.memory_space<hbm>>) target(%arg16 : memref<8x16xi32, #tpu.memory_space<vmem>>) target_semaphore(%run_scoped3A : memref<!tpu.dma_semaphore, #tpu.memory_space<semaphore_mem>>)
      tpu.wait_dma2 semaphore(%run_scoped3A : memref<!tpu.dma_semaphore, #tpu.memory_space<semaphore_mem>>) src(%arg6 : memref<8x16xi32, #tpu.memory_space<hbm>>) dst(%arg16 : memref<8x16xi32, #tpu.memory_space<vmem>>)
      tpu.yield
    }) : () -> ()
    %iota3A = tpu.iota {dimensions = array<i32: 0>} : vector<16xi32>
    %broadcast_in_dim3A = vector.broadcast %add3A : i32 to vector<16xi32>
    %broadcast_in_dim3A_3 = arith.constant 0 : i32
    %broadcast_in_dim3A_4 = vector.broadcast %broadcast_in_dim3A_3 : i32 to vector<16xi32>
    %broadcast_in_dim3A_5 = arith.constant 1 : i32
    %broadcast_in_dim3A_6 = vector.broadcast %broadcast_in_dim3A_5 : i32 to vector<16xi32>
    %broadcast_in_dim3A_7 = arith.constant 0 : i32
    %broadcast_in_dim3A_8 = vector.broadcast %broadcast_in_dim3A_7 : i32 to vector<16xi32>
    %lt3A = arith.cmpi slt, %broadcast_in_dim3A_8, %broadcast_in_dim3A : vector<16xi32>
    %get3A = arith.constant 0 : i32
    %get3A_9 = arith.index_cast %get3A : i32 to index
    %get3A_10 = arith.constant 0 : index
    %get3A_11 = tpu.vector_load %arg15[%get3A_9, %get3A_10] {strides = array<i32>} : memref<32x16xi32, #tpu.memory_space<vmem>>, vector<16xi32>,
    %select_n3A = arith.select %lt3A, %get3A_11, %broadcast_in_dim3A_4 : vector<16xi1>, vector<16xi32>
    %add3A_12 = arith.addi %broadcast_in_dim3A_4, %select_n3A : vector<16xi32>
    %broadcast_in_dim3A_13 = arith.constant 1 : i32
    %broadcast_in_dim3A_14 = vector.broadcast %broadcast_in_dim3A_13 : i32 to vector<16xi32>
    %lt3A_15 = arith.cmpi slt, %broadcast_in_dim3A_14, %broadcast_in_dim3A : vector<16xi32>
    %get3A_16 = arith.constant 1 : i32
    %get3A_17 = arith.index_cast %get3A_16 : i32 to index
    %get3A_18 = arith.constant 0 : index
    %get3A_19 = tpu.vector_load %arg15[%get3A_17, %get3A_18] {strides = array<i32>} : memref<32x16xi32, #tpu.memory_space<vmem>>, vector<16xi32>,
    %select_n3A_20 = arith.select %lt3A_15, %get3A_19, %broadcast_in_dim3A_4 : vector<16xi1>, vector<16xi32>
    %add3A_21 = arith.addi %add3A_12, %select_n3A_20 : vector<16xi32>
    %broadcast_in_dim3A_22 = arith.constant 2 : i32
    %broadcast_in_dim3A_23 = vector.broadcast %broadcast_in_dim3A_22 : i32 to vector<16xi32>
    %lt3A_24 = arith.cmpi slt, %broadcast_in_dim3A_23, %broadcast_in_dim3A : vector<16xi32>
    %get3A_25 = arith.constant 2 : i32
    %get3A_26 = arith.index_cast %get3A_25 : i32 to index
    %get3A_27 = arith.constant 0 : index
    %get3A_28 = tpu.vector_load %arg15[%get3A_26, %get3A_27] {strides = array<i32>} : memref<32x16xi32, #tpu.memory_space<vmem>>, vector<16xi32>,
    %select_n3A_29 = arith.select %lt3A_24, %get3A_28, %broadcast_in_dim3A_4 : vector<16xi1>, vector<16xi32>
    %add3A_30 = arith.addi %add3A_21, %select_n3A_29 : vector<16xi32>
    %broadcast_in_dim3A_31 = arith.constant 3 : i32
    %broadcast_in_dim3A_32 = vector.broadcast %broadcast_in_dim3A_31 : i32 to vector<16xi32>
    %lt3A_33 = arith.cmpi slt, %broadcast_in_dim3A_32, %broadcast_in_dim3A : vector<16xi32>
    %get3A_34 = arith.constant 3 : i32
    %get3A_35 = arith.index_cast %get3A_34 : i32 to index
    %get3A_36 = arith.constant 0 : index
    %get3A_37 = tpu.vector_load %arg15[%get3A_35, %get3A_36] {strides = array<i32>} : memref<32x16xi32, #tpu.memory_space<vmem>>, vector<16xi32>,
    %select_n3A_38 = arith.select %lt3A_33, %get3A_37, %broadcast_in_dim3A_4 : vector<16xi1>, vector<16xi32>
    %add3A_39 = arith.addi %add3A_30, %select_n3A_38 : vector<16xi32>
    %broadcast_in_dim3A_40 = arith.constant 4 : i32
    %broadcast_in_dim3A_41 = vector.broadcast %broadcast_in_dim3A_40 : i32 to vector<16xi32>
    %lt3A_42 = arith.cmpi slt, %broadcast_in_dim3A_41, %broadcast_in_dim3A : vector<16xi32>
    %get3A_43 = arith.constant 4 : i32
    %get3A_44 = arith.index_cast %get3A_43 : i32 to index
    %get3A_45 = arith.constant 0 : index
    %get3A_46 = tpu.vector_load %arg15[%get3A_44, %get3A_45] {strides = array<i32>} : memref<32x16xi32, #tpu.memory_space<vmem>>, vector<16xi32>,
    %select_n3A_47 = arith.select %lt3A_42, %get3A_46, %broadcast_in_dim3A_4 : vector<16xi1>, vector<16xi32>
    %add3A_48 = arith.addi %add3A_39, %select_n3A_47 : vector<16xi32>
    %broadcast_in_dim3A_49 = arith.constant 5 : i32
    %broadcast_in_dim3A_50 = vector.broadcast %broadcast_in_dim3A_49 : i32 to vector<16xi32>
    %lt3A_51 = arith.cmpi slt, %broadcast_in_dim3A_50, %broadcast_in_dim3A : vector<16xi32>
    %get3A_52 = arith.constant 5 : i32
    %get3A_53 = arith.index_cast %get3A_52 : i32 to index
    %get3A_54 = arith.constant 0 : index
    %get3A_55 = tpu.vector_load %arg15[%get3A_53, %get3A_54] {strides = array<i32>} : memref<32x16xi32, #tpu.memory_space<vmem>>, vector<16xi32>,
    %select_n3A_56 = arith.select %lt3A_51, %get3A_55, %broadcast_in_dim3A_4 : vector<16xi1>, vector<16xi32>
    %add3A_57 = arith.addi %add3A_48, %select_n3A_56 : vector<16xi32>
    %broadcast_in_dim3A_58 = arith.constant 6 : i32
    %broadcast_in_dim3A_59 = vector.broadcast %broadcast_in_dim3A_58 : i32 to vector<16xi32>
    %lt3A_60 = arith.cmpi slt, %broadcast_in_dim3A_59, %broadcast_in_dim3A : vector<16xi32>
    %get3A_61 = arith.constant 6 : i32
    %get3A_62 = arith.index_cast %get3A_61 : i32 to index
    %get3A_63 = arith.constant 0 : index
    %get3A_64 = tpu.vector_load %arg15[%get3A_62, %get3A_63] {strides = array<i32>} : memref<32x16xi32, #tpu.memory_space<vmem>>, vector<16xi32>,
    %select_n3A_65 = arith.select %lt3A_60, %get3A_64, %broadcast_in_dim3A_4 : vector<16xi1>, vector<16xi32>
    %add3A_66 = arith.addi %add3A_57, %select_n3A_65 : vector<16xi32>
    %broadcast_in_dim3A_67 = arith.constant 7 : i32
    %broadcast_in_dim3A_68 = vector.broadcast %broadcast_in_dim3A_67 : i32 to vector<16xi32>
    %lt3A_69 = arith.cmpi slt, %broadcast_in_dim3A_68, %broadcast_in_dim3A : vector<16xi32>
    %get3A_70 = arith.constant 7 : i32
    %get3A_71 = arith.index_cast %get3A_70 : i32 to index
    %get3A_72 = arith.constant 0 : index
    %get3A_73 = tpu.vector_load %arg15[%get3A_71, %get3A_72] {strides = array<i32>} : memref<32x16xi32, #tpu.memory_space<vmem>>, vector<16xi32>,
    %select_n3A_74 = arith.select %lt3A_69, %get3A_73, %broadcast_in_dim3A_4 : vector<16xi1>, vector<16xi32>
    %add3A_75 = arith.addi %add3A_66, %select_n3A_74 : vector<16xi32>
    %broadcast_in_dim3A_76 = arith.constant 8 : i32
    %broadcast_in_dim3A_77 = vector.broadcast %broadcast_in_dim3A_76 : i32 to vector<16xi32>
    %lt3A_78 = arith.cmpi slt, %broadcast_in_dim3A_77, %broadcast_in_dim3A : vector<16xi32>
    %get3A_79 = arith.constant 8 : i32
    %get3A_80 = arith.index_cast %get3A_79 : i32 to index
    %get3A_81 = arith.constant 0 : index
    %get3A_82 = tpu.vector_load %arg15[%get3A_80, %get3A_81] {strides = array<i32>} : memref<32x16xi32, #tpu.memory_space<vmem>>, vector<16xi32>,
    %select_n3A_83 = arith.select %lt3A_78, %get3A_82, %broadcast_in_dim3A_4 : vector<16xi1>, vector<16xi32>
    %add3A_84 = arith.addi %add3A_75, %select_n3A_83 : vector<16xi32>
    %broadcast_in_dim3A_85 = arith.constant 9 : i32
    %broadcast_in_dim3A_86 = vector.broadcast %broadcast_in_dim3A_85 : i32 to vector<16xi32>
    %lt3A_87 = arith.cmpi slt, %broadcast_in_dim3A_86, %broadcast_in_dim3A : vector<16xi32>
    %get3A_88 = arith.constant 9 : i32
    %get3A_89 = arith.index_cast %get3A_88 : i32 to index
    %get3A_90 = arith.constant 0 : index
    %get3A_91 = tpu.vector_load %arg15[%get3A_89, %get3A_90] {strides = array<i32>} : memref<32x16xi32, #tpu.memory_space<vmem>>, vector<16xi32>,
    %select_n3A_92 = arith.select %lt3A_87, %get3A_91, %broadcast_in_dim3A_4 : vector<16xi1>, vector<16xi32>
    %add3A_93 = arith.addi %add3A_84, %select_n3A_92 : vector<16xi32>
    %broadcast_in_dim3A_94 = arith.constant 10 : i32
    %broadcast_in_dim3A_95 = vector.broadcast %broadcast_in_dim3A_94 : i32 to vector<16xi32>
    %lt3A_96 = arith.cmpi slt, %broadcast_in_dim3A_95, %broadcast_in_dim3A : vector<16xi32>
    %get3A_97 = arith.constant 10 : i32
    %get3A_98 = arith.index_cast %get3A_97 : i32 to index
    %get3A_99 = arith.constant 0 : index
    %get3A_100 = tpu.vector_load %arg15[%get3A_98, %get3A_99] {strides = array<i32>} : memref<32x16xi32, #tpu.memory_space<vmem>>, vector<16xi32>,
    %select_n3A_101 = arith.select %lt3A_96, %get3A_100, %broadcast_in_dim3A_4 : vector<16xi1>, vector<16xi32>
    %add3A_102 = arith.addi %add3A_93, %select_n3A_101 : vector<16xi32>
    %broadcast_in_dim3A_103 = arith.constant 11 : i32
    %broadcast_in_dim3A_104 = vector.broadcast %broadcast_in_dim3A_103 : i32 to vector<16xi32>
    %lt3A_105 = arith.cmpi slt, %broadcast_in_dim3A_104, %broadcast_in_dim3A : vector<16xi32>
    %get3A_106 = arith.constant 11 : i32
    %get3A_107 = arith.index_cast %get3A_106 : i32 to index
    %get3A_108 = arith.constant 0 : index
    %get3A_109 = tpu.vector_load %arg15[%get3A_107, %get3A_108] {strides = array<i32>} : memref<32x16xi32, #tpu.memory_space<vmem>>, vector<16xi32>,
    %select_n3A_110 = arith.select %lt3A_105, %get3A_109, %broadcast_in_dim3A_4 : vector<16xi1>, vector<16xi32>
    %add3A_111 = arith.addi %add3A_102, %select_n3A_110 : vector<16xi32>
    %broadcast_in_dim3A_112 = arith.constant 12 : i32
    %broadcast_in_dim3A_113 = vector.broadcast %broadcast_in_dim3A_112 : i32 to vector<16xi32>
    %lt3A_114 = arith.cmpi slt, %broadcast_in_dim3A_113, %broadcast_in_dim3A : vector<16xi32>
    %get3A_115 = arith.constant 12 : i32
    %get3A_116 = arith.index_cast %get3A_115 : i32 to index
    %get3A_117 = arith.constant 0 : index
    %get3A_118 = tpu.vector_load %arg15[%get3A_116, %get3A_117] {strides = array<i32>} : memref<32x16xi32, #tpu.memory_space<vmem>>, vector<16xi32>,
    %select_n3A_119 = arith.select %lt3A_114, %get3A_118, %broadcast_in_dim3A_4 : vector<16xi1>, vector<16xi32>
    %add3A_120 = arith.addi %add3A_111, %select_n3A_119 : vector<16xi32>
    %broadcast_in_dim3A_121 = arith.constant 13 : i32
    %broadcast_in_dim3A_122 = vector.broadcast %broadcast_in_dim3A_121 : i32 to vector<16xi32>
    %lt3A_123 = arith.cmpi slt, %broadcast_in_dim3A_122, %broadcast_in_dim3A : vector<16xi32>
    %get3A_124 = arith.constant 13 : i32
    %get3A_125 = arith.index_cast %get3A_124 : i32 to index
    %get3A_126 = arith.constant 0 : index
    %get3A_127 = tpu.vector_load %arg15[%get3A_125, %get3A_126] {strides = array<i32>} : memref<32x16xi32, #tpu.memory_space<vmem>>, vector<16xi32>,
    %select_n3A_128 = arith.select %lt3A_123, %get3A_127, %broadcast_in_dim3A_4 : vector<16xi1>, vector<16xi32>
    %add3A_129 = arith.addi %add3A_120, %select_n3A_128 : vector<16xi32>
    %broadcast_in_dim3A_130 = arith.constant 14 : i32
    %broadcast_in_dim3A_131 = vector.broadcast %broadcast_in_dim3A_130 : i32 to vector<16xi32>
    %lt3A_132 = arith.cmpi slt, %broadcast_in_dim3A_131, %broadcast_in_dim3A : vector<16xi32>
    %get3A_133 = arith.constant 14 : i32
    %get3A_134 = arith.index_cast %get3A_133 : i32 to index
    %get3A_135 = arith.constant 0 : index
    %get3A_136 = tpu.vector_load %arg15[%get3A_134, %get3A_135] {strides = array<i32>} : memref<32x16xi32, #tpu.memory_space<vmem>>, vector<16xi32>,
    %select_n3A_137 = arith.select %lt3A_132, %get3A_136, %broadcast_in_dim3A_4 : vector<16xi1>, vector<16xi32>
    %add3A_138 = arith.addi %add3A_129, %select_n3A_137 : vector<16xi32>
    %broadcast_in_dim3A_139 = arith.constant 15 : i32
    %broadcast_in_dim3A_140 = vector.broadcast %broadcast_in_dim3A_139 : i32 to vector<16xi32>
    %lt3A_141 = arith.cmpi slt, %broadcast_in_dim3A_140, %broadcast_in_dim3A : vector<16xi32>
    %get3A_142 = arith.constant 15 : i32
    %get3A_143 = arith.index_cast %get3A_142 : i32 to index
    %get3A_144 = arith.constant 0 : index
    %get3A_145 = tpu.vector_load %arg15[%get3A_143, %get3A_144] {strides = array<i32>} : memref<32x16xi32, #tpu.memory_space<vmem>>, vector<16xi32>,
    %select_n3A_146 = arith.select %lt3A_141, %get3A_145, %broadcast_in_dim3A_4 : vector<16xi1>, vector<16xi32>
    %add3A_147 = arith.addi %add3A_138, %select_n3A_146 : vector<16xi32>
    %broadcast_in_dim3A_148 = arith.constant 16 : i32
    %broadcast_in_dim3A_149 = vector.broadcast %broadcast_in_dim3A_148 : i32 to vector<16xi32>
    %lt3A_150 = arith.cmpi slt, %broadcast_in_dim3A_149, %broadcast_in_dim3A : vector<16xi32>
    %get3A_151 = arith.constant 16 : i32
    %get3A_152 = arith.index_cast %get3A_151 : i32 to index
    %get3A_153 = arith.constant 0 : index
    %get3A_154 = tpu.vector_load %arg15[%get3A_152, %get3A_153] {strides = array<i32>} : memref<32x16xi32, #tpu.memory_space<vmem>>, vector<16xi32>,
    %select_n3A_155 = arith.select %lt3A_150, %get3A_154, %broadcast_in_dim3A_4 : vector<16xi1>, vector<16xi32>
    %add3A_156 = arith.addi %add3A_147, %select_n3A_155 : vector<16xi32>
    %broadcast_in_dim3A_157 = arith.constant 17 : i32
    %broadcast_in_dim3A_158 = vector.broadcast %broadcast_in_dim3A_157 : i32 to vector<16xi32>
    %lt3A_159 = arith.cmpi slt, %broadcast_in_dim3A_158, %broadcast_in_dim3A : vector<16xi32>
    %get3A_160 = arith.constant 17 : i32
    %get3A_161 = arith.index_cast %get3A_160 : i32 to index
    %get3A_162 = arith.constant 0 : index
    %get3A_163 = tpu.vector_load %arg15[%get3A_161, %get3A_162] {strides = array<i32>} : memref<32x16xi32, #tpu.memory_space<vmem>>, vector<16xi32>,
    %select_n3A_164 = arith.select %lt3A_159, %get3A_163, %broadcast_in_dim3A_4 : vector<16xi1>, vector<16xi32>
    %add3A_165 = arith.addi %add3A_156, %select_n3A_164 : vector<16xi32>
    %broadcast_in_dim3A_166 = arith.constant 18 : i32
    %broadcast_in_dim3A_167 = vector.broadcast %broadcast_in_dim3A_166 : i32 to vector<16xi32>
    %lt3A_168 = arith.cmpi slt, %broadcast_in_dim3A_167, %broadcast_in_dim3A : vector<16xi32>
    %get3A_169 = arith.constant 18 : i32
    %get3A_170 = arith.index_cast %get3A_169 : i32 to index
    %get3A_171 = arith.constant 0 : index
    %get3A_172 = tpu.vector_load %arg15[%get3A_170, %get3A_171] {strides = array<i32>} : memref<32x16xi32, #tpu.memory_space<vmem>>, vector<16xi32>,
    %select_n3A_173 = arith.select %lt3A_168, %get3A_172, %broadcast_in_dim3A_4 : vector<16xi1>, vector<16xi32>
    %add3A_174 = arith.addi %add3A_165, %select_n3A_173 : vector<16xi32>
    %broadcast_in_dim3A_175 = arith.constant 19 : i32
    %broadcast_in_dim3A_176 = vector.broadcast %broadcast_in_dim3A_175 : i32 to vector<16xi32>
    %lt3A_177 = arith.cmpi slt, %broadcast_in_dim3A_176, %broadcast_in_dim3A : vector<16xi32>
    %get3A_178 = arith.constant 19 : i32
    %get3A_179 = arith.index_cast %get3A_178 : i32 to index
    %get3A_180 = arith.constant 0 : index
    %get3A_181 = tpu.vector_load %arg15[%get3A_179, %get3A_180] {strides = array<i32>} : memref<32x16xi32, #tpu.memory_space<vmem>>, vector<16xi32>,
    %select_n3A_182 = arith.select %lt3A_177, %get3A_181, %broadcast_in_dim3A_4 : vector<16xi1>, vector<16xi32>
    %add3A_183 = arith.addi %add3A_174, %select_n3A_182 : vector<16xi32>
    %broadcast_in_dim3A_184 = arith.constant 20 : i32
    %broadcast_in_dim3A_185 = vector.broadcast %broadcast_in_dim3A_184 : i32 to vector<16xi32>
    %lt3A_186 = arith.cmpi slt, %broadcast_in_dim3A_185, %broadcast_in_dim3A : vector<16xi32>
    %get3A_187 = arith.constant 20 : i32
    %get3A_188 = arith.index_cast %get3A_187 : i32 to index
    %get3A_189 = arith.constant 0 : index
    %get3A_190 = tpu.vector_load %arg15[%get3A_188, %get3A_189] {strides = array<i32>} : memref<32x16xi32, #tpu.memory_space<vmem>>, vector<16xi32>,
    %select_n3A_191 = arith.select %lt3A_186, %get3A_190, %broadcast_in_dim3A_4 : vector<16xi1>, vector<16xi32>
    %add3A_192 = arith.addi %add3A_183, %select_n3A_191 : vector<16xi32>
    %broadcast_in_dim3A_193 = arith.constant 21 : i32
    %broadcast_in_dim3A_194 = vector.broadcast %broadcast_in_dim3A_193 : i32 to vector<16xi32>
    %lt3A_195 = arith.cmpi slt, %broadcast_in_dim3A_194, %broadcast_in_dim3A : vector<16xi32>
    %get3A_196 = arith.constant 21 : i32
    %get3A_197 = arith.index_cast %get3A_196 : i32 to index
    %get3A_198 = arith.constant 0 : index
    %get3A_199 = tpu.vector_load %arg15[%get3A_197, %get3A_198] {strides = array<i32>} : memref<32x16xi32, #tpu.memory_space<vmem>>, vector<16xi32>,
    %select_n3A_200 = arith.select %lt3A_195, %get3A_199, %broadcast_in_dim3A_4 : vector<16xi1>, vector<16xi32>
    %add3A_201 = arith.addi %add3A_192, %select_n3A_200 : vector<16xi32>
    %broadcast_in_dim3A_202 = arith.constant 22 : i32
    %broadcast_in_dim3A_203 = vector.broadcast %broadcast_in_dim3A_202 : i32 to vector<16xi32>
    %lt3A_204 = arith.cmpi slt, %broadcast_in_dim3A_203, %broadcast_in_dim3A : vector<16xi32>
    %get3A_205 = arith.constant 22 : i32
    %get3A_206 = arith.index_cast %get3A_205 : i32 to index
    %get3A_207 = arith.constant 0 : index
    %get3A_208 = tpu.vector_load %arg15[%get3A_206, %get3A_207] {strides = array<i32>} : memref<32x16xi32, #tpu.memory_space<vmem>>, vector<16xi32>,
    %select_n3A_209 = arith.select %lt3A_204, %get3A_208, %broadcast_in_dim3A_4 : vector<16xi1>, vector<16xi32>
    %add3A_210 = arith.addi %add3A_201, %select_n3A_209 : vector<16xi32>
    %broadcast_in_dim3A_211 = arith.constant 23 : i32
    %broadcast_in_dim3A_212 = vector.broadcast %broadcast_in_dim3A_211 : i32 to vector<16xi32>
    %lt3A_213 = arith.cmpi slt, %broadcast_in_dim3A_212, %broadcast_in_dim3A : vector<16xi32>
    %get3A_214 = arith.constant 23 : i32
    %get3A_215 = arith.index_cast %get3A_214 : i32 to index
    %get3A_216 = arith.constant 0 : index
    %get3A_217 = tpu.vector_load %arg15[%get3A_215, %get3A_216] {strides = array<i32>} : memref<32x16xi32, #tpu.memory_space<vmem>>, vector<16xi32>,
    %select_n3A_218 = arith.select %lt3A_213, %get3A_217, %broadcast_in_dim3A_4 : vector<16xi1>, vector<16xi32>
    %add3A_219 = arith.addi %add3A_210, %select_n3A_218 : vector<16xi32>
    %broadcast_in_dim3A_220 = arith.constant 24 : i32
    %broadcast_in_dim3A_221 = vector.broadcast %broadcast_in_dim3A_220 : i32 to vector<16xi32>
    %lt3A_222 = arith.cmpi slt, %broadcast_in_dim3A_221, %broadcast_in_dim3A : vector<16xi32>
    %get3A_223 = arith.constant 24 : i32
    %get3A_224 = arith.index_cast %get3A_223 : i32 to index
    %get3A_225 = arith.constant 0 : index
    %get3A_226 = tpu.vector_load %arg15[%get3A_224, %get3A_225] {strides = array<i32>} : memref<32x16xi32, #tpu.memory_space<vmem>>, vector<16xi32>,
    %select_n3A_227 = arith.select %lt3A_222, %get3A_226, %broadcast_in_dim3A_4 : vector<16xi1>, vector<16xi32>
    %add3A_228 = arith.addi %add3A_219, %select_n3A_227 : vector<16xi32>
    %broadcast_in_dim3A_229 = arith.constant 25 : i32
    %broadcast_in_dim3A_230 = vector.broadcast %broadcast_in_dim3A_229 : i32 to vector<16xi32>
    %lt3A_231 = arith.cmpi slt, %broadcast_in_dim3A_230, %broadcast_in_dim3A : vector<16xi32>
    %get3A_232 = arith.constant 25 : i32
    %get3A_233 = arith.index_cast %get3A_232 : i32 to index
    %get3A_234 = arith.constant 0 : index
    %get3A_235 = tpu.vector_load %arg15[%get3A_233, %get3A_234] {strides = array<i32>} : memref<32x16xi32, #tpu.memory_space<vmem>>, vector<16xi32>,
    %select_n3A_236 = arith.select %lt3A_231, %get3A_235, %broadcast_in_dim3A_4 : vector<16xi1>, vector<16xi32>
    %add3A_237 = arith.addi %add3A_228, %select_n3A_236 : vector<16xi32>
    %broadcast_in_dim3A_238 = arith.constant 26 : i32
    %broadcast_in_dim3A_239 = vector.broadcast %broadcast_in_dim3A_238 : i32 to vector<16xi32>
    %lt3A_240 = arith.cmpi slt, %broadcast_in_dim3A_239, %broadcast_in_dim3A : vector<16xi32>
    %get3A_241 = arith.constant 26 : i32
    %get3A_242 = arith.index_cast %get3A_241 : i32 to index
    %get3A_243 = arith.constant 0 : index
    %get3A_244 = tpu.vector_load %arg15[%get3A_242, %get3A_243] {strides = array<i32>} : memref<32x16xi32, #tpu.memory_space<vmem>>, vector<16xi32>,
    %select_n3A_245 = arith.select %lt3A_240, %get3A_244, %broadcast_in_dim3A_4 : vector<16xi1>, vector<16xi32>
    %add3A_246 = arith.addi %add3A_237, %select_n3A_245 : vector<16xi32>
    %broadcast_in_dim3A_247 = arith.constant 27 : i32
    %broadcast_in_dim3A_248 = vector.broadcast %broadcast_in_dim3A_247 : i32 to vector<16xi32>
    %lt3A_249 = arith.cmpi slt, %broadcast_in_dim3A_248, %broadcast_in_dim3A : vector<16xi32>
    %get3A_250 = arith.constant 27 : i32
    %get3A_251 = arith.index_cast %get3A_250 : i32 to index
    %get3A_252 = arith.constant 0 : index
    %get3A_253 = tpu.vector_load %arg15[%get3A_251, %get3A_252] {strides = array<i32>} : memref<32x16xi32, #tpu.memory_space<vmem>>, vector<16xi32>,
    %select_n3A_254 = arith.select %lt3A_249, %get3A_253, %broadcast_in_dim3A_4 : vector<16xi1>, vector<16xi32>
    %add3A_255 = arith.addi %add3A_246, %select_n3A_254 : vector<16xi32>
    %broadcast_in_dim3A_256 = arith.constant 28 : i32
    %broadcast_in_dim3A_257 = vector.broadcast %broadcast_in_dim3A_256 : i32 to vector<16xi32>
    %lt3A_258 = arith.cmpi slt, %broadcast_in_dim3A_257, %broadcast_in_dim3A : vector<16xi32>
    %get3A_259 = arith.constant 28 : i32
    %get3A_260 = arith.index_cast %get3A_259 : i32 to index
    %get3A_261 = arith.constant 0 : index
    %get3A_262 = tpu.vector_load %arg15[%get3A_260, %get3A_261] {strides = array<i32>} : memref<32x16xi32, #tpu.memory_space<vmem>>, vector<16xi32>,
    %select_n3A_263 = arith.select %lt3A_258, %get3A_262, %broadcast_in_dim3A_4 : vector<16xi1>, vector<16xi32>
    %add3A_264 = arith.addi %add3A_255, %select_n3A_263 : vector<16xi32>
    %broadcast_in_dim3A_265 = arith.constant 29 : i32
    %broadcast_in_dim3A_266 = vector.broadcast %broadcast_in_dim3A_265 : i32 to vector<16xi32>
    %lt3A_267 = arith.cmpi slt, %broadcast_in_dim3A_266, %broadcast_in_dim3A : vector<16xi32>
    %get3A_268 = arith.constant 29 : i32
    %get3A_269 = arith.index_cast %get3A_268 : i32 to index
    %get3A_270 = arith.constant 0 : index
    %get3A_271 = tpu.vector_load %arg15[%get3A_269, %get3A_270] {strides = array<i32>} : memref<32x16xi32, #tpu.memory_space<vmem>>, vector<16xi32>,
    %select_n3A_272 = arith.select %lt3A_267, %get3A_271, %broadcast_in_dim3A_4 : vector<16xi1>, vector<16xi32>
    %add3A_273 = arith.addi %add3A_264, %select_n3A_272 : vector<16xi32>
    %broadcast_in_dim3A_274 = arith.constant 30 : i32
    %broadcast_in_dim3A_275 = vector.broadcast %broadcast_in_dim3A_274 : i32 to vector<16xi32>
    %lt3A_276 = arith.cmpi slt, %broadcast_in_dim3A_275, %broadcast_in_dim3A : vector<16xi32>
    %get3A_277 = arith.constant 30 : i32
    %get3A_278 = arith.index_cast %get3A_277 : i32 to index
    %get3A_279 = arith.constant 0 : index
    %get3A_280 = tpu.vector_load %arg15[%get3A_278, %get3A_279] {strides = array<i32>} : memref<32x16xi32, #tpu.memory_space<vmem>>, vector<16xi32>,
    %select_n3A_281 = arith.select %lt3A_276, %get3A_280, %broadcast_in_dim3A_4 : vector<16xi1>, vector<16xi32>
    %add3A_282 = arith.addi %add3A_273, %select_n3A_281 : vector<16xi32>
    %broadcast_in_dim3A_283 = arith.constant 31 : i32
    %broadcast_in_dim3A_284 = vector.broadcast %broadcast_in_dim3A_283 : i32 to vector<16xi32>
    %lt3A_285 = arith.cmpi slt, %broadcast_in_dim3A_284, %broadcast_in_dim3A : vector<16xi32>
    %get3A_286 = arith.constant 31 : i32
    %get3A_287 = arith.index_cast %get3A_286 : i32 to index
    %get3A_288 = arith.constant 0 : index
    %get3A_289 = tpu.vector_load %arg15[%get3A_287, %get3A_288] {strides = array<i32>} : memref<32x16xi32, #tpu.memory_space<vmem>>, vector<16xi32>,
    %select_n3A_290 = arith.select %lt3A_285, %get3A_289, %broadcast_in_dim3A_4 : vector<16xi1>, vector<16xi32>
    %add3A_291 = arith.addi %add3A_282, %select_n3A_290 : vector<16xi32>
    %get3A_292 = arith.constant 2 : i32
    %get3A_293 = arith.index_cast %get3A_292 : i32 to index
    %get3A_294 = arith.constant 0 : index
    %get3A_295 = tpu.vector_load %arg16[%get3A_293, %get3A_294] {strides = array<i32>} : memref<8x16xi32, #tpu.memory_space<vmem>>, vector<16xi32>,
    %add3A_296 = arith.addi %get3A_295, %add3A_291 : vector<16xi32>
    %swap3A = arith.constant 0 : index
    %swap3A_297 = tpu.vector_load %arg17[%swap3A] {strides = array<i32>} : memref<16xi32, #tpu.memory_space<vmem>>, vector<16xi32>,
    tpu.vector_store %arg17[%swap3A], %add3A_296 {strides = array<i32>} : memref<16xi32, #tpu.memory_space<vmem>>, vector<16xi32>,
    %get3A_298 = arith.constant 0 : index
    %get3A_299 = tpu.vector_load %arg13[%get3A_298] {strides = array<i32>} : memref<64xi32, #tpu.memory_space<vmem>>, vector<16xi32>,
    %gather3A = tpu.vector_load_idx %arg17[%get3A_299] : memref<16xi32, #tpu.memory_space<vmem>>[vector<16xi32>], vector<16xi32>,
    %get3A_300 = arith.constant 0 : index
    %get3A_301 = tpu.vector_load %arg17[%get3A_300] {strides = array<i32>} : memref<16xi32, #tpu.memory_space<vmem>>, vector<16xi32>,
    %eq3A = arith.constant 0 : i32
    %eq3A_302 = vector.broadcast %eq3A : i32 to vector<16xi32>
    %eq3A_303 = arith.cmpi eq, %get3A_299, %eq3A_302 : vector<16xi32>
    %select_n3A_304 = arith.select %eq3A_303, %broadcast_in_dim3A_6, %broadcast_in_dim3A_4 : vector<16xi1>, vector<16xi32>
    %broadcast_in_dim3A_305 = arith.constant true
    %broadcast_in_dim3A_306 = vector.broadcast %broadcast_in_dim3A_305 : i1 to vector<16xi1>
    %masked_cumsum3A = tpu.scan <sum>, %select_n3A_304 masked %broadcast_in_dim3A_306 : vector<16xi32>, vector<16xi1> -> vector<16xi32>
    %sub3A = arith.constant 1 : i32
    %sub3A_307 = vector.broadcast %sub3A : i32 to vector<16xi32>
    %sub3A_308 = arith.subi %masked_cumsum3A, %sub3A_307 : vector<16xi32>
    %select_n3A_309 = arith.select %eq3A_303, %sub3A_308, %broadcast_in_dim3A_4 : vector<16xi1>, vector<16xi32>
    %all_reduce_population_count3A = tpu.all_reduce %eq3A_303 {dim = 0 : i64, kind = #tpu.reduction_kind<sum>} : vector<16xi1> -> vector<16xi32>
    %eq3A_310 = arith.constant 0 : i32
    %eq3A_311 = vector.broadcast %eq3A_310 : i32 to vector<16xi32>
    %eq3A_312 = arith.cmpi eq, %iota3A, %eq3A_311 : vector<16xi32>
    %add3A_313 = arith.addi %get3A_301, %all_reduce_population_count3A : vector<16xi32>
    %select_n3A_314 = arith.select %eq3A_312, %add3A_313, %get3A_301 : vector<16xi1>, vector<16xi32>
    %eq3A_315 = arith.constant 1 : i32
    %eq3A_316 = vector.broadcast %eq3A_315 : i32 to vector<16xi32>
    %eq3A_317 = arith.cmpi eq, %get3A_299, %eq3A_316 : vector<16xi32>
    %select_n3A_318 = arith.select %eq3A_317, %broadcast_in_dim3A_6, %broadcast_in_dim3A_4 : vector<16xi1>, vector<16xi32>
    %broadcast_in_dim3A_319 = arith.constant true
    %broadcast_in_dim3A_320 = vector.broadcast %broadcast_in_dim3A_319 : i1 to vector<16xi1>
    %masked_cumsum3A_321 = tpu.scan <sum>, %select_n3A_318 masked %broadcast_in_dim3A_320 : vector<16xi32>, vector<16xi1> -> vector<16xi32>
    %sub3A_322 = arith.constant 1 : i32
    %sub3A_323 = vector.broadcast %sub3A_322 : i32 to vector<16xi32>
    %sub3A_324 = arith.subi %masked_cumsum3A_321, %sub3A_323 : vector<16xi32>
    %select_n3A_325 = arith.select %eq3A_317, %sub3A_324, %select_n3A_309 : vector<16xi1>, vector<16xi32>
    %all_reduce_population_count3A_326 = tpu.all_reduce %eq3A_317 {dim = 0 : i64, kind = #tpu.reduction_kind<sum>} : vector<16xi1> -> vector<16xi32>
    %eq3A_327 = arith.constant 1 : i32
    %eq3A_328 = vector.broadcast %eq3A_327 : i32 to vector<16xi32>
    %eq3A_329 = arith.cmpi eq, %iota3A, %eq3A_328 : vector<16xi32>
    %add3A_330 = arith.addi %select_n3A_314, %all_reduce_population_count3A_326 : vector<16xi32>
    %select_n3A_331 = arith.select %eq3A_329, %add3A_330, %select_n3A_314 : vector<16xi1>, vector<16xi32>
    %eq3A_332 = arith.constant 2 : i32
    %eq3A_333 = vector.broadcast %eq3A_332 : i32 to vector<16xi32>
    %eq3A_334 = arith.cmpi eq, %get3A_299, %eq3A_333 : vector<16xi32>
    %select_n3A_335 = arith.select %eq3A_334, %broadcast_in_dim3A_6, %broadcast_in_dim3A_4 : vector<16xi1>, vector<16xi32>
    %broadcast_in_dim3A_336 = arith.constant true
    %broadcast_in_dim3A_337 = vector.broadcast %broadcast_in_dim3A_336 : i1 to vector<16xi1>
    %masked_cumsum3A_338 = tpu.scan <sum>, %select_n3A_335 masked %broadcast_in_dim3A_337 : vector<16xi32>, vector<16xi1> -> vector<16xi32>
    %sub3A_339 = arith.constant 1 : i32
    %sub3A_340 = vector.broadcast %sub3A_339 : i32 to vector<16xi32>
    %sub3A_341 = arith.subi %masked_cumsum3A_338, %sub3A_340 : vector<16xi32>
    %select_n3A_342 = arith.select %eq3A_334, %sub3A_341, %select_n3A_325 : vector<16xi1>, vector<16xi32>
    %all_reduce_population_count3A_343 = tpu.all_reduce %eq3A_334 {dim = 0 : i64, kind = #tpu.reduction_kind<sum>} : vector<16xi1> -> vector<16xi32>
    %eq3A_344 = arith.constant 2 : i32
    %eq3A_345 = vector.broadcast %eq3A_344 : i32 to vector<16xi32>
    %eq3A_346 = arith.cmpi eq, %iota3A, %eq3A_345 : vector<16xi32>
    %add3A_347 = arith.addi %select_n3A_331, %all_reduce_population_count3A_343 : vector<16xi32>
    %select_n3A_348 = arith.select %eq3A_346, %add3A_347, %select_n3A_331 : vector<16xi1>, vector<16xi32>
    %eq3A_349 = arith.constant 3 : i32
    %eq3A_350 = vector.broadcast %eq3A_349 : i32 to vector<16xi32>
    %eq3A_351 = arith.cmpi eq, %get3A_299, %eq3A_350 : vector<16xi32>
    %select_n3A_352 = arith.select %eq3A_351, %broadcast_in_dim3A_6, %broadcast_in_dim3A_4 : vector<16xi1>, vector<16xi32>
    %broadcast_in_dim3A_353 = arith.constant true
    %broadcast_in_dim3A_354 = vector.broadcast %broadcast_in_dim3A_353 : i1 to vector<16xi1>
    %masked_cumsum3A_355 = tpu.scan <sum>, %select_n3A_352 masked %broadcast_in_dim3A_354 : vector<16xi32>, vector<16xi1> -> vector<16xi32>
    %sub3A_356 = arith.constant 1 : i32
    %sub3A_357 = vector.broadcast %sub3A_356 : i32 to vector<16xi32>
    %sub3A_358 = arith.subi %masked_cumsum3A_355, %sub3A_357 : vector<16xi32>
    %select_n3A_359 = arith.select %eq3A_351, %sub3A_358, %select_n3A_342 : vector<16xi1>, vector<16xi32>
    %all_reduce_population_count3A_360 = tpu.all_reduce %eq3A_351 {dim = 0 : i64, kind = #tpu.reduction_kind<sum>} : vector<16xi1> -> vector<16xi32>
    %eq3A_361 = arith.constant 3 : i32
    %eq3A_362 = vector.broadcast %eq3A_361 : i32 to vector<16xi32>
    %eq3A_363 = arith.cmpi eq, %iota3A, %eq3A_362 : vector<16xi32>
    %add3A_364 = arith.addi %select_n3A_348, %all_reduce_population_count3A_360 : vector<16xi32>
    %select_n3A_365 = arith.select %eq3A_363, %add3A_364, %select_n3A_348 : vector<16xi1>, vector<16xi32>
    %eq3A_366 = arith.constant 4 : i32
    %eq3A_367 = vector.broadcast %eq3A_366 : i32 to vector<16xi32>
    %eq3A_368 = arith.cmpi eq, %get3A_299, %eq3A_367 : vector<16xi32>
    %select_n3A_369 = arith.select %eq3A_368, %broadcast_in_dim3A_6, %broadcast_in_dim3A_4 : vector<16xi1>, vector<16xi32>
    %broadcast_in_dim3A_370 = arith.constant true
    %broadcast_in_dim3A_371 = vector.broadcast %broadcast_in_dim3A_370 : i1 to vector<16xi1>
    %masked_cumsum3A_372 = tpu.scan <sum>, %select_n3A_369 masked %broadcast_in_dim3A_371 : vector<16xi32>, vector<16xi1> -> vector<16xi32>
    %sub3A_373 = arith.constant 1 : i32
    %sub3A_374 = vector.broadcast %sub3A_373 : i32 to vector<16xi32>
    %sub3A_375 = arith.subi %masked_cumsum3A_372, %sub3A_374 : vector<16xi32>
    %select_n3A_376 = arith.select %eq3A_368, %sub3A_375, %select_n3A_359 : vector<16xi1>, vector<16xi32>
    %all_reduce_population_count3A_377 = tpu.all_reduce %eq3A_368 {dim = 0 : i64, kind = #tpu.reduction_kind<sum>} : vector<16xi1> -> vector<16xi32>
    %eq3A_378 = arith.constant 4 : i32
    %eq3A_379 = vector.broadcast %eq3A_378 : i32 to vector<16xi32>
    %eq3A_380 = arith.cmpi eq, %iota3A, %eq3A_379 : vector<16xi32>
    %add3A_381 = arith.addi %select_n3A_365, %all_reduce_population_count3A_377 : vector<16xi32>
    %select_n3A_382 = arith.select %eq3A_380, %add3A_381, %select_n3A_365 : vector<16xi1>, vector<16xi32>
    %eq3A_383 = arith.constant 5 : i32
    %eq3A_384 = vector.broadcast %eq3A_383 : i32 to vector<16xi32>
    %eq3A_385 = arith.cmpi eq, %get3A_299, %eq3A_384 : vector<16xi32>
    %select_n3A_386 = arith.select %eq3A_385, %broadcast_in_dim3A_6, %broadcast_in_dim3A_4 : vector<16xi1>, vector<16xi32>
    %broadcast_in_dim3A_387 = arith.constant true
    %broadcast_in_dim3A_388 = vector.broadcast %broadcast_in_dim3A_387 : i1 to vector<16xi1>
    %masked_cumsum3A_389 = tpu.scan <sum>, %select_n3A_386 masked %broadcast_in_dim3A_388 : vector<16xi32>, vector<16xi1> -> vector<16xi32>
    %sub3A_390 = arith.constant 1 : i32
    %sub3A_391 = vector.broadcast %sub3A_390 : i32 to vector<16xi32>
    %sub3A_392 = arith.subi %masked_cumsum3A_389, %sub3A_391 : vector<16xi32>
    %select_n3A_393 = arith.select %eq3A_385, %sub3A_392, %select_n3A_376 : vector<16xi1>, vector<16xi32>
    %all_reduce_population_count3A_394 = tpu.all_reduce %eq3A_385 {dim = 0 : i64, kind = #tpu.reduction_kind<sum>} : vector<16xi1> -> vector<16xi32>
    %eq3A_395 = arith.constant 5 : i32
    %eq3A_396 = vector.broadcast %eq3A_395 : i32 to vector<16xi32>
    %eq3A_397 = arith.cmpi eq, %iota3A, %eq3A_396 : vector<16xi32>
    %add3A_398 = arith.addi %select_n3A_382, %all_reduce_population_count3A_394 : vector<16xi32>
    %select_n3A_399 = arith.select %eq3A_397, %add3A_398, %select_n3A_382 : vector<16xi1>, vector<16xi32>
    %eq3A_400 = arith.constant 6 : i32
    %eq3A_401 = vector.broadcast %eq3A_400 : i32 to vector<16xi32>
    %eq3A_402 = arith.cmpi eq, %get3A_299, %eq3A_401 : vector<16xi32>
    %select_n3A_403 = arith.select %eq3A_402, %broadcast_in_dim3A_6, %broadcast_in_dim3A_4 : vector<16xi1>, vector<16xi32>
    %broadcast_in_dim3A_404 = arith.constant true
    %broadcast_in_dim3A_405 = vector.broadcast %broadcast_in_dim3A_404 : i1 to vector<16xi1>
    %masked_cumsum3A_406 = tpu.scan <sum>, %select_n3A_403 masked %broadcast_in_dim3A_405 : vector<16xi32>, vector<16xi1> -> vector<16xi32>
    %sub3A_407 = arith.constant 1 : i32
    %sub3A_408 = vector.broadcast %sub3A_407 : i32 to vector<16xi32>
    %sub3A_409 = arith.subi %masked_cumsum3A_406, %sub3A_408 : vector<16xi32>
    %select_n3A_410 = arith.select %eq3A_402, %sub3A_409, %select_n3A_393 : vector<16xi1>, vector<16xi32>
    %all_reduce_population_count3A_411 = tpu.all_reduce %eq3A_402 {dim = 0 : i64, kind = #tpu.reduction_kind<sum>} : vector<16xi1> -> vector<16xi32>
    %eq3A_412 = arith.constant 6 : i32
    %eq3A_413 = vector.broadcast %eq3A_412 : i32 to vector<16xi32>
    %eq3A_414 = arith.cmpi eq, %iota3A, %eq3A_413 : vector<16xi32>
    %add3A_415 = arith.addi %select_n3A_399, %all_reduce_population_count3A_411 : vector<16xi32>
    %select_n3A_416 = arith.select %eq3A_414, %add3A_415, %select_n3A_399 : vector<16xi1>, vector<16xi32>
    %eq3A_417 = arith.constant 7 : i32
    %eq3A_418 = vector.broadcast %eq3A_417 : i32 to vector<16xi32>
    %eq3A_419 = arith.cmpi eq, %get3A_299, %eq3A_418 : vector<16xi32>
    %select_n3A_420 = arith.select %eq3A_419, %broadcast_in_dim3A_6, %broadcast_in_dim3A_4 : vector<16xi1>, vector<16xi32>
    %broadcast_in_dim3A_421 = arith.constant true
    %broadcast_in_dim3A_422 = vector.broadcast %broadcast_in_dim3A_421 : i1 to vector<16xi1>
    %masked_cumsum3A_423 = tpu.scan <sum>, %select_n3A_420 masked %broadcast_in_dim3A_422 : vector<16xi32>, vector<16xi1> -> vector<16xi32>
    %sub3A_424 = arith.constant 1 : i32
    %sub3A_425 = vector.broadcast %sub3A_424 : i32 to vector<16xi32>
    %sub3A_426 = arith.subi %masked_cumsum3A_423, %sub3A_425 : vector<16xi32>
    %select_n3A_427 = arith.select %eq3A_419, %sub3A_426, %select_n3A_410 : vector<16xi1>, vector<16xi32>
    %all_reduce_population_count3A_428 = tpu.all_reduce %eq3A_419 {dim = 0 : i64, kind = #tpu.reduction_kind<sum>} : vector<16xi1> -> vector<16xi32>
    %eq3A_429 = arith.constant 7 : i32
    %eq3A_430 = vector.broadcast %eq3A_429 : i32 to vector<16xi32>
    %eq3A_431 = arith.cmpi eq, %iota3A, %eq3A_430 : vector<16xi32>
    %add3A_432 = arith.addi %select_n3A_416, %all_reduce_population_count3A_428 : vector<16xi32>
    %select_n3A_433 = arith.select %eq3A_431, %add3A_432, %select_n3A_416 : vector<16xi1>, vector<16xi32>
    %swap3A_434 = arith.constant 0 : index
    %swap3A_435 = tpu.vector_load %arg17[%swap3A_434] {strides = array<i32>} : memref<16xi32, #tpu.memory_space<vmem>>, vector<16xi32>,
    tpu.vector_store %arg17[%swap3A_434], %select_n3A_433 {strides = array<i32>} : memref<16xi32, #tpu.memory_space<vmem>>, vector<16xi32>,
    %add3A_436 = arith.addi %gather3A, %select_n3A_427 : vector<16xi32>
    %swap3A_437 = arith.constant 0 : index
    %swap3A_438 = tpu.vector_load %arg18[%swap3A_437] {strides = array<i32>} : memref<64xi32, #tpu.memory_space<vmem>>, vector<16xi32>,
    tpu.vector_store %arg18[%swap3A_437], %add3A_436 {strides = array<i32>} : memref<64xi32, #tpu.memory_space<vmem>>, vector<16xi32>,
    %get3A_439 = arith.constant 16 : index
    %get3A_440 = tpu.vector_load %arg13[%get3A_439] {strides = array<i32>} : memref<64xi32, #tpu.memory_space<vmem>>, vector<16xi32>,
    %gather3A_441 = tpu.vector_load_idx %arg17[%get3A_440] : memref<16xi32, #tpu.memory_space<vmem>>[vector<16xi32>], vector<16xi32>,
    %get3A_442 = arith.constant 0 : index
    %get3A_443 = tpu.vector_load %arg17[%get3A_442] {strides = array<i32>} : memref<16xi32, #tpu.memory_space<vmem>>, vector<16xi32>,
    %eq3A_444 = arith.constant 0 : i32
    %eq3A_445 = vector.broadcast %eq3A_444 : i32 to vector<16xi32>
    %eq3A_446 = arith.cmpi eq, %get3A_440, %eq3A_445 : vector<16xi32>
    %select_n3A_447 = arith.select %eq3A_446, %broadcast_in_dim3A_6, %broadcast_in_dim3A_4 : vector<16xi1>, vector<16xi32>
    %broadcast_in_dim3A_448 = arith.constant true
    %broadcast_in_dim3A_449 = vector.broadcast %broadcast_in_dim3A_448 : i1 to vector<16xi1>
    %masked_cumsum3A_450 = tpu.scan <sum>, %select_n3A_447 masked %broadcast_in_dim3A_449 : vector<16xi32>, vector<16xi1> -> vector<16xi32>
    %sub3A_451 = arith.constant 1 : i32
    %sub3A_452 = vector.broadcast %sub3A_451 : i32 to vector<16xi32>
    %sub3A_453 = arith.subi %masked_cumsum3A_450, %sub3A_452 : vector<16xi32>
    %select_n3A_454 = arith.select %eq3A_446, %sub3A_453, %broadcast_in_dim3A_4 : vector<16xi1>, vector<16xi32>
    %all_reduce_population_count3A_455 = tpu.all_reduce %eq3A_446 {dim = 0 : i64, kind = #tpu.reduction_kind<sum>} : vector<16xi1> -> vector<16xi32>
    %eq3A_456 = arith.constant 0 : i32
    %eq3A_457 = vector.broadcast %eq3A_456 : i32 to vector<16xi32>
    %eq3A_458 = arith.cmpi eq, %iota3A, %eq3A_457 : vector<16xi32>
    %add3A_459 = arith.addi %get3A_443, %all_reduce_population_count3A_455 : vector<16xi32>
    %select_n3A_460 = arith.select %eq3A_458, %add3A_459, %get3A_443 : vector<16xi1>, vector<16xi32>
    %eq3A_461 = arith.constant 1 : i32
    %eq3A_462 = vector.broadcast %eq3A_461 : i32 to vector<16xi32>
    %eq3A_463 = arith.cmpi eq, %get3A_440, %eq3A_462 : vector<16xi32>
    %select_n3A_464 = arith.select %eq3A_463, %broadcast_in_dim3A_6, %broadcast_in_dim3A_4 : vector<16xi1>, vector<16xi32>
    %broadcast_in_dim3A_465 = arith.constant true
    %broadcast_in_dim3A_466 = vector.broadcast %broadcast_in_dim3A_465 : i1 to vector<16xi1>
    %masked_cumsum3A_467 = tpu.scan <sum>, %select_n3A_464 masked %broadcast_in_dim3A_466 : vector<16xi32>, vector<16xi1> -> vector<16xi32>
    %sub3A_468 = arith.constant 1 : i32
    %sub3A_469 = vector.broadcast %sub3A_468 : i32 to vector<16xi32>
    %sub3A_470 = arith.subi %masked_cumsum3A_467, %sub3A_469 : vector<16xi32>
    %select_n3A_471 = arith.select %eq3A_463, %sub3A_470, %select_n3A_454 : vector<16xi1>, vector<16xi32>
    %all_reduce_population_count3A_472 = tpu.all_reduce %eq3A_463 {dim = 0 : i64, kind = #tpu.reduction_kind<sum>} : vector<16xi1> -> vector<16xi32>
    %eq3A_473 = arith.constant 1 : i32
    %eq3A_474 = vector.broadcast %eq3A_473 : i32 to vector<16xi32>
    %eq3A_475 = arith.cmpi eq, %iota3A, %eq3A_474 : vector<16xi32>
    %add3A_476 = arith.addi %select_n3A_460, %all_reduce_population_count3A_472 : vector<16xi32>
    %select_n3A_477 = arith.select %eq3A_475, %add3A_476, %select_n3A_460 : vector<16xi1>, vector<16xi32>
    %eq3A_478 = arith.constant 2 : i32
    %eq3A_479 = vector.broadcast %eq3A_478 : i32 to vector<16xi32>
    %eq3A_480 = arith.cmpi eq, %get3A_440, %eq3A_479 : vector<16xi32>
    %select_n3A_481 = arith.select %eq3A_480, %broadcast_in_dim3A_6, %broadcast_in_dim3A_4 : vector<16xi1>, vector<16xi32>
    %broadcast_in_dim3A_482 = arith.constant true
    %broadcast_in_dim3A_483 = vector.broadcast %broadcast_in_dim3A_482 : i1 to vector<16xi1>
    %masked_cumsum3A_484 = tpu.scan <sum>, %select_n3A_481 masked %broadcast_in_dim3A_483 : vector<16xi32>, vector<16xi1> -> vector<16xi32>
    %sub3A_485 = arith.constant 1 : i32
    %sub3A_486 = vector.broadcast %sub3A_485 : i32 to vector<16xi32>
    %sub3A_487 = arith.subi %masked_cumsum3A_484, %sub3A_486 : vector<16xi32>
    %select_n3A_488 = arith.select %eq3A_480, %sub3A_487, %select_n3A_471 : vector<16xi1>, vector<16xi32>
    %all_reduce_population_count3A_489 = tpu.all_reduce %eq3A_480 {dim = 0 : i64, kind = #tpu.reduction_kind<sum>} : vector<16xi1> -> vector<16xi32>
    %eq3A_490 = arith.constant 2 : i32
    %eq3A_491 = vector.broadcast %eq3A_490 : i32 to vector<16xi32>
    %eq3A_492 = arith.cmpi eq, %iota3A, %eq3A_491 : vector<16xi32>
    %add3A_493 = arith.addi %select_n3A_477, %all_reduce_population_count3A_489 : vector<16xi32>
    %select_n3A_494 = arith.select %eq3A_492, %add3A_493, %select_n3A_477 : vector<16xi1>, vector<16xi32>
    %eq3A_495 = arith.constant 3 : i32
    %eq3A_496 = vector.broadcast %eq3A_495 : i32 to vector<16xi32>
    %eq3A_497 = arith.cmpi eq, %get3A_440, %eq3A_496 : vector<16xi32>
    %select_n3A_498 = arith.select %eq3A_497, %broadcast_in_dim3A_6, %broadcast_in_dim3A_4 : vector<16xi1>, vector<16xi32>
    %broadcast_in_dim3A_499 = arith.constant true
    %broadcast_in_dim3A_500 = vector.broadcast %broadcast_in_dim3A_499 : i1 to vector<16xi1>
    %masked_cumsum3A_501 = tpu.scan <sum>, %select_n3A_498 masked %broadcast_in_dim3A_500 : vector<16xi32>, vector<16xi1> -> vector<16xi32>
    %sub3A_502 = arith.constant 1 : i32
    %sub3A_503 = vector.broadcast %sub3A_502 : i32 to vector<16xi32>
    %sub3A_504 = arith.subi %masked_cumsum3A_501, %sub3A_503 : vector<16xi32>
    %select_n3A_505 = arith.select %eq3A_497, %sub3A_504, %select_n3A_488 : vector<16xi1>, vector<16xi32>
    %all_reduce_population_count3A_506 = tpu.all_reduce %eq3A_497 {dim = 0 : i64, kind = #tpu.reduction_kind<sum>} : vector<16xi1> -> vector<16xi32>
    %eq3A_507 = arith.constant 3 : i32
    %eq3A_508 = vector.broadcast %eq3A_507 : i32 to vector<16xi32>
    %eq3A_509 = arith.cmpi eq, %iota3A, %eq3A_508 : vector<16xi32>
    %add3A_510 = arith.addi %select_n3A_494, %all_reduce_population_count3A_506 : vector<16xi32>
    %select_n3A_511 = arith.select %eq3A_509, %add3A_510, %select_n3A_494 : vector<16xi1>, vector<16xi32>
    %eq3A_512 = arith.constant 4 : i32
    %eq3A_513 = vector.broadcast %eq3A_512 : i32 to vector<16xi32>
    %eq3A_514 = arith.cmpi eq, %get3A_440, %eq3A_513 : vector<16xi32>
    %select_n3A_515 = arith.select %eq3A_514, %broadcast_in_dim3A_6, %broadcast_in_dim3A_4 : vector<16xi1>, vector<16xi32>
    %broadcast_in_dim3A_516 = arith.constant true
    %broadcast_in_dim3A_517 = vector.broadcast %broadcast_in_dim3A_516 : i1 to vector<16xi1>
    %masked_cumsum3A_518 = tpu.scan <sum>, %select_n3A_515 masked %broadcast_in_dim3A_517 : vector<16xi32>, vector<16xi1> -> vector<16xi32>
    %sub3A_519 = arith.constant 1 : i32
    %sub3A_520 = vector.broadcast %sub3A_519 : i32 to vector<16xi32>
    %sub3A_521 = arith.subi %masked_cumsum3A_518, %sub3A_520 : vector<16xi32>
    %select_n3A_522 = arith.select %eq3A_514, %sub3A_521, %select_n3A_505 : vector<16xi1>, vector<16xi32>
    %all_reduce_population_count3A_523 = tpu.all_reduce %eq3A_514 {dim = 0 : i64, kind = #tpu.reduction_kind<sum>} : vector<16xi1> -> vector<16xi32>
    %eq3A_524 = arith.constant 4 : i32
    %eq3A_525 = vector.broadcast %eq3A_524 : i32 to vector<16xi32>
    %eq3A_526 = arith.cmpi eq, %iota3A, %eq3A_525 : vector<16xi32>
    %add3A_527 = arith.addi %select_n3A_511, %all_reduce_population_count3A_523 : vector<16xi32>
    %select_n3A_528 = arith.select %eq3A_526, %add3A_527, %select_n3A_511 : vector<16xi1>, vector<16xi32>
    %eq3A_529 = arith.constant 5 : i32
    %eq3A_530 = vector.broadcast %eq3A_529 : i32 to vector<16xi32>
    %eq3A_531 = arith.cmpi eq, %get3A_440, %eq3A_530 : vector<16xi32>
    %select_n3A_532 = arith.select %eq3A_531, %broadcast_in_dim3A_6, %broadcast_in_dim3A_4 : vector<16xi1>, vector<16xi32>
    %broadcast_in_dim3A_533 = arith.constant true
    %broadcast_in_dim3A_534 = vector.broadcast %broadcast_in_dim3A_533 : i1 to vector<16xi1>
    %masked_cumsum3A_535 = tpu.scan <sum>, %select_n3A_532 masked %broadcast_in_dim3A_534 : vector<16xi32>, vector<16xi1> -> vector<16xi32>
    %sub3A_536 = arith.constant 1 : i32
    %sub3A_537 = vector.broadcast %sub3A_536 : i32 to vector<16xi32>
    %sub3A_538 = arith.subi %masked_cumsum3A_535, %sub3A_537 : vector<16xi32>
    %select_n3A_539 = arith.select %eq3A_531, %sub3A_538, %select_n3A_522 : vector<16xi1>, vector<16xi32>
    %all_reduce_population_count3A_540 = tpu.all_reduce %eq3A_531 {dim = 0 : i64, kind = #tpu.reduction_kind<sum>} : vector<16xi1> -> vector<16xi32>
    %eq3A_541 = arith.constant 5 : i32
    %eq3A_542 = vector.broadcast %eq3A_541 : i32 to vector<16xi32>
    %eq3A_543 = arith.cmpi eq, %iota3A, %eq3A_542 : vector<16xi32>
    %add3A_544 = arith.addi %select_n3A_528, %all_reduce_population_count3A_540 : vector<16xi32>
    %select_n3A_545 = arith.select %eq3A_543, %add3A_544, %select_n3A_528 : vector<16xi1>, vector<16xi32>
    %eq3A_546 = arith.constant 6 : i32
    %eq3A_547 = vector.broadcast %eq3A_546 : i32 to vector<16xi32>
    %eq3A_548 = arith.cmpi eq, %get3A_440, %eq3A_547 : vector<16xi32>
    %select_n3A_549 = arith.select %eq3A_548, %broadcast_in_dim3A_6, %broadcast_in_dim3A_4 : vector<16xi1>, vector<16xi32>
    %broadcast_in_dim3A_550 = arith.constant true
    %broadcast_in_dim3A_551 = vector.broadcast %broadcast_in_dim3A_550 : i1 to vector<16xi1>
    %masked_cumsum3A_552 = tpu.scan <sum>, %select_n3A_549 masked %broadcast_in_dim3A_551 : vector<16xi32>, vector<16xi1> -> vector<16xi32>
    %sub3A_553 = arith.constant 1 : i32
    %sub3A_554 = vector.broadcast %sub3A_553 : i32 to vector<16xi32>
    %sub3A_555 = arith.subi %masked_cumsum3A_552, %sub3A_554 : vector<16xi32>
    %select_n3A_556 = arith.select %eq3A_548, %sub3A_555, %select_n3A_539 : vector<16xi1>, vector<16xi32>
    %all_reduce_population_count3A_557 = tpu.all_reduce %eq3A_548 {dim = 0 : i64, kind = #tpu.reduction_kind<sum>} : vector<16xi1> -> vector<16xi32>
    %eq3A_558 = arith.constant 6 : i32
    %eq3A_559 = vector.broadcast %eq3A_558 : i32 to vector<16xi32>
    %eq3A_560 = arith.cmpi eq, %iota3A, %eq3A_559 : vector<16xi32>
    %add3A_561 = arith.addi %select_n3A_545, %all_reduce_population_count3A_557 : vector<16xi32>
    %select_n3A_562 = arith.select %eq3A_560, %add3A_561, %select_n3A_545 : vector<16xi1>, vector<16xi32>
    %eq3A_563 = arith.constant 7 : i32
    %eq3A_564 = vector.broadcast %eq3A_563 : i32 to vector<16xi32>
    %eq3A_565 = arith.cmpi eq, %get3A_440, %eq3A_564 : vector<16xi32>
    %select_n3A_566 = arith.select %eq3A_565, %broadcast_in_dim3A_6, %broadcast_in_dim3A_4 : vector<16xi1>, vector<16xi32>
    %broadcast_in_dim3A_567 = arith.constant true
    %broadcast_in_dim3A_568 = vector.broadcast %broadcast_in_dim3A_567 : i1 to vector<16xi1>
    %masked_cumsum3A_569 = tpu.scan <sum>, %select_n3A_566 masked %broadcast_in_dim3A_568 : vector<16xi32>, vector<16xi1> -> vector<16xi32>
    %sub3A_570 = arith.constant 1 : i32
    %sub3A_571 = vector.broadcast %sub3A_570 : i32 to vector<16xi32>
    %sub3A_572 = arith.subi %masked_cumsum3A_569, %sub3A_571 : vector<16xi32>
    %select_n3A_573 = arith.select %eq3A_565, %sub3A_572, %select_n3A_556 : vector<16xi1>, vector<16xi32>
    %all_reduce_population_count3A_574 = tpu.all_reduce %eq3A_565 {dim = 0 : i64, kind = #tpu.reduction_kind<sum>} : vector<16xi1> -> vector<16xi32>
    %eq3A_575 = arith.constant 7 : i32
    %eq3A_576 = vector.broadcast %eq3A_575 : i32 to vector<16xi32>
    %eq3A_577 = arith.cmpi eq, %iota3A, %eq3A_576 : vector<16xi32>
    %add3A_578 = arith.addi %select_n3A_562, %all_reduce_population_count3A_574 : vector<16xi32>
    %select_n3A_579 = arith.select %eq3A_577, %add3A_578, %select_n3A_562 : vector<16xi1>, vector<16xi32>
    %swap3A_580 = arith.constant 0 : index
    %swap3A_581 = tpu.vector_load %arg17[%swap3A_580] {strides = array<i32>} : memref<16xi32, #tpu.memory_space<vmem>>, vector<16xi32>,
    tpu.vector_store %arg17[%swap3A_580], %select_n3A_579 {strides = array<i32>} : memref<16xi32, #tpu.memory_space<vmem>>, vector<16xi32>,
    %add3A_582 = arith.addi %gather3A_441, %select_n3A_573 : vector<16xi32>
    %swap3A_583 = arith.constant 16 : index
    %swap3A_584 = tpu.vector_load %arg18[%swap3A_583] {strides = array<i32>} : memref<64xi32, #tpu.memory_space<vmem>>, vector<16xi32>,
    tpu.vector_store %arg18[%swap3A_583], %add3A_582 {strides = array<i32>} : memref<64xi32, #tpu.memory_space<vmem>>, vector<16xi32>,
    %get3A_585 = arith.constant 32 : index
    %get3A_586 = tpu.vector_load %arg13[%get3A_585] {strides = array<i32>} : memref<64xi32, #tpu.memory_space<vmem>>, vector<16xi32>,
    %gather3A_587 = tpu.vector_load_idx %arg17[%get3A_586] : memref<16xi32, #tpu.memory_space<vmem>>[vector<16xi32>], vector<16xi32>,
    %get3A_588 = arith.constant 0 : index
    %get3A_589 = tpu.vector_load %arg17[%get3A_588] {strides = array<i32>} : memref<16xi32, #tpu.memory_space<vmem>>, vector<16xi32>,
    %eq3A_590 = arith.constant 0 : i32
    %eq3A_591 = vector.broadcast %eq3A_590 : i32 to vector<16xi32>
    %eq3A_592 = arith.cmpi eq, %get3A_586, %eq3A_591 : vector<16xi32>
    %select_n3A_593 = arith.select %eq3A_592, %broadcast_in_dim3A_6, %broadcast_in_dim3A_4 : vector<16xi1>, vector<16xi32>
    %broadcast_in_dim3A_594 = arith.constant true
    %broadcast_in_dim3A_595 = vector.broadcast %broadcast_in_dim3A_594 : i1 to vector<16xi1>
    %masked_cumsum3A_596 = tpu.scan <sum>, %select_n3A_593 masked %broadcast_in_dim3A_595 : vector<16xi32>, vector<16xi1> -> vector<16xi32>
    %sub3A_597 = arith.constant 1 : i32
    %sub3A_598 = vector.broadcast %sub3A_597 : i32 to vector<16xi32>
    %sub3A_599 = arith.subi %masked_cumsum3A_596, %sub3A_598 : vector<16xi32>
    %select_n3A_600 = arith.select %eq3A_592, %sub3A_599, %broadcast_in_dim3A_4 : vector<16xi1>, vector<16xi32>
    %all_reduce_population_count3A_601 = tpu.all_reduce %eq3A_592 {dim = 0 : i64, kind = #tpu.reduction_kind<sum>} : vector<16xi1> -> vector<16xi32>
    %eq3A_602 = arith.constant 0 : i32
    %eq3A_603 = vector.broadcast %eq3A_602 : i32 to vector<16xi32>
    %eq3A_604 = arith.cmpi eq, %iota3A, %eq3A_603 : vector<16xi32>
    %add3A_605 = arith.addi %get3A_589, %all_reduce_population_count3A_601 : vector<16xi32>
    %select_n3A_606 = arith.select %eq3A_604, %add3A_605, %get3A_589 : vector<16xi1>, vector<16xi32>
    %eq3A_607 = arith.constant 1 : i32
    %eq3A_608 = vector.broadcast %eq3A_607 : i32 to vector<16xi32>
    %eq3A_609 = arith.cmpi eq, %get3A_586, %eq3A_608 : vector<16xi32>
    %select_n3A_610 = arith.select %eq3A_609, %broadcast_in_dim3A_6, %broadcast_in_dim3A_4 : vector<16xi1>, vector<16xi32>
    %broadcast_in_dim3A_611 = arith.constant true
    %broadcast_in_dim3A_612 = vector.broadcast %broadcast_in_dim3A_611 : i1 to vector<16xi1>
    %masked_cumsum3A_613 = tpu.scan <sum>, %select_n3A_610 masked %broadcast_in_dim3A_612 : vector<16xi32>, vector<16xi1> -> vector<16xi32>
    %sub3A_614 = arith.constant 1 : i32
    %sub3A_615 = vector.broadcast %sub3A_614 : i32 to vector<16xi32>
    %sub3A_616 = arith.subi %masked_cumsum3A_613, %sub3A_615 : vector<16xi32>
    %select_n3A_617 = arith.select %eq3A_609, %sub3A_616, %select_n3A_600 : vector<16xi1>, vector<16xi32>
    %all_reduce_population_count3A_618 = tpu.all_reduce %eq3A_609 {dim = 0 : i64, kind = #tpu.reduction_kind<sum>} : vector<16xi1> -> vector<16xi32>
    %eq3A_619 = arith.constant 1 : i32
    %eq3A_620 = vector.broadcast %eq3A_619 : i32 to vector<16xi32>
    %eq3A_621 = arith.cmpi eq, %iota3A, %eq3A_620 : vector<16xi32>
    %add3A_622 = arith.addi %select_n3A_606, %all_reduce_population_count3A_618 : vector<16xi32>
    %select_n3A_623 = arith.select %eq3A_621, %add3A_622, %select_n3A_606 : vector<16xi1>, vector<16xi32>
    %eq3A_624 = arith.constant 2 : i32
    %eq3A_625 = vector.broadcast %eq3A_624 : i32 to vector<16xi32>
    %eq3A_626 = arith.cmpi eq, %get3A_586, %eq3A_625 : vector<16xi32>
    %select_n3A_627 = arith.select %eq3A_626, %broadcast_in_dim3A_6, %broadcast_in_dim3A_4 : vector<16xi1>, vector<16xi32>
    %broadcast_in_dim3A_628 = arith.constant true
    %broadcast_in_dim3A_629 = vector.broadcast %broadcast_in_dim3A_628 : i1 to vector<16xi1>
    %masked_cumsum3A_630 = tpu.scan <sum>, %select_n3A_627 masked %broadcast_in_dim3A_629 : vector<16xi32>, vector<16xi1> -> vector<16xi32>
    %sub3A_631 = arith.constant 1 : i32
    %sub3A_632 = vector.broadcast %sub3A_631 : i32 to vector<16xi32>
    %sub3A_633 = arith.subi %masked_cumsum3A_630, %sub3A_632 : vector<16xi32>
    %select_n3A_634 = arith.select %eq3A_626, %sub3A_633, %select_n3A_617 : vector<16xi1>, vector<16xi32>
    %all_reduce_population_count3A_635 = tpu.all_reduce %eq3A_626 {dim = 0 : i64, kind = #tpu.reduction_kind<sum>} : vector<16xi1> -> vector<16xi32>
    %eq3A_636 = arith.constant 2 : i32
    %eq3A_637 = vector.broadcast %eq3A_636 : i32 to vector<16xi32>
    %eq3A_638 = arith.cmpi eq, %iota3A, %eq3A_637 : vector<16xi32>
    %add3A_639 = arith.addi %select_n3A_623, %all_reduce_population_count3A_635 : vector<16xi32>
    %select_n3A_640 = arith.select %eq3A_638, %add3A_639, %select_n3A_623 : vector<16xi1>, vector<16xi32>
    %eq3A_641 = arith.constant 3 : i32
    %eq3A_642 = vector.broadcast %eq3A_641 : i32 to vector<16xi32>
    %eq3A_643 = arith.cmpi eq, %get3A_586, %eq3A_642 : vector<16xi32>
    %select_n3A_644 = arith.select %eq3A_643, %broadcast_in_dim3A_6, %broadcast_in_dim3A_4 : vector<16xi1>, vector<16xi32>
    %broadcast_in_dim3A_645 = arith.constant true
    %broadcast_in_dim3A_646 = vector.broadcast %broadcast_in_dim3A_645 : i1 to vector<16xi1>
    %masked_cumsum3A_647 = tpu.scan <sum>, %select_n3A_644 masked %broadcast_in_dim3A_646 : vector<16xi32>, vector<16xi1> -> vector<16xi32>
    %sub3A_648 = arith.constant 1 : i32
    %sub3A_649 = vector.broadcast %sub3A_648 : i32 to vector<16xi32>
    %sub3A_650 = arith.subi %masked_cumsum3A_647, %sub3A_649 : vector<16xi32>
    %select_n3A_651 = arith.select %eq3A_643, %sub3A_650, %select_n3A_634 : vector<16xi1>, vector<16xi32>
    %all_reduce_population_count3A_652 = tpu.all_reduce %eq3A_643 {dim = 0 : i64, kind = #tpu.reduction_kind<sum>} : vector<16xi1> -> vector<16xi32>
    %eq3A_653 = arith.constant 3 : i32
    %eq3A_654 = vector.broadcast %eq3A_653 : i32 to vector<16xi32>
    %eq3A_655 = arith.cmpi eq, %iota3A, %eq3A_654 : vector<16xi32>
    %add3A_656 = arith.addi %select_n3A_640, %all_reduce_population_count3A_652 : vector<16xi32>
    %select_n3A_657 = arith.select %eq3A_655, %add3A_656, %select_n3A_640 : vector<16xi1>, vector<16xi32>
    %eq3A_658 = arith.constant 4 : i32
    %eq3A_659 = vector.broadcast %eq3A_658 : i32 to vector<16xi32>
    %eq3A_660 = arith.cmpi eq, %get3A_586, %eq3A_659 : vector<16xi32>
    %select_n3A_661 = arith.select %eq3A_660, %broadcast_in_dim3A_6, %broadcast_in_dim3A_4 : vector<16xi1>, vector<16xi32>
    %broadcast_in_dim3A_662 = arith.constant true
    %broadcast_in_dim3A_663 = vector.broadcast %broadcast_in_dim3A_662 : i1 to vector<16xi1>
    %masked_cumsum3A_664 = tpu.scan <sum>, %select_n3A_661 masked %broadcast_in_dim3A_663 : vector<16xi32>, vector<16xi1> -> vector<16xi32>
    %sub3A_665 = arith.constant 1 : i32
    %sub3A_666 = vector.broadcast %sub3A_665 : i32 to vector<16xi32>
    %sub3A_667 = arith.subi %masked_cumsum3A_664, %sub3A_666 : vector<16xi32>
    %select_n3A_668 = arith.select %eq3A_660, %sub3A_667, %select_n3A_651 : vector<16xi1>, vector<16xi32>
    %all_reduce_population_count3A_669 = tpu.all_reduce %eq3A_660 {dim = 0 : i64, kind = #tpu.reduction_kind<sum>} : vector<16xi1> -> vector<16xi32>
    %eq3A_670 = arith.constant 4 : i32
    %eq3A_671 = vector.broadcast %eq3A_670 : i32 to vector<16xi32>
    %eq3A_672 = arith.cmpi eq, %iota3A, %eq3A_671 : vector<16xi32>
    %add3A_673 = arith.addi %select_n3A_657, %all_reduce_population_count3A_669 : vector<16xi32>
    %select_n3A_674 = arith.select %eq3A_672, %add3A_673, %select_n3A_657 : vector<16xi1>, vector<16xi32>
    %eq3A_675 = arith.constant 5 : i32
    %eq3A_676 = vector.broadcast %eq3A_675 : i32 to vector<16xi32>
    %eq3A_677 = arith.cmpi eq, %get3A_586, %eq3A_676 : vector<16xi32>
    %select_n3A_678 = arith.select %eq3A_677, %broadcast_in_dim3A_6, %broadcast_in_dim3A_4 : vector<16xi1>, vector<16xi32>
    %broadcast_in_dim3A_679 = arith.constant true
    %broadcast_in_dim3A_680 = vector.broadcast %broadcast_in_dim3A_679 : i1 to vector<16xi1>
    %masked_cumsum3A_681 = tpu.scan <sum>, %select_n3A_678 masked %broadcast_in_dim3A_680 : vector<16xi32>, vector<16xi1> -> vector<16xi32>
    %sub3A_682 = arith.constant 1 : i32
    %sub3A_683 = vector.broadcast %sub3A_682 : i32 to vector<16xi32>
    %sub3A_684 = arith.subi %masked_cumsum3A_681, %sub3A_683 : vector<16xi32>
    %select_n3A_685 = arith.select %eq3A_677, %sub3A_684, %select_n3A_668 : vector<16xi1>, vector<16xi32>
    %all_reduce_population_count3A_686 = tpu.all_reduce %eq3A_677 {dim = 0 : i64, kind = #tpu.reduction_kind<sum>} : vector<16xi1> -> vector<16xi32>
    %eq3A_687 = arith.constant 5 : i32
    %eq3A_688 = vector.broadcast %eq3A_687 : i32 to vector<16xi32>
    %eq3A_689 = arith.cmpi eq, %iota3A, %eq3A_688 : vector<16xi32>
    %add3A_690 = arith.addi %select_n3A_674, %all_reduce_population_count3A_686 : vector<16xi32>
    %select_n3A_691 = arith.select %eq3A_689, %add3A_690, %select_n3A_674 : vector<16xi1>, vector<16xi32>
    %eq3A_692 = arith.constant 6 : i32
    %eq3A_693 = vector.broadcast %eq3A_692 : i32 to vector<16xi32>
    %eq3A_694 = arith.cmpi eq, %get3A_586, %eq3A_693 : vector<16xi32>
    %select_n3A_695 = arith.select %eq3A_694, %broadcast_in_dim3A_6, %broadcast_in_dim3A_4 : vector<16xi1>, vector<16xi32>
    %broadcast_in_dim3A_696 = arith.constant true
    %broadcast_in_dim3A_697 = vector.broadcast %broadcast_in_dim3A_696 : i1 to vector<16xi1>
    %masked_cumsum3A_698 = tpu.scan <sum>, %select_n3A_695 masked %broadcast_in_dim3A_697 : vector<16xi32>, vector<16xi1> -> vector<16xi32>
    %sub3A_699 = arith.constant 1 : i32
    %sub3A_700 = vector.broadcast %sub3A_699 : i32 to vector<16xi32>
    %sub3A_701 = arith.subi %masked_cumsum3A_698, %sub3A_700 : vector<16xi32>
    %select_n3A_702 = arith.select %eq3A_694, %sub3A_701, %select_n3A_685 : vector<16xi1>, vector<16xi32>
    %all_reduce_population_count3A_703 = tpu.all_reduce %eq3A_694 {dim = 0 : i64, kind = #tpu.reduction_kind<sum>} : vector<16xi1> -> vector<16xi32>
    %eq3A_704 = arith.constant 6 : i32
    %eq3A_705 = vector.broadcast %eq3A_704 : i32 to vector<16xi32>
    %eq3A_706 = arith.cmpi eq, %iota3A, %eq3A_705 : vector<16xi32>
    %add3A_707 = arith.addi %select_n3A_691, %all_reduce_population_count3A_703 : vector<16xi32>
    %select_n3A_708 = arith.select %eq3A_706, %add3A_707, %select_n3A_691 : vector<16xi1>, vector<16xi32>
    %eq3A_709 = arith.constant 7 : i32
    %eq3A_710 = vector.broadcast %eq3A_709 : i32 to vector<16xi32>
    %eq3A_711 = arith.cmpi eq, %get3A_586, %eq3A_710 : vector<16xi32>
    %select_n3A_712 = arith.select %eq3A_711, %broadcast_in_dim3A_6, %broadcast_in_dim3A_4 : vector<16xi1>, vector<16xi32>
    %broadcast_in_dim3A_713 = arith.constant true
    %broadcast_in_dim3A_714 = vector.broadcast %broadcast_in_dim3A_713 : i1 to vector<16xi1>
    %masked_cumsum3A_715 = tpu.scan <sum>, %select_n3A_712 masked %broadcast_in_dim3A_714 : vector<16xi32>, vector<16xi1> -> vector<16xi32>
    %sub3A_716 = arith.constant 1 : i32
    %sub3A_717 = vector.broadcast %sub3A_716 : i32 to vector<16xi32>
    %sub3A_718 = arith.subi %masked_cumsum3A_715, %sub3A_717 : vector<16xi32>
    %select_n3A_719 = arith.select %eq3A_711, %sub3A_718, %select_n3A_702 : vector<16xi1>, vector<16xi32>
    %all_reduce_population_count3A_720 = tpu.all_reduce %eq3A_711 {dim = 0 : i64, kind = #tpu.reduction_kind<sum>} : vector<16xi1> -> vector<16xi32>
    %eq3A_721 = arith.constant 7 : i32
    %eq3A_722 = vector.broadcast %eq3A_721 : i32 to vector<16xi32>
    %eq3A_723 = arith.cmpi eq, %iota3A, %eq3A_722 : vector<16xi32>
    %add3A_724 = arith.addi %select_n3A_708, %all_reduce_population_count3A_720 : vector<16xi32>
    %select_n3A_725 = arith.select %eq3A_723, %add3A_724, %select_n3A_708 : vector<16xi1>, vector<16xi32>
    %swap3A_726 = arith.constant 0 : index
    %swap3A_727 = tpu.vector_load %arg17[%swap3A_726] {strides = array<i32>} : memref<16xi32, #tpu.memory_space<vmem>>, vector<16xi32>,
    tpu.vector_store %arg17[%swap3A_726], %select_n3A_725 {strides = array<i32>} : memref<16xi32, #tpu.memory_space<vmem>>, vector<16xi32>,
    %add3A_728 = arith.addi %gather3A_587, %select_n3A_719 : vector<16xi32>
    %swap3A_729 = arith.constant 32 : index
    %swap3A_730 = tpu.vector_load %arg18[%swap3A_729] {strides = array<i32>} : memref<64xi32, #tpu.memory_space<vmem>>, vector<16xi32>,
    tpu.vector_store %arg18[%swap3A_729], %add3A_728 {strides = array<i32>} : memref<64xi32, #tpu.memory_space<vmem>>, vector<16xi32>,
    %get3A_731 = arith.constant 48 : index
    %get3A_732 = tpu.vector_load %arg13[%get3A_731] {strides = array<i32>} : memref<64xi32, #tpu.memory_space<vmem>>, vector<16xi32>,
    %gather3A_733 = tpu.vector_load_idx %arg17[%get3A_732] : memref<16xi32, #tpu.memory_space<vmem>>[vector<16xi32>], vector<16xi32>,
    %get3A_734 = arith.constant 0 : index
    %get3A_735 = tpu.vector_load %arg17[%get3A_734] {strides = array<i32>} : memref<16xi32, #tpu.memory_space<vmem>>, vector<16xi32>,
    %eq3A_736 = arith.constant 0 : i32
    %eq3A_737 = vector.broadcast %eq3A_736 : i32 to vector<16xi32>
    %eq3A_738 = arith.cmpi eq, %get3A_732, %eq3A_737 : vector<16xi32>
    %select_n3A_739 = arith.select %eq3A_738, %broadcast_in_dim3A_6, %broadcast_in_dim3A_4 : vector<16xi1>, vector<16xi32>
    %broadcast_in_dim3A_740 = arith.constant true
    %broadcast_in_dim3A_741 = vector.broadcast %broadcast_in_dim3A_740 : i1 to vector<16xi1>
    %masked_cumsum3A_742 = tpu.scan <sum>, %select_n3A_739 masked %broadcast_in_dim3A_741 : vector<16xi32>, vector<16xi1> -> vector<16xi32>
    %sub3A_743 = arith.constant 1 : i32
    %sub3A_744 = vector.broadcast %sub3A_743 : i32 to vector<16xi32>
    %sub3A_745 = arith.subi %masked_cumsum3A_742, %sub3A_744 : vector<16xi32>
    %select_n3A_746 = arith.select %eq3A_738, %sub3A_745, %broadcast_in_dim3A_4 : vector<16xi1>, vector<16xi32>
    %all_reduce_population_count3A_747 = tpu.all_reduce %eq3A_738 {dim = 0 : i64, kind = #tpu.reduction_kind<sum>} : vector<16xi1> -> vector<16xi32>
    %eq3A_748 = arith.constant 0 : i32
    %eq3A_749 = vector.broadcast %eq3A_748 : i32 to vector<16xi32>
    %eq3A_750 = arith.cmpi eq, %iota3A, %eq3A_749 : vector<16xi32>
    %add3A_751 = arith.addi %get3A_735, %all_reduce_population_count3A_747 : vector<16xi32>
    %select_n3A_752 = arith.select %eq3A_750, %add3A_751, %get3A_735 : vector<16xi1>, vector<16xi32>
    %eq3A_753 = arith.constant 1 : i32
    %eq3A_754 = vector.broadcast %eq3A_753 : i32 to vector<16xi32>
    %eq3A_755 = arith.cmpi eq, %get3A_732, %eq3A_754 : vector<16xi32>
    %select_n3A_756 = arith.select %eq3A_755, %broadcast_in_dim3A_6, %broadcast_in_dim3A_4 : vector<16xi1>, vector<16xi32>
    %broadcast_in_dim3A_757 = arith.constant true
    %broadcast_in_dim3A_758 = vector.broadcast %broadcast_in_dim3A_757 : i1 to vector<16xi1>
    %masked_cumsum3A_759 = tpu.scan <sum>, %select_n3A_756 masked %broadcast_in_dim3A_758 : vector<16xi32>, vector<16xi1> -> vector<16xi32>
    %sub3A_760 = arith.constant 1 : i32
    %sub3A_761 = vector.broadcast %sub3A_760 : i32 to vector<16xi32>
    %sub3A_762 = arith.subi %masked_cumsum3A_759, %sub3A_761 : vector<16xi32>
    %select_n3A_763 = arith.select %eq3A_755, %sub3A_762, %select_n3A_746 : vector<16xi1>, vector<16xi32>
    %all_reduce_population_count3A_764 = tpu.all_reduce %eq3A_755 {dim = 0 : i64, kind = #tpu.reduction_kind<sum>} : vector<16xi1> -> vector<16xi32>
    %eq3A_765 = arith.constant 1 : i32
    %eq3A_766 = vector.broadcast %eq3A_765 : i32 to vector<16xi32>
    %eq3A_767 = arith.cmpi eq, %iota3A, %eq3A_766 : vector<16xi32>
    %add3A_768 = arith.addi %select_n3A_752, %all_reduce_population_count3A_764 : vector<16xi32>
    %select_n3A_769 = arith.select %eq3A_767, %add3A_768, %select_n3A_752 : vector<16xi1>, vector<16xi32>
    %eq3A_770 = arith.constant 2 : i32
    %eq3A_771 = vector.broadcast %eq3A_770 : i32 to vector<16xi32>
    %eq3A_772 = arith.cmpi eq, %get3A_732, %eq3A_771 : vector<16xi32>
    %select_n3A_773 = arith.select %eq3A_772, %broadcast_in_dim3A_6, %broadcast_in_dim3A_4 : vector<16xi1>, vector<16xi32>
    %broadcast_in_dim3A_774 = arith.constant true
    %broadcast_in_dim3A_775 = vector.broadcast %broadcast_in_dim3A_774 : i1 to vector<16xi1>
    %masked_cumsum3A_776 = tpu.scan <sum>, %select_n3A_773 masked %broadcast_in_dim3A_775 : vector<16xi32>, vector<16xi1> -> vector<16xi32>
    %sub3A_777 = arith.constant 1 : i32
    %sub3A_778 = vector.broadcast %sub3A_777 : i32 to vector<16xi32>
    %sub3A_779 = arith.subi %masked_cumsum3A_776, %sub3A_778 : vector<16xi32>
    %select_n3A_780 = arith.select %eq3A_772, %sub3A_779, %select_n3A_763 : vector<16xi1>, vector<16xi32>
    %all_reduce_population_count3A_781 = tpu.all_reduce %eq3A_772 {dim = 0 : i64, kind = #tpu.reduction_kind<sum>} : vector<16xi1> -> vector<16xi32>
    %eq3A_782 = arith.constant 2 : i32
    %eq3A_783 = vector.broadcast %eq3A_782 : i32 to vector<16xi32>
    %eq3A_784 = arith.cmpi eq, %iota3A, %eq3A_783 : vector<16xi32>
    %add3A_785 = arith.addi %select_n3A_769, %all_reduce_population_count3A_781 : vector<16xi32>
    %select_n3A_786 = arith.select %eq3A_784, %add3A_785, %select_n3A_769 : vector<16xi1>, vector<16xi32>
    %eq3A_787 = arith.constant 3 : i32
    %eq3A_788 = vector.broadcast %eq3A_787 : i32 to vector<16xi32>
    %eq3A_789 = arith.cmpi eq, %get3A_732, %eq3A_788 : vector<16xi32>
    %select_n3A_790 = arith.select %eq3A_789, %broadcast_in_dim3A_6, %broadcast_in_dim3A_4 : vector<16xi1>, vector<16xi32>
    %broadcast_in_dim3A_791 = arith.constant true
    %broadcast_in_dim3A_792 = vector.broadcast %broadcast_in_dim3A_791 : i1 to vector<16xi1>
    %masked_cumsum3A_793 = tpu.scan <sum>, %select_n3A_790 masked %broadcast_in_dim3A_792 : vector<16xi32>, vector<16xi1> -> vector<16xi32>
    %sub3A_794 = arith.constant 1 : i32
    %sub3A_795 = vector.broadcast %sub3A_794 : i32 to vector<16xi32>
    %sub3A_796 = arith.subi %masked_cumsum3A_793, %sub3A_795 : vector<16xi32>
    %select_n3A_797 = arith.select %eq3A_789, %sub3A_796, %select_n3A_780 : vector<16xi1>, vector<16xi32>
    %all_reduce_population_count3A_798 = tpu.all_reduce %eq3A_789 {dim = 0 : i64, kind = #tpu.reduction_kind<sum>} : vector<16xi1> -> vector<16xi32>
    %eq3A_799 = arith.constant 3 : i32
    %eq3A_800 = vector.broadcast %eq3A_799 : i32 to vector<16xi32>
    %eq3A_801 = arith.cmpi eq, %iota3A, %eq3A_800 : vector<16xi32>
    %add3A_802 = arith.addi %select_n3A_786, %all_reduce_population_count3A_798 : vector<16xi32>
    %select_n3A_803 = arith.select %eq3A_801, %add3A_802, %select_n3A_786 : vector<16xi1>, vector<16xi32>
    %eq3A_804 = arith.constant 4 : i32
    %eq3A_805 = vector.broadcast %eq3A_804 : i32 to vector<16xi32>
    %eq3A_806 = arith.cmpi eq, %get3A_732, %eq3A_805 : vector<16xi32>
    %select_n3A_807 = arith.select %eq3A_806, %broadcast_in_dim3A_6, %broadcast_in_dim3A_4 : vector<16xi1>, vector<16xi32>
    %broadcast_in_dim3A_808 = arith.constant true
    %broadcast_in_dim3A_809 = vector.broadcast %broadcast_in_dim3A_808 : i1 to vector<16xi1>
    %masked_cumsum3A_810 = tpu.scan <sum>, %select_n3A_807 masked %broadcast_in_dim3A_809 : vector<16xi32>, vector<16xi1> -> vector<16xi32>
    %sub3A_811 = arith.constant 1 : i32
    %sub3A_812 = vector.broadcast %sub3A_811 : i32 to vector<16xi32>
    %sub3A_813 = arith.subi %masked_cumsum3A_810, %sub3A_812 : vector<16xi32>
    %select_n3A_814 = arith.select %eq3A_806, %sub3A_813, %select_n3A_797 : vector<16xi1>, vector<16xi32>
    %all_reduce_population_count3A_815 = tpu.all_reduce %eq3A_806 {dim = 0 : i64, kind = #tpu.reduction_kind<sum>} : vector<16xi1> -> vector<16xi32>
    %eq3A_816 = arith.constant 4 : i32
    %eq3A_817 = vector.broadcast %eq3A_816 : i32 to vector<16xi32>
    %eq3A_818 = arith.cmpi eq, %iota3A, %eq3A_817 : vector<16xi32>
    %add3A_819 = arith.addi %select_n3A_803, %all_reduce_population_count3A_815 : vector<16xi32>
    %select_n3A_820 = arith.select %eq3A_818, %add3A_819, %select_n3A_803 : vector<16xi1>, vector<16xi32>
    %eq3A_821 = arith.constant 5 : i32
    %eq3A_822 = vector.broadcast %eq3A_821 : i32 to vector<16xi32>
    %eq3A_823 = arith.cmpi eq, %get3A_732, %eq3A_822 : vector<16xi32>
    %select_n3A_824 = arith.select %eq3A_823, %broadcast_in_dim3A_6, %broadcast_in_dim3A_4 : vector<16xi1>, vector<16xi32>
    %broadcast_in_dim3A_825 = arith.constant true
    %broadcast_in_dim3A_826 = vector.broadcast %broadcast_in_dim3A_825 : i1 to vector<16xi1>
    %masked_cumsum3A_827 = tpu.scan <sum>, %select_n3A_824 masked %broadcast_in_dim3A_826 : vector<16xi32>, vector<16xi1> -> vector<16xi32>
    %sub3A_828 = arith.constant 1 : i32
    %sub3A_829 = vector.broadcast %sub3A_828 : i32 to vector<16xi32>
    %sub3A_830 = arith.subi %masked_cumsum3A_827, %sub3A_829 : vector<16xi32>
    %select_n3A_831 = arith.select %eq3A_823, %sub3A_830, %select_n3A_814 : vector<16xi1>, vector<16xi32>
    %all_reduce_population_count3A_832 = tpu.all_reduce %eq3A_823 {dim = 0 : i64, kind = #tpu.reduction_kind<sum>} : vector<16xi1> -> vector<16xi32>
    %eq3A_833 = arith.constant 5 : i32
    %eq3A_834 = vector.broadcast %eq3A_833 : i32 to vector<16xi32>
    %eq3A_835 = arith.cmpi eq, %iota3A, %eq3A_834 : vector<16xi32>
    %add3A_836 = arith.addi %select_n3A_820, %all_reduce_population_count3A_832 : vector<16xi32>
    %select_n3A_837 = arith.select %eq3A_835, %add3A_836, %select_n3A_820 : vector<16xi1>, vector<16xi32>
    %eq3A_838 = arith.constant 6 : i32
    %eq3A_839 = vector.broadcast %eq3A_838 : i32 to vector<16xi32>
    %eq3A_840 = arith.cmpi eq, %get3A_732, %eq3A_839 : vector<16xi32>
    %select_n3A_841 = arith.select %eq3A_840, %broadcast_in_dim3A_6, %broadcast_in_dim3A_4 : vector<16xi1>, vector<16xi32>
    %broadcast_in_dim3A_842 = arith.constant true
    %broadcast_in_dim3A_843 = vector.broadcast %broadcast_in_dim3A_842 : i1 to vector<16xi1>
    %masked_cumsum3A_844 = tpu.scan <sum>, %select_n3A_841 masked %broadcast_in_dim3A_843 : vector<16xi32>, vector<16xi1> -> vector<16xi32>
    %sub3A_845 = arith.constant 1 : i32
    %sub3A_846 = vector.broadcast %sub3A_845 : i32 to vector<16xi32>
    %sub3A_847 = arith.subi %masked_cumsum3A_844, %sub3A_846 : vector<16xi32>
    %select_n3A_848 = arith.select %eq3A_840, %sub3A_847, %select_n3A_831 : vector<16xi1>, vector<16xi32>
    %all_reduce_population_count3A_849 = tpu.all_reduce %eq3A_840 {dim = 0 : i64, kind = #tpu.reduction_kind<sum>} : vector<16xi1> -> vector<16xi32>
    %eq3A_850 = arith.constant 6 : i32
    %eq3A_851 = vector.broadcast %eq3A_850 : i32 to vector<16xi32>
    %eq3A_852 = arith.cmpi eq, %iota3A, %eq3A_851 : vector<16xi32>
    %add3A_853 = arith.addi %select_n3A_837, %all_reduce_population_count3A_849 : vector<16xi32>
    %select_n3A_854 = arith.select %eq3A_852, %add3A_853, %select_n3A_837 : vector<16xi1>, vector<16xi32>
    %eq3A_855 = arith.constant 7 : i32
    %eq3A_856 = vector.broadcast %eq3A_855 : i32 to vector<16xi32>
    %eq3A_857 = arith.cmpi eq, %get3A_732, %eq3A_856 : vector<16xi32>
    %select_n3A_858 = arith.select %eq3A_857, %broadcast_in_dim3A_6, %broadcast_in_dim3A_4 : vector<16xi1>, vector<16xi32>
    %broadcast_in_dim3A_859 = arith.constant true
    %broadcast_in_dim3A_860 = vector.broadcast %broadcast_in_dim3A_859 : i1 to vector<16xi1>
    %masked_cumsum3A_861 = tpu.scan <sum>, %select_n3A_858 masked %broadcast_in_dim3A_860 : vector<16xi32>, vector<16xi1> -> vector<16xi32>
    %sub3A_862 = arith.constant 1 : i32
    %sub3A_863 = vector.broadcast %sub3A_862 : i32 to vector<16xi32>
    %sub3A_864 = arith.subi %masked_cumsum3A_861, %sub3A_863 : vector<16xi32>
    %select_n3A_865 = arith.select %eq3A_857, %sub3A_864, %select_n3A_848 : vector<16xi1>, vector<16xi32>
    %all_reduce_population_count3A_866 = tpu.all_reduce %eq3A_857 {dim = 0 : i64, kind = #tpu.reduction_kind<sum>} : vector<16xi1> -> vector<16xi32>
    %eq3A_867 = arith.constant 7 : i32
    %eq3A_868 = vector.broadcast %eq3A_867 : i32 to vector<16xi32>
    %eq3A_869 = arith.cmpi eq, %iota3A, %eq3A_868 : vector<16xi32>
    %add3A_870 = arith.addi %select_n3A_854, %all_reduce_population_count3A_866 : vector<16xi32>
    %select_n3A_871 = arith.select %eq3A_869, %add3A_870, %select_n3A_854 : vector<16xi1>, vector<16xi32>
    %swap3A_872 = arith.constant 0 : index
    %swap3A_873 = tpu.vector_load %arg17[%swap3A_872] {strides = array<i32>} : memref<16xi32, #tpu.memory_space<vmem>>, vector<16xi32>,
    tpu.vector_store %arg17[%swap3A_872], %select_n3A_871 {strides = array<i32>} : memref<16xi32, #tpu.memory_space<vmem>>, vector<16xi32>,
    %add3A_874 = arith.addi %gather3A_733, %select_n3A_865 : vector<16xi32>
    %swap3A_875 = arith.constant 48 : index
    %swap3A_876 = tpu.vector_load %arg18[%swap3A_875] {strides = array<i32>} : memref<64xi32, #tpu.memory_space<vmem>>, vector<16xi32>,
    tpu.vector_store %arg18[%swap3A_875], %add3A_874 {strides = array<i32>} : memref<64xi32, #tpu.memory_space<vmem>>, vector<16xi32>,
    %get3A_877 = arith.constant 0 : index
    %get3A_878 = tpu.vector_load %arg14[%get3A_877] {strides = array<i32>} : memref<64xi32, #tpu.memory_space<vmem>>, vector<16xi32>,
    %gather3A_879 = tpu.vector_load_idx %arg17[%get3A_878] : memref<16xi32, #tpu.memory_space<vmem>>[vector<16xi32>], vector<16xi32>,
    %get3A_880 = arith.constant 0 : index
    %get3A_881 = tpu.vector_load %arg17[%get3A_880] {strides = array<i32>} : memref<16xi32, #tpu.memory_space<vmem>>, vector<16xi32>,
    %eq3A_882 = arith.constant 0 : i32
    %eq3A_883 = vector.broadcast %eq3A_882 : i32 to vector<16xi32>
    %eq3A_884 = arith.cmpi eq, %get3A_878, %eq3A_883 : vector<16xi32>
    %select_n3A_885 = arith.select %eq3A_884, %broadcast_in_dim3A_6, %broadcast_in_dim3A_4 : vector<16xi1>, vector<16xi32>
    %broadcast_in_dim3A_886 = arith.constant true
    %broadcast_in_dim3A_887 = vector.broadcast %broadcast_in_dim3A_886 : i1 to vector<16xi1>
    %masked_cumsum3A_888 = tpu.scan <sum>, %select_n3A_885 masked %broadcast_in_dim3A_887 : vector<16xi32>, vector<16xi1> -> vector<16xi32>
    %sub3A_889 = arith.constant 1 : i32
    %sub3A_890 = vector.broadcast %sub3A_889 : i32 to vector<16xi32>
    %sub3A_891 = arith.subi %masked_cumsum3A_888, %sub3A_890 : vector<16xi32>
    %select_n3A_892 = arith.select %eq3A_884, %sub3A_891, %broadcast_in_dim3A_4 : vector<16xi1>, vector<16xi32>
    %all_reduce_population_count3A_893 = tpu.all_reduce %eq3A_884 {dim = 0 : i64, kind = #tpu.reduction_kind<sum>} : vector<16xi1> -> vector<16xi32>
    %eq3A_894 = arith.constant 0 : i32
    %eq3A_895 = vector.broadcast %eq3A_894 : i32 to vector<16xi32>
    %eq3A_896 = arith.cmpi eq, %iota3A, %eq3A_895 : vector<16xi32>
    %add3A_897 = arith.addi %get3A_881, %all_reduce_population_count3A_893 : vector<16xi32>
    %select_n3A_898 = arith.select %eq3A_896, %add3A_897, %get3A_881 : vector<16xi1>, vector<16xi32>
    %eq3A_899 = arith.constant 1 : i32
    %eq3A_900 = vector.broadcast %eq3A_899 : i32 to vector<16xi32>
    %eq3A_901 = arith.cmpi eq, %get3A_878, %eq3A_900 : vector<16xi32>
    %select_n3A_902 = arith.select %eq3A_901, %broadcast_in_dim3A_6, %broadcast_in_dim3A_4 : vector<16xi1>, vector<16xi32>
    %broadcast_in_dim3A_903 = arith.constant true
    %broadcast_in_dim3A_904 = vector.broadcast %broadcast_in_dim3A_903 : i1 to vector<16xi1>
    %masked_cumsum3A_905 = tpu.scan <sum>, %select_n3A_902 masked %broadcast_in_dim3A_904 : vector<16xi32>, vector<16xi1> -> vector<16xi32>
    %sub3A_906 = arith.constant 1 : i32
    %sub3A_907 = vector.broadcast %sub3A_906 : i32 to vector<16xi32>
    %sub3A_908 = arith.subi %masked_cumsum3A_905, %sub3A_907 : vector<16xi32>
    %select_n3A_909 = arith.select %eq3A_901, %sub3A_908, %select_n3A_892 : vector<16xi1>, vector<16xi32>
    %all_reduce_population_count3A_910 = tpu.all_reduce %eq3A_901 {dim = 0 : i64, kind = #tpu.reduction_kind<sum>} : vector<16xi1> -> vector<16xi32>
    %eq3A_911 = arith.constant 1 : i32
    %eq3A_912 = vector.broadcast %eq3A_911 : i32 to vector<16xi32>
    %eq3A_913 = arith.cmpi eq, %iota3A, %eq3A_912 : vector<16xi32>
    %add3A_914 = arith.addi %select_n3A_898, %all_reduce_population_count3A_910 : vector<16xi32>
    %select_n3A_915 = arith.select %eq3A_913, %add3A_914, %select_n3A_898 : vector<16xi1>, vector<16xi32>
    %eq3A_916 = arith.constant 2 : i32
    %eq3A_917 = vector.broadcast %eq3A_916 : i32 to vector<16xi32>
    %eq3A_918 = arith.cmpi eq, %get3A_878, %eq3A_917 : vector<16xi32>
    %select_n3A_919 = arith.select %eq3A_918, %broadcast_in_dim3A_6, %broadcast_in_dim3A_4 : vector<16xi1>, vector<16xi32>
    %broadcast_in_dim3A_920 = arith.constant true
    %broadcast_in_dim3A_921 = vector.broadcast %broadcast_in_dim3A_920 : i1 to vector<16xi1>
    %masked_cumsum3A_922 = tpu.scan <sum>, %select_n3A_919 masked %broadcast_in_dim3A_921 : vector<16xi32>, vector<16xi1> -> vector<16xi32>
    %sub3A_923 = arith.constant 1 : i32
    %sub3A_924 = vector.broadcast %sub3A_923 : i32 to vector<16xi32>
    %sub3A_925 = arith.subi %masked_cumsum3A_922, %sub3A_924 : vector<16xi32>
    %select_n3A_926 = arith.select %eq3A_918, %sub3A_925, %select_n3A_909 : vector<16xi1>, vector<16xi32>
    %all_reduce_population_count3A_927 = tpu.all_reduce %eq3A_918 {dim = 0 : i64, kind = #tpu.reduction_kind<sum>} : vector<16xi1> -> vector<16xi32>
    %eq3A_928 = arith.constant 2 : i32
    %eq3A_929 = vector.broadcast %eq3A_928 : i32 to vector<16xi32>
    %eq3A_930 = arith.cmpi eq, %iota3A, %eq3A_929 : vector<16xi32>
    %add3A_931 = arith.addi %select_n3A_915, %all_reduce_population_count3A_927 : vector<16xi32>
    %select_n3A_932 = arith.select %eq3A_930, %add3A_931, %select_n3A_915 : vector<16xi1>, vector<16xi32>
    %eq3A_933 = arith.constant 3 : i32
    %eq3A_934 = vector.broadcast %eq3A_933 : i32 to vector<16xi32>
    %eq3A_935 = arith.cmpi eq, %get3A_878, %eq3A_934 : vector<16xi32>
    %select_n3A_936 = arith.select %eq3A_935, %broadcast_in_dim3A_6, %broadcast_in_dim3A_4 : vector<16xi1>, vector<16xi32>
    %broadcast_in_dim3A_937 = arith.constant true
    %broadcast_in_dim3A_938 = vector.broadcast %broadcast_in_dim3A_937 : i1 to vector<16xi1>
    %masked_cumsum3A_939 = tpu.scan <sum>, %select_n3A_936 masked %broadcast_in_dim3A_938 : vector<16xi32>, vector<16xi1> -> vector<16xi32>
    %sub3A_940 = arith.constant 1 : i32
    %sub3A_941 = vector.broadcast %sub3A_940 : i32 to vector<16xi32>
    %sub3A_942 = arith.subi %masked_cumsum3A_939, %sub3A_941 : vector<16xi32>
    %select_n3A_943 = arith.select %eq3A_935, %sub3A_942, %select_n3A_926 : vector<16xi1>, vector<16xi32>
    %all_reduce_population_count3A_944 = tpu.all_reduce %eq3A_935 {dim = 0 : i64, kind = #tpu.reduction_kind<sum>} : vector<16xi1> -> vector<16xi32>
    %eq3A_945 = arith.constant 3 : i32
    %eq3A_946 = vector.broadcast %eq3A_945 : i32 to vector<16xi32>
    %eq3A_947 = arith.cmpi eq, %iota3A, %eq3A_946 : vector<16xi32>
    %add3A_948 = arith.addi %select_n3A_932, %all_reduce_population_count3A_944 : vector<16xi32>
    %select_n3A_949 = arith.select %eq3A_947, %add3A_948, %select_n3A_932 : vector<16xi1>, vector<16xi32>
    %eq3A_950 = arith.constant 4 : i32
    %eq3A_951 = vector.broadcast %eq3A_950 : i32 to vector<16xi32>
    %eq3A_952 = arith.cmpi eq, %get3A_878, %eq3A_951 : vector<16xi32>
    %select_n3A_953 = arith.select %eq3A_952, %broadcast_in_dim3A_6, %broadcast_in_dim3A_4 : vector<16xi1>, vector<16xi32>
    %broadcast_in_dim3A_954 = arith.constant true
    %broadcast_in_dim3A_955 = vector.broadcast %broadcast_in_dim3A_954 : i1 to vector<16xi1>
    %masked_cumsum3A_956 = tpu.scan <sum>, %select_n3A_953 masked %broadcast_in_dim3A_955 : vector<16xi32>, vector<16xi1> -> vector<16xi32>
    %sub3A_957 = arith.constant 1 : i32
    %sub3A_958 = vector.broadcast %sub3A_957 : i32 to vector<16xi32>
    %sub3A_959 = arith.subi %masked_cumsum3A_956, %sub3A_958 : vector<16xi32>
    %select_n3A_960 = arith.select %eq3A_952, %sub3A_959, %select_n3A_943 : vector<16xi1>, vector<16xi32>
    %all_reduce_population_count3A_961 = tpu.all_reduce %eq3A_952 {dim = 0 : i64, kind = #tpu.reduction_kind<sum>} : vector<16xi1> -> vector<16xi32>
    %eq3A_962 = arith.constant 4 : i32
    %eq3A_963 = vector.broadcast %eq3A_962 : i32 to vector<16xi32>
    %eq3A_964 = arith.cmpi eq, %iota3A, %eq3A_963 : vector<16xi32>
    %add3A_965 = arith.addi %select_n3A_949, %all_reduce_population_count3A_961 : vector<16xi32>
    %select_n3A_966 = arith.select %eq3A_964, %add3A_965, %select_n3A_949 : vector<16xi1>, vector<16xi32>
    %eq3A_967 = arith.constant 5 : i32
    %eq3A_968 = vector.broadcast %eq3A_967 : i32 to vector<16xi32>
    %eq3A_969 = arith.cmpi eq, %get3A_878, %eq3A_968 : vector<16xi32>
    %select_n3A_970 = arith.select %eq3A_969, %broadcast_in_dim3A_6, %broadcast_in_dim3A_4 : vector<16xi1>, vector<16xi32>
    %broadcast_in_dim3A_971 = arith.constant true
    %broadcast_in_dim3A_972 = vector.broadcast %broadcast_in_dim3A_971 : i1 to vector<16xi1>
    %masked_cumsum3A_973 = tpu.scan <sum>, %select_n3A_970 masked %broadcast_in_dim3A_972 : vector<16xi32>, vector<16xi1> -> vector<16xi32>
    %sub3A_974 = arith.constant 1 : i32
    %sub3A_975 = vector.broadcast %sub3A_974 : i32 to vector<16xi32>
    %sub3A_976 = arith.subi %masked_cumsum3A_973, %sub3A_975 : vector<16xi32>
    %select_n3A_977 = arith.select %eq3A_969, %sub3A_976, %select_n3A_960 : vector<16xi1>, vector<16xi32>
    %all_reduce_population_count3A_978 = tpu.all_reduce %eq3A_969 {dim = 0 : i64, kind = #tpu.reduction_kind<sum>} : vector<16xi1> -> vector<16xi32>
    %eq3A_979 = arith.constant 5 : i32
    %eq3A_980 = vector.broadcast %eq3A_979 : i32 to vector<16xi32>
    %eq3A_981 = arith.cmpi eq, %iota3A, %eq3A_980 : vector<16xi32>
    %add3A_982 = arith.addi %select_n3A_966, %all_reduce_population_count3A_978 : vector<16xi32>
    %select_n3A_983 = arith.select %eq3A_981, %add3A_982, %select_n3A_966 : vector<16xi1>, vector<16xi32>
    %eq3A_984 = arith.constant 6 : i32
    %eq3A_985 = vector.broadcast %eq3A_984 : i32 to vector<16xi32>
    %eq3A_986 = arith.cmpi eq, %get3A_878, %eq3A_985 : vector<16xi32>
    %select_n3A_987 = arith.select %eq3A_986, %broadcast_in_dim3A_6, %broadcast_in_dim3A_4 : vector<16xi1>, vector<16xi32>
    %broadcast_in_dim3A_988 = arith.constant true
    %broadcast_in_dim3A_989 = vector.broadcast %broadcast_in_dim3A_988 : i1 to vector<16xi1>
    %masked_cumsum3A_990 = tpu.scan <sum>, %select_n3A_987 masked %broadcast_in_dim3A_989 : vector<16xi32>, vector<16xi1> -> vector<16xi32>
    %sub3A_991 = arith.constant 1 : i32
    %sub3A_992 = vector.broadcast %sub3A_991 : i32 to vector<16xi32>
    %sub3A_993 = arith.subi %masked_cumsum3A_990, %sub3A_992 : vector<16xi32>
    %select_n3A_994 = arith.select %eq3A_986, %sub3A_993, %select_n3A_977 : vector<16xi1>, vector<16xi32>
    %all_reduce_population_count3A_995 = tpu.all_reduce %eq3A_986 {dim = 0 : i64, kind = #tpu.reduction_kind<sum>} : vector<16xi1> -> vector<16xi32>
    %eq3A_996 = arith.constant 6 : i32
    %eq3A_997 = vector.broadcast %eq3A_996 : i32 to vector<16xi32>
    %eq3A_998 = arith.cmpi eq, %iota3A, %eq3A_997 : vector<16xi32>
    %add3A_999 = arith.addi %select_n3A_983, %all_reduce_population_count3A_995 : vector<16xi32>
    %select_n3A_1000 = arith.select %eq3A_998, %add3A_999, %select_n3A_983 : vector<16xi1>, vector<16xi32>
    %eq3A_1001 = arith.constant 7 : i32
    %eq3A_1002 = vector.broadcast %eq3A_1001 : i32 to vector<16xi32>
    %eq3A_1003 = arith.cmpi eq, %get3A_878, %eq3A_1002 : vector<16xi32>
    %select_n3A_1004 = arith.select %eq3A_1003, %broadcast_in_dim3A_6, %broadcast_in_dim3A_4 : vector<16xi1>, vector<16xi32>
    %broadcast_in_dim3A_1005 = arith.constant true
    %broadcast_in_dim3A_1006 = vector.broadcast %broadcast_in_dim3A_1005 : i1 to vector<16xi1>
    %masked_cumsum3A_1007 = tpu.scan <sum>, %select_n3A_1004 masked %broadcast_in_dim3A_1006 : vector<16xi32>, vector<16xi1> -> vector<16xi32>
    %sub3A_1008 = arith.constant 1 : i32
    %sub3A_1009 = vector.broadcast %sub3A_1008 : i32 to vector<16xi32>
    %sub3A_1010 = arith.subi %masked_cumsum3A_1007, %sub3A_1009 : vector<16xi32>
    %select_n3A_1011 = arith.select %eq3A_1003, %sub3A_1010, %select_n3A_994 : vector<16xi1>, vector<16xi32>
    %all_reduce_population_count3A_1012 = tpu.all_reduce %eq3A_1003 {dim = 0 : i64, kind = #tpu.reduction_kind<sum>} : vector<16xi1> -> vector<16xi32>
    %eq3A_1013 = arith.constant 7 : i32
    %eq3A_1014 = vector.broadcast %eq3A_1013 : i32 to vector<16xi32>
    %eq3A_1015 = arith.cmpi eq, %iota3A, %eq3A_1014 : vector<16xi32>
    %add3A_1016 = arith.addi %select_n3A_1000, %all_reduce_population_count3A_1012 : vector<16xi32>
    %select_n3A_1017 = arith.select %eq3A_1015, %add3A_1016, %select_n3A_1000 : vector<16xi1>, vector<16xi32>
    %swap3A_1018 = arith.constant 0 : index
    %swap3A_1019 = tpu.vector_load %arg17[%swap3A_1018] {strides = array<i32>} : memref<16xi32, #tpu.memory_space<vmem>>, vector<16xi32>,
    tpu.vector_store %arg17[%swap3A_1018], %select_n3A_1017 {strides = array<i32>} : memref<16xi32, #tpu.memory_space<vmem>>, vector<16xi32>,
    %add3A_1020 = arith.addi %gather3A_879, %select_n3A_1011 : vector<16xi32>
    %swap3A_1021 = arith.constant 0 : index
    %swap3A_1022 = tpu.vector_load %arg19[%swap3A_1021] {strides = array<i32>} : memref<64xi32, #tpu.memory_space<vmem>>, vector<16xi32>,
    tpu.vector_store %arg19[%swap3A_1021], %add3A_1020 {strides = array<i32>} : memref<64xi32, #tpu.memory_space<vmem>>, vector<16xi32>,
    %get3A_1023 = arith.constant 16 : index
    %get3A_1024 = tpu.vector_load %arg14[%get3A_1023] {strides = array<i32>} : memref<64xi32, #tpu.memory_space<vmem>>, vector<16xi32>,
    %gather3A_1025 = tpu.vector_load_idx %arg17[%get3A_1024] : memref<16xi32, #tpu.memory_space<vmem>>[vector<16xi32>], vector<16xi32>,
    %get3A_1026 = arith.constant 0 : index
    %get3A_1027 = tpu.vector_load %arg17[%get3A_1026] {strides = array<i32>} : memref<16xi32, #tpu.memory_space<vmem>>, vector<16xi32>,
    %eq3A_1028 = arith.constant 0 : i32
    %eq3A_1029 = vector.broadcast %eq3A_1028 : i32 to vector<16xi32>
    %eq3A_1030 = arith.cmpi eq, %get3A_1024, %eq3A_1029 : vector<16xi32>
    %select_n3A_1031 = arith.select %eq3A_1030, %broadcast_in_dim3A_6, %broadcast_in_dim3A_4 : vector<16xi1>, vector<16xi32>
    %broadcast_in_dim3A_1032 = arith.constant true
    %broadcast_in_dim3A_1033 = vector.broadcast %broadcast_in_dim3A_1032 : i1 to vector<16xi1>
    %masked_cumsum3A_1034 = tpu.scan <sum>, %select_n3A_1031 masked %broadcast_in_dim3A_1033 : vector<16xi32>, vector<16xi1> -> vector<16xi32>
    %sub3A_1035 = arith.constant 1 : i32
    %sub3A_1036 = vector.broadcast %sub3A_1035 : i32 to vector<16xi32>
    %sub3A_1037 = arith.subi %masked_cumsum3A_1034, %sub3A_1036 : vector<16xi32>
    %select_n3A_1038 = arith.select %eq3A_1030, %sub3A_1037, %broadcast_in_dim3A_4 : vector<16xi1>, vector<16xi32>
    %all_reduce_population_count3A_1039 = tpu.all_reduce %eq3A_1030 {dim = 0 : i64, kind = #tpu.reduction_kind<sum>} : vector<16xi1> -> vector<16xi32>
    %eq3A_1040 = arith.constant 0 : i32
    %eq3A_1041 = vector.broadcast %eq3A_1040 : i32 to vector<16xi32>
    %eq3A_1042 = arith.cmpi eq, %iota3A, %eq3A_1041 : vector<16xi32>
    %add3A_1043 = arith.addi %get3A_1027, %all_reduce_population_count3A_1039 : vector<16xi32>
    %select_n3A_1044 = arith.select %eq3A_1042, %add3A_1043, %get3A_1027 : vector<16xi1>, vector<16xi32>
    %eq3A_1045 = arith.constant 1 : i32
    %eq3A_1046 = vector.broadcast %eq3A_1045 : i32 to vector<16xi32>
    %eq3A_1047 = arith.cmpi eq, %get3A_1024, %eq3A_1046 : vector<16xi32>
    %select_n3A_1048 = arith.select %eq3A_1047, %broadcast_in_dim3A_6, %broadcast_in_dim3A_4 : vector<16xi1>, vector<16xi32>
    %broadcast_in_dim3A_1049 = arith.constant true
    %broadcast_in_dim3A_1050 = vector.broadcast %broadcast_in_dim3A_1049 : i1 to vector<16xi1>
    %masked_cumsum3A_1051 = tpu.scan <sum>, %select_n3A_1048 masked %broadcast_in_dim3A_1050 : vector<16xi32>, vector<16xi1> -> vector<16xi32>
    %sub3A_1052 = arith.constant 1 : i32
    %sub3A_1053 = vector.broadcast %sub3A_1052 : i32 to vector<16xi32>
    %sub3A_1054 = arith.subi %masked_cumsum3A_1051, %sub3A_1053 : vector<16xi32>
    %select_n3A_1055 = arith.select %eq3A_1047, %sub3A_1054, %select_n3A_1038 : vector<16xi1>, vector<16xi32>
    %all_reduce_population_count3A_1056 = tpu.all_reduce %eq3A_1047 {dim = 0 : i64, kind = #tpu.reduction_kind<sum>} : vector<16xi1> -> vector<16xi32>
    %eq3A_1057 = arith.constant 1 : i32
    %eq3A_1058 = vector.broadcast %eq3A_1057 : i32 to vector<16xi32>
    %eq3A_1059 = arith.cmpi eq, %iota3A, %eq3A_1058 : vector<16xi32>
    %add3A_1060 = arith.addi %select_n3A_1044, %all_reduce_population_count3A_1056 : vector<16xi32>
    %select_n3A_1061 = arith.select %eq3A_1059, %add3A_1060, %select_n3A_1044 : vector<16xi1>, vector<16xi32>
    %eq3A_1062 = arith.constant 2 : i32
    %eq3A_1063 = vector.broadcast %eq3A_1062 : i32 to vector<16xi32>
    %eq3A_1064 = arith.cmpi eq, %get3A_1024, %eq3A_1063 : vector<16xi32>
    %select_n3A_1065 = arith.select %eq3A_1064, %broadcast_in_dim3A_6, %broadcast_in_dim3A_4 : vector<16xi1>, vector<16xi32>
    %broadcast_in_dim3A_1066 = arith.constant true
    %broadcast_in_dim3A_1067 = vector.broadcast %broadcast_in_dim3A_1066 : i1 to vector<16xi1>
    %masked_cumsum3A_1068 = tpu.scan <sum>, %select_n3A_1065 masked %broadcast_in_dim3A_1067 : vector<16xi32>, vector<16xi1> -> vector<16xi32>
    %sub3A_1069 = arith.constant 1 : i32
    %sub3A_1070 = vector.broadcast %sub3A_1069 : i32 to vector<16xi32>
    %sub3A_1071 = arith.subi %masked_cumsum3A_1068, %sub3A_1070 : vector<16xi32>
    %select_n3A_1072 = arith.select %eq3A_1064, %sub3A_1071, %select_n3A_1055 : vector<16xi1>, vector<16xi32>
    %all_reduce_population_count3A_1073 = tpu.all_reduce %eq3A_1064 {dim = 0 : i64, kind = #tpu.reduction_kind<sum>} : vector<16xi1> -> vector<16xi32>
    %eq3A_1074 = arith.constant 2 : i32
    %eq3A_1075 = vector.broadcast %eq3A_1074 : i32 to vector<16xi32>
    %eq3A_1076 = arith.cmpi eq, %iota3A, %eq3A_1075 : vector<16xi32>
    %add3A_1077 = arith.addi %select_n3A_1061, %all_reduce_population_count3A_1073 : vector<16xi32>
    %select_n3A_1078 = arith.select %eq3A_1076, %add3A_1077, %select_n3A_1061 : vector<16xi1>, vector<16xi32>
    %eq3A_1079 = arith.constant 3 : i32
    %eq3A_1080 = vector.broadcast %eq3A_1079 : i32 to vector<16xi32>
    %eq3A_1081 = arith.cmpi eq, %get3A_1024, %eq3A_1080 : vector<16xi32>
    %select_n3A_1082 = arith.select %eq3A_1081, %broadcast_in_dim3A_6, %broadcast_in_dim3A_4 : vector<16xi1>, vector<16xi32>
    %broadcast_in_dim3A_1083 = arith.constant true
    %broadcast_in_dim3A_1084 = vector.broadcast %broadcast_in_dim3A_1083 : i1 to vector<16xi1>
    %masked_cumsum3A_1085 = tpu.scan <sum>, %select_n3A_1082 masked %broadcast_in_dim3A_1084 : vector<16xi32>, vector<16xi1> -> vector<16xi32>
    %sub3A_1086 = arith.constant 1 : i32
    %sub3A_1087 = vector.broadcast %sub3A_1086 : i32 to vector<16xi32>
    %sub3A_1088 = arith.subi %masked_cumsum3A_1085, %sub3A_1087 : vector<16xi32>
    %select_n3A_1089 = arith.select %eq3A_1081, %sub3A_1088, %select_n3A_1072 : vector<16xi1>, vector<16xi32>
    %all_reduce_population_count3A_1090 = tpu.all_reduce %eq3A_1081 {dim = 0 : i64, kind = #tpu.reduction_kind<sum>} : vector<16xi1> -> vector<16xi32>
    %eq3A_1091 = arith.constant 3 : i32
    %eq3A_1092 = vector.broadcast %eq3A_1091 : i32 to vector<16xi32>
    %eq3A_1093 = arith.cmpi eq, %iota3A, %eq3A_1092 : vector<16xi32>
    %add3A_1094 = arith.addi %select_n3A_1078, %all_reduce_population_count3A_1090 : vector<16xi32>
    %select_n3A_1095 = arith.select %eq3A_1093, %add3A_1094, %select_n3A_1078 : vector<16xi1>, vector<16xi32>
    %eq3A_1096 = arith.constant 4 : i32
    %eq3A_1097 = vector.broadcast %eq3A_1096 : i32 to vector<16xi32>
    %eq3A_1098 = arith.cmpi eq, %get3A_1024, %eq3A_1097 : vector<16xi32>
    %select_n3A_1099 = arith.select %eq3A_1098, %broadcast_in_dim3A_6, %broadcast_in_dim3A_4 : vector<16xi1>, vector<16xi32>
    %broadcast_in_dim3A_1100 = arith.constant true
    %broadcast_in_dim3A_1101 = vector.broadcast %broadcast_in_dim3A_1100 : i1 to vector<16xi1>
    %masked_cumsum3A_1102 = tpu.scan <sum>, %select_n3A_1099 masked %broadcast_in_dim3A_1101 : vector<16xi32>, vector<16xi1> -> vector<16xi32>
    %sub3A_1103 = arith.constant 1 : i32
    %sub3A_1104 = vector.broadcast %sub3A_1103 : i32 to vector<16xi32>
    %sub3A_1105 = arith.subi %masked_cumsum3A_1102, %sub3A_1104 : vector<16xi32>
    %select_n3A_1106 = arith.select %eq3A_1098, %sub3A_1105, %select_n3A_1089 : vector<16xi1>, vector<16xi32>
    %all_reduce_population_count3A_1107 = tpu.all_reduce %eq3A_1098 {dim = 0 : i64, kind = #tpu.reduction_kind<sum>} : vector<16xi1> -> vector<16xi32>
    %eq3A_1108 = arith.constant 4 : i32
    %eq3A_1109 = vector.broadcast %eq3A_1108 : i32 to vector<16xi32>
    %eq3A_1110 = arith.cmpi eq, %iota3A, %eq3A_1109 : vector<16xi32>
    %add3A_1111 = arith.addi %select_n3A_1095, %all_reduce_population_count3A_1107 : vector<16xi32>
    %select_n3A_1112 = arith.select %eq3A_1110, %add3A_1111, %select_n3A_1095 : vector<16xi1>, vector<16xi32>
    %eq3A_1113 = arith.constant 5 : i32
    %eq3A_1114 = vector.broadcast %eq3A_1113 : i32 to vector<16xi32>
    %eq3A_1115 = arith.cmpi eq, %get3A_1024, %eq3A_1114 : vector<16xi32>
    %select_n3A_1116 = arith.select %eq3A_1115, %broadcast_in_dim3A_6, %broadcast_in_dim3A_4 : vector<16xi1>, vector<16xi32>
    %broadcast_in_dim3A_1117 = arith.constant true
    %broadcast_in_dim3A_1118 = vector.broadcast %broadcast_in_dim3A_1117 : i1 to vector<16xi1>
    %masked_cumsum3A_1119 = tpu.scan <sum>, %select_n3A_1116 masked %broadcast_in_dim3A_1118 : vector<16xi32>, vector<16xi1> -> vector<16xi32>
    %sub3A_1120 = arith.constant 1 : i32
    %sub3A_1121 = vector.broadcast %sub3A_1120 : i32 to vector<16xi32>
    %sub3A_1122 = arith.subi %masked_cumsum3A_1119, %sub3A_1121 : vector<16xi32>
    %select_n3A_1123 = arith.select %eq3A_1115, %sub3A_1122, %select_n3A_1106 : vector<16xi1>, vector<16xi32>
    %all_reduce_population_count3A_1124 = tpu.all_reduce %eq3A_1115 {dim = 0 : i64, kind = #tpu.reduction_kind<sum>} : vector<16xi1> -> vector<16xi32>
    %eq3A_1125 = arith.constant 5 : i32
    %eq3A_1126 = vector.broadcast %eq3A_1125 : i32 to vector<16xi32>
    %eq3A_1127 = arith.cmpi eq, %iota3A, %eq3A_1126 : vector<16xi32>
    %add3A_1128 = arith.addi %select_n3A_1112, %all_reduce_population_count3A_1124 : vector<16xi32>
    %select_n3A_1129 = arith.select %eq3A_1127, %add3A_1128, %select_n3A_1112 : vector<16xi1>, vector<16xi32>
    %eq3A_1130 = arith.constant 6 : i32
    %eq3A_1131 = vector.broadcast %eq3A_1130 : i32 to vector<16xi32>
    %eq3A_1132 = arith.cmpi eq, %get3A_1024, %eq3A_1131 : vector<16xi32>
    %select_n3A_1133 = arith.select %eq3A_1132, %broadcast_in_dim3A_6, %broadcast_in_dim3A_4 : vector<16xi1>, vector<16xi32>
    %broadcast_in_dim3A_1134 = arith.constant true
    %broadcast_in_dim3A_1135 = vector.broadcast %broadcast_in_dim3A_1134 : i1 to vector<16xi1>
    %masked_cumsum3A_1136 = tpu.scan <sum>, %select_n3A_1133 masked %broadcast_in_dim3A_1135 : vector<16xi32>, vector<16xi1> -> vector<16xi32>
    %sub3A_1137 = arith.constant 1 : i32
    %sub3A_1138 = vector.broadcast %sub3A_1137 : i32 to vector<16xi32>
    %sub3A_1139 = arith.subi %masked_cumsum3A_1136, %sub3A_1138 : vector<16xi32>
    %select_n3A_1140 = arith.select %eq3A_1132, %sub3A_1139, %select_n3A_1123 : vector<16xi1>, vector<16xi32>
    %all_reduce_population_count3A_1141 = tpu.all_reduce %eq3A_1132 {dim = 0 : i64, kind = #tpu.reduction_kind<sum>} : vector<16xi1> -> vector<16xi32>
    %eq3A_1142 = arith.constant 6 : i32
    %eq3A_1143 = vector.broadcast %eq3A_1142 : i32 to vector<16xi32>
    %eq3A_1144 = arith.cmpi eq, %iota3A, %eq3A_1143 : vector<16xi32>
    %add3A_1145 = arith.addi %select_n3A_1129, %all_reduce_population_count3A_1141 : vector<16xi32>
    %select_n3A_1146 = arith.select %eq3A_1144, %add3A_1145, %select_n3A_1129 : vector<16xi1>, vector<16xi32>
    %eq3A_1147 = arith.constant 7 : i32
    %eq3A_1148 = vector.broadcast %eq3A_1147 : i32 to vector<16xi32>
    %eq3A_1149 = arith.cmpi eq, %get3A_1024, %eq3A_1148 : vector<16xi32>
    %select_n3A_1150 = arith.select %eq3A_1149, %broadcast_in_dim3A_6, %broadcast_in_dim3A_4 : vector<16xi1>, vector<16xi32>
    %broadcast_in_dim3A_1151 = arith.constant true
    %broadcast_in_dim3A_1152 = vector.broadcast %broadcast_in_dim3A_1151 : i1 to vector<16xi1>
    %masked_cumsum3A_1153 = tpu.scan <sum>, %select_n3A_1150 masked %broadcast_in_dim3A_1152 : vector<16xi32>, vector<16xi1> -> vector<16xi32>
    %sub3A_1154 = arith.constant 1 : i32
    %sub3A_1155 = vector.broadcast %sub3A_1154 : i32 to vector<16xi32>
    %sub3A_1156 = arith.subi %masked_cumsum3A_1153, %sub3A_1155 : vector<16xi32>
    %select_n3A_1157 = arith.select %eq3A_1149, %sub3A_1156, %select_n3A_1140 : vector<16xi1>, vector<16xi32>
    %all_reduce_population_count3A_1158 = tpu.all_reduce %eq3A_1149 {dim = 0 : i64, kind = #tpu.reduction_kind<sum>} : vector<16xi1> -> vector<16xi32>
    %eq3A_1159 = arith.constant 7 : i32
    %eq3A_1160 = vector.broadcast %eq3A_1159 : i32 to vector<16xi32>
    %eq3A_1161 = arith.cmpi eq, %iota3A, %eq3A_1160 : vector<16xi32>
    %add3A_1162 = arith.addi %select_n3A_1146, %all_reduce_population_count3A_1158 : vector<16xi32>
    %select_n3A_1163 = arith.select %eq3A_1161, %add3A_1162, %select_n3A_1146 : vector<16xi1>, vector<16xi32>
    %swap3A_1164 = arith.constant 0 : index
    %swap3A_1165 = tpu.vector_load %arg17[%swap3A_1164] {strides = array<i32>} : memref<16xi32, #tpu.memory_space<vmem>>, vector<16xi32>,
    tpu.vector_store %arg17[%swap3A_1164], %select_n3A_1163 {strides = array<i32>} : memref<16xi32, #tpu.memory_space<vmem>>, vector<16xi32>,
    %add3A_1166 = arith.addi %gather3A_1025, %select_n3A_1157 : vector<16xi32>
    %swap3A_1167 = arith.constant 16 : index
    %swap3A_1168 = tpu.vector_load %arg19[%swap3A_1167] {strides = array<i32>} : memref<64xi32, #tpu.memory_space<vmem>>, vector<16xi32>,
    tpu.vector_store %arg19[%swap3A_1167], %add3A_1166 {strides = array<i32>} : memref<64xi32, #tpu.memory_space<vmem>>, vector<16xi32>,
    %get3A_1169 = arith.constant 32 : index
    %get3A_1170 = tpu.vector_load %arg14[%get3A_1169] {strides = array<i32>} : memref<64xi32, #tpu.memory_space<vmem>>, vector<16xi32>,
    %gather3A_1171 = tpu.vector_load_idx %arg17[%get3A_1170] : memref<16xi32, #tpu.memory_space<vmem>>[vector<16xi32>], vector<16xi32>,
    %get3A_1172 = arith.constant 0 : index
    %get3A_1173 = tpu.vector_load %arg17[%get3A_1172] {strides = array<i32>} : memref<16xi32, #tpu.memory_space<vmem>>, vector<16xi32>,
    %eq3A_1174 = arith.constant 0 : i32
    %eq3A_1175 = vector.broadcast %eq3A_1174 : i32 to vector<16xi32>
    %eq3A_1176 = arith.cmpi eq, %get3A_1170, %eq3A_1175 : vector<16xi32>
    %select_n3A_1177 = arith.select %eq3A_1176, %broadcast_in_dim3A_6, %broadcast_in_dim3A_4 : vector<16xi1>, vector<16xi32>
    %broadcast_in_dim3A_1178 = arith.constant true
    %broadcast_in_dim3A_1179 = vector.broadcast %broadcast_in_dim3A_1178 : i1 to vector<16xi1>
    %masked_cumsum3A_1180 = tpu.scan <sum>, %select_n3A_1177 masked %broadcast_in_dim3A_1179 : vector<16xi32>, vector<16xi1> -> vector<16xi32>
    %sub3A_1181 = arith.constant 1 : i32
    %sub3A_1182 = vector.broadcast %sub3A_1181 : i32 to vector<16xi32>
    %sub3A_1183 = arith.subi %masked_cumsum3A_1180, %sub3A_1182 : vector<16xi32>
    %select_n3A_1184 = arith.select %eq3A_1176, %sub3A_1183, %broadcast_in_dim3A_4 : vector<16xi1>, vector<16xi32>
    %all_reduce_population_count3A_1185 = tpu.all_reduce %eq3A_1176 {dim = 0 : i64, kind = #tpu.reduction_kind<sum>} : vector<16xi1> -> vector<16xi32>
    %eq3A_1186 = arith.constant 0 : i32
    %eq3A_1187 = vector.broadcast %eq3A_1186 : i32 to vector<16xi32>
    %eq3A_1188 = arith.cmpi eq, %iota3A, %eq3A_1187 : vector<16xi32>
    %add3A_1189 = arith.addi %get3A_1173, %all_reduce_population_count3A_1185 : vector<16xi32>
    %select_n3A_1190 = arith.select %eq3A_1188, %add3A_1189, %get3A_1173 : vector<16xi1>, vector<16xi32>
    %eq3A_1191 = arith.constant 1 : i32
    %eq3A_1192 = vector.broadcast %eq3A_1191 : i32 to vector<16xi32>
    %eq3A_1193 = arith.cmpi eq, %get3A_1170, %eq3A_1192 : vector<16xi32>
    %select_n3A_1194 = arith.select %eq3A_1193, %broadcast_in_dim3A_6, %broadcast_in_dim3A_4 : vector<16xi1>, vector<16xi32>
    %broadcast_in_dim3A_1195 = arith.constant true
    %broadcast_in_dim3A_1196 = vector.broadcast %broadcast_in_dim3A_1195 : i1 to vector<16xi1>
    %masked_cumsum3A_1197 = tpu.scan <sum>, %select_n3A_1194 masked %broadcast_in_dim3A_1196 : vector<16xi32>, vector<16xi1> -> vector<16xi32>
    %sub3A_1198 = arith.constant 1 : i32
    %sub3A_1199 = vector.broadcast %sub3A_1198 : i32 to vector<16xi32>
    %sub3A_1200 = arith.subi %masked_cumsum3A_1197, %sub3A_1199 : vector<16xi32>
    %select_n3A_1201 = arith.select %eq3A_1193, %sub3A_1200, %select_n3A_1184 : vector<16xi1>, vector<16xi32>
    %all_reduce_population_count3A_1202 = tpu.all_reduce %eq3A_1193 {dim = 0 : i64, kind = #tpu.reduction_kind<sum>} : vector<16xi1> -> vector<16xi32>
    %eq3A_1203 = arith.constant 1 : i32
    %eq3A_1204 = vector.broadcast %eq3A_1203 : i32 to vector<16xi32>
    %eq3A_1205 = arith.cmpi eq, %iota3A, %eq3A_1204 : vector<16xi32>
    %add3A_1206 = arith.addi %select_n3A_1190, %all_reduce_population_count3A_1202 : vector<16xi32>
    %select_n3A_1207 = arith.select %eq3A_1205, %add3A_1206, %select_n3A_1190 : vector<16xi1>, vector<16xi32>
    %eq3A_1208 = arith.constant 2 : i32
    %eq3A_1209 = vector.broadcast %eq3A_1208 : i32 to vector<16xi32>
    %eq3A_1210 = arith.cmpi eq, %get3A_1170, %eq3A_1209 : vector<16xi32>
    %select_n3A_1211 = arith.select %eq3A_1210, %broadcast_in_dim3A_6, %broadcast_in_dim3A_4 : vector<16xi1>, vector<16xi32>
    %broadcast_in_dim3A_1212 = arith.constant true
    %broadcast_in_dim3A_1213 = vector.broadcast %broadcast_in_dim3A_1212 : i1 to vector<16xi1>
    %masked_cumsum3A_1214 = tpu.scan <sum>, %select_n3A_1211 masked %broadcast_in_dim3A_1213 : vector<16xi32>, vector<16xi1> -> vector<16xi32>
    %sub3A_1215 = arith.constant 1 : i32
    %sub3A_1216 = vector.broadcast %sub3A_1215 : i32 to vector<16xi32>
    %sub3A_1217 = arith.subi %masked_cumsum3A_1214, %sub3A_1216 : vector<16xi32>
    %select_n3A_1218 = arith.select %eq3A_1210, %sub3A_1217, %select_n3A_1201 : vector<16xi1>, vector<16xi32>
    %all_reduce_population_count3A_1219 = tpu.all_reduce %eq3A_1210 {dim = 0 : i64, kind = #tpu.reduction_kind<sum>} : vector<16xi1> -> vector<16xi32>
    %eq3A_1220 = arith.constant 2 : i32
    %eq3A_1221 = vector.broadcast %eq3A_1220 : i32 to vector<16xi32>
    %eq3A_1222 = arith.cmpi eq, %iota3A, %eq3A_1221 : vector<16xi32>
    %add3A_1223 = arith.addi %select_n3A_1207, %all_reduce_population_count3A_1219 : vector<16xi32>
    %select_n3A_1224 = arith.select %eq3A_1222, %add3A_1223, %select_n3A_1207 : vector<16xi1>, vector<16xi32>
    %eq3A_1225 = arith.constant 3 : i32
    %eq3A_1226 = vector.broadcast %eq3A_1225 : i32 to vector<16xi32>
    %eq3A_1227 = arith.cmpi eq, %get3A_1170, %eq3A_1226 : vector<16xi32>
    %select_n3A_1228 = arith.select %eq3A_1227, %broadcast_in_dim3A_6, %broadcast_in_dim3A_4 : vector<16xi1>, vector<16xi32>
    %broadcast_in_dim3A_1229 = arith.constant true
    %broadcast_in_dim3A_1230 = vector.broadcast %broadcast_in_dim3A_1229 : i1 to vector<16xi1>
    %masked_cumsum3A_1231 = tpu.scan <sum>, %select_n3A_1228 masked %broadcast_in_dim3A_1230 : vector<16xi32>, vector<16xi1> -> vector<16xi32>
    %sub3A_1232 = arith.constant 1 : i32
    %sub3A_1233 = vector.broadcast %sub3A_1232 : i32 to vector<16xi32>
    %sub3A_1234 = arith.subi %masked_cumsum3A_1231, %sub3A_1233 : vector<16xi32>
    %select_n3A_1235 = arith.select %eq3A_1227, %sub3A_1234, %select_n3A_1218 : vector<16xi1>, vector<16xi32>
    %all_reduce_population_count3A_1236 = tpu.all_reduce %eq3A_1227 {dim = 0 : i64, kind = #tpu.reduction_kind<sum>} : vector<16xi1> -> vector<16xi32>
    %eq3A_1237 = arith.constant 3 : i32
    %eq3A_1238 = vector.broadcast %eq3A_1237 : i32 to vector<16xi32>
    %eq3A_1239 = arith.cmpi eq, %iota3A, %eq3A_1238 : vector<16xi32>
    %add3A_1240 = arith.addi %select_n3A_1224, %all_reduce_population_count3A_1236 : vector<16xi32>
    %select_n3A_1241 = arith.select %eq3A_1239, %add3A_1240, %select_n3A_1224 : vector<16xi1>, vector<16xi32>
    %eq3A_1242 = arith.constant 4 : i32
    %eq3A_1243 = vector.broadcast %eq3A_1242 : i32 to vector<16xi32>
    %eq3A_1244 = arith.cmpi eq, %get3A_1170, %eq3A_1243 : vector<16xi32>
    %select_n3A_1245 = arith.select %eq3A_1244, %broadcast_in_dim3A_6, %broadcast_in_dim3A_4 : vector<16xi1>, vector<16xi32>
    %broadcast_in_dim3A_1246 = arith.constant true
    %broadcast_in_dim3A_1247 = vector.broadcast %broadcast_in_dim3A_1246 : i1 to vector<16xi1>
    %masked_cumsum3A_1248 = tpu.scan <sum>, %select_n3A_1245 masked %broadcast_in_dim3A_1247 : vector<16xi32>, vector<16xi1> -> vector<16xi32>
    %sub3A_1249 = arith.constant 1 : i32
    %sub3A_1250 = vector.broadcast %sub3A_1249 : i32 to vector<16xi32>
    %sub3A_1251 = arith.subi %masked_cumsum3A_1248, %sub3A_1250 : vector<16xi32>
    %select_n3A_1252 = arith.select %eq3A_1244, %sub3A_1251, %select_n3A_1235 : vector<16xi1>, vector<16xi32>
    %all_reduce_population_count3A_1253 = tpu.all_reduce %eq3A_1244 {dim = 0 : i64, kind = #tpu.reduction_kind<sum>} : vector<16xi1> -> vector<16xi32>
    %eq3A_1254 = arith.constant 4 : i32
    %eq3A_1255 = vector.broadcast %eq3A_1254 : i32 to vector<16xi32>
    %eq3A_1256 = arith.cmpi eq, %iota3A, %eq3A_1255 : vector<16xi32>
    %add3A_1257 = arith.addi %select_n3A_1241, %all_reduce_population_count3A_1253 : vector<16xi32>
    %select_n3A_1258 = arith.select %eq3A_1256, %add3A_1257, %select_n3A_1241 : vector<16xi1>, vector<16xi32>
    %eq3A_1259 = arith.constant 5 : i32
    %eq3A_1260 = vector.broadcast %eq3A_1259 : i32 to vector<16xi32>
    %eq3A_1261 = arith.cmpi eq, %get3A_1170, %eq3A_1260 : vector<16xi32>
    %select_n3A_1262 = arith.select %eq3A_1261, %broadcast_in_dim3A_6, %broadcast_in_dim3A_4 : vector<16xi1>, vector<16xi32>
    %broadcast_in_dim3A_1263 = arith.constant true
    %broadcast_in_dim3A_1264 = vector.broadcast %broadcast_in_dim3A_1263 : i1 to vector<16xi1>
    %masked_cumsum3A_1265 = tpu.scan <sum>, %select_n3A_1262 masked %broadcast_in_dim3A_1264 : vector<16xi32>, vector<16xi1> -> vector<16xi32>
    %sub3A_1266 = arith.constant 1 : i32
    %sub3A_1267 = vector.broadcast %sub3A_1266 : i32 to vector<16xi32>
    %sub3A_1268 = arith.subi %masked_cumsum3A_1265, %sub3A_1267 : vector<16xi32>
    %select_n3A_1269 = arith.select %eq3A_1261, %sub3A_1268, %select_n3A_1252 : vector<16xi1>, vector<16xi32>
    %all_reduce_population_count3A_1270 = tpu.all_reduce %eq3A_1261 {dim = 0 : i64, kind = #tpu.reduction_kind<sum>} : vector<16xi1> -> vector<16xi32>
    %eq3A_1271 = arith.constant 5 : i32
    %eq3A_1272 = vector.broadcast %eq3A_1271 : i32 to vector<16xi32>
    %eq3A_1273 = arith.cmpi eq, %iota3A, %eq3A_1272 : vector<16xi32>
    %add3A_1274 = arith.addi %select_n3A_1258, %all_reduce_population_count3A_1270 : vector<16xi32>
    %select_n3A_1275 = arith.select %eq3A_1273, %add3A_1274, %select_n3A_1258 : vector<16xi1>, vector<16xi32>
    %eq3A_1276 = arith.constant 6 : i32
    %eq3A_1277 = vector.broadcast %eq3A_1276 : i32 to vector<16xi32>
    %eq3A_1278 = arith.cmpi eq, %get3A_1170, %eq3A_1277 : vector<16xi32>
    %select_n3A_1279 = arith.select %eq3A_1278, %broadcast_in_dim3A_6, %broadcast_in_dim3A_4 : vector<16xi1>, vector<16xi32>
    %broadcast_in_dim3A_1280 = arith.constant true
    %broadcast_in_dim3A_1281 = vector.broadcast %broadcast_in_dim3A_1280 : i1 to vector<16xi1>
    %masked_cumsum3A_1282 = tpu.scan <sum>, %select_n3A_1279 masked %broadcast_in_dim3A_1281 : vector<16xi32>, vector<16xi1> -> vector<16xi32>
    %sub3A_1283 = arith.constant 1 : i32
    %sub3A_1284 = vector.broadcast %sub3A_1283 : i32 to vector<16xi32>
    %sub3A_1285 = arith.subi %masked_cumsum3A_1282, %sub3A_1284 : vector<16xi32>
    %select_n3A_1286 = arith.select %eq3A_1278, %sub3A_1285, %select_n3A_1269 : vector<16xi1>, vector<16xi32>
    %all_reduce_population_count3A_1287 = tpu.all_reduce %eq3A_1278 {dim = 0 : i64, kind = #tpu.reduction_kind<sum>} : vector<16xi1> -> vector<16xi32>
    %eq3A_1288 = arith.constant 6 : i32
    %eq3A_1289 = vector.broadcast %eq3A_1288 : i32 to vector<16xi32>
    %eq3A_1290 = arith.cmpi eq, %iota3A, %eq3A_1289 : vector<16xi32>
    %add3A_1291 = arith.addi %select_n3A_1275, %all_reduce_population_count3A_1287 : vector<16xi32>
    %select_n3A_1292 = arith.select %eq3A_1290, %add3A_1291, %select_n3A_1275 : vector<16xi1>, vector<16xi32>
    %eq3A_1293 = arith.constant 7 : i32
    %eq3A_1294 = vector.broadcast %eq3A_1293 : i32 to vector<16xi32>
    %eq3A_1295 = arith.cmpi eq, %get3A_1170, %eq3A_1294 : vector<16xi32>
    %select_n3A_1296 = arith.select %eq3A_1295, %broadcast_in_dim3A_6, %broadcast_in_dim3A_4 : vector<16xi1>, vector<16xi32>
    %broadcast_in_dim3A_1297 = arith.constant true
    %broadcast_in_dim3A_1298 = vector.broadcast %broadcast_in_dim3A_1297 : i1 to vector<16xi1>
    %masked_cumsum3A_1299 = tpu.scan <sum>, %select_n3A_1296 masked %broadcast_in_dim3A_1298 : vector<16xi32>, vector<16xi1> -> vector<16xi32>
    %sub3A_1300 = arith.constant 1 : i32
    %sub3A_1301 = vector.broadcast %sub3A_1300 : i32 to vector<16xi32>
    %sub3A_1302 = arith.subi %masked_cumsum3A_1299, %sub3A_1301 : vector<16xi32>
    %select_n3A_1303 = arith.select %eq3A_1295, %sub3A_1302, %select_n3A_1286 : vector<16xi1>, vector<16xi32>
    %all_reduce_population_count3A_1304 = tpu.all_reduce %eq3A_1295 {dim = 0 : i64, kind = #tpu.reduction_kind<sum>} : vector<16xi1> -> vector<16xi32>
    %eq3A_1305 = arith.constant 7 : i32
    %eq3A_1306 = vector.broadcast %eq3A_1305 : i32 to vector<16xi32>
    %eq3A_1307 = arith.cmpi eq, %iota3A, %eq3A_1306 : vector<16xi32>
    %add3A_1308 = arith.addi %select_n3A_1292, %all_reduce_population_count3A_1304 : vector<16xi32>
    %select_n3A_1309 = arith.select %eq3A_1307, %add3A_1308, %select_n3A_1292 : vector<16xi1>, vector<16xi32>
    %swap3A_1310 = arith.constant 0 : index
    %swap3A_1311 = tpu.vector_load %arg17[%swap3A_1310] {strides = array<i32>} : memref<16xi32, #tpu.memory_space<vmem>>, vector<16xi32>,
    tpu.vector_store %arg17[%swap3A_1310], %select_n3A_1309 {strides = array<i32>} : memref<16xi32, #tpu.memory_space<vmem>>, vector<16xi32>,
    %add3A_1312 = arith.addi %gather3A_1171, %select_n3A_1303 : vector<16xi32>
    %swap3A_1313 = arith.constant 32 : index
    %swap3A_1314 = tpu.vector_load %arg19[%swap3A_1313] {strides = array<i32>} : memref<64xi32, #tpu.memory_space<vmem>>, vector<16xi32>,
    tpu.vector_store %arg19[%swap3A_1313], %add3A_1312 {strides = array<i32>} : memref<64xi32, #tpu.memory_space<vmem>>, vector<16xi32>,
    %get3A_1315 = arith.constant 48 : index
    %get3A_1316 = tpu.vector_load %arg14[%get3A_1315] {strides = array<i32>} : memref<64xi32, #tpu.memory_space<vmem>>, vector<16xi32>,
    %gather3A_1317 = tpu.vector_load_idx %arg17[%get3A_1316] : memref<16xi32, #tpu.memory_space<vmem>>[vector<16xi32>], vector<16xi32>,
    %get3A_1318 = arith.constant 0 : index
    %get3A_1319 = tpu.vector_load %arg17[%get3A_1318] {strides = array<i32>} : memref<16xi32, #tpu.memory_space<vmem>>, vector<16xi32>,
    %eq3A_1320 = arith.constant 0 : i32
    %eq3A_1321 = vector.broadcast %eq3A_1320 : i32 to vector<16xi32>
    %eq3A_1322 = arith.cmpi eq, %get3A_1316, %eq3A_1321 : vector<16xi32>
    %select_n3A_1323 = arith.select %eq3A_1322, %broadcast_in_dim3A_6, %broadcast_in_dim3A_4 : vector<16xi1>, vector<16xi32>
    %broadcast_in_dim3A_1324 = arith.constant true
    %broadcast_in_dim3A_1325 = vector.broadcast %broadcast_in_dim3A_1324 : i1 to vector<16xi1>
    %masked_cumsum3A_1326 = tpu.scan <sum>, %select_n3A_1323 masked %broadcast_in_dim3A_1325 : vector<16xi32>, vector<16xi1> -> vector<16xi32>
    %sub3A_1327 = arith.constant 1 : i32
    %sub3A_1328 = vector.broadcast %sub3A_1327 : i32 to vector<16xi32>
    %sub3A_1329 = arith.subi %masked_cumsum3A_1326, %sub3A_1328 : vector<16xi32>
    %select_n3A_1330 = arith.select %eq3A_1322, %sub3A_1329, %broadcast_in_dim3A_4 : vector<16xi1>, vector<16xi32>
    %all_reduce_population_count3A_1331 = tpu.all_reduce %eq3A_1322 {dim = 0 : i64, kind = #tpu.reduction_kind<sum>} : vector<16xi1> -> vector<16xi32>
    %eq3A_1332 = arith.constant 0 : i32
    %eq3A_1333 = vector.broadcast %eq3A_1332 : i32 to vector<16xi32>
    %eq3A_1334 = arith.cmpi eq, %iota3A, %eq3A_1333 : vector<16xi32>
    %add3A_1335 = arith.addi %get3A_1319, %all_reduce_population_count3A_1331 : vector<16xi32>
    %select_n3A_1336 = arith.select %eq3A_1334, %add3A_1335, %get3A_1319 : vector<16xi1>, vector<16xi32>
    %eq3A_1337 = arith.constant 1 : i32
    %eq3A_1338 = vector.broadcast %eq3A_1337 : i32 to vector<16xi32>
    %eq3A_1339 = arith.cmpi eq, %get3A_1316, %eq3A_1338 : vector<16xi32>
    %select_n3A_1340 = arith.select %eq3A_1339, %broadcast_in_dim3A_6, %broadcast_in_dim3A_4 : vector<16xi1>, vector<16xi32>
    %broadcast_in_dim3A_1341 = arith.constant true
    %broadcast_in_dim3A_1342 = vector.broadcast %broadcast_in_dim3A_1341 : i1 to vector<16xi1>
    %masked_cumsum3A_1343 = tpu.scan <sum>, %select_n3A_1340 masked %broadcast_in_dim3A_1342 : vector<16xi32>, vector<16xi1> -> vector<16xi32>
    %sub3A_1344 = arith.constant 1 : i32
    %sub3A_1345 = vector.broadcast %sub3A_1344 : i32 to vector<16xi32>
    %sub3A_1346 = arith.subi %masked_cumsum3A_1343, %sub3A_1345 : vector<16xi32>
    %select_n3A_1347 = arith.select %eq3A_1339, %sub3A_1346, %select_n3A_1330 : vector<16xi1>, vector<16xi32>
    %all_reduce_population_count3A_1348 = tpu.all_reduce %eq3A_1339 {dim = 0 : i64, kind = #tpu.reduction_kind<sum>} : vector<16xi1> -> vector<16xi32>
    %eq3A_1349 = arith.constant 1 : i32
    %eq3A_1350 = vector.broadcast %eq3A_1349 : i32 to vector<16xi32>
    %eq3A_1351 = arith.cmpi eq, %iota3A, %eq3A_1350 : vector<16xi32>
    %add3A_1352 = arith.addi %select_n3A_1336, %all_reduce_population_count3A_1348 : vector<16xi32>
    %select_n3A_1353 = arith.select %eq3A_1351, %add3A_1352, %select_n3A_1336 : vector<16xi1>, vector<16xi32>
    %eq3A_1354 = arith.constant 2 : i32
    %eq3A_1355 = vector.broadcast %eq3A_1354 : i32 to vector<16xi32>
    %eq3A_1356 = arith.cmpi eq, %get3A_1316, %eq3A_1355 : vector<16xi32>
    %select_n3A_1357 = arith.select %eq3A_1356, %broadcast_in_dim3A_6, %broadcast_in_dim3A_4 : vector<16xi1>, vector<16xi32>
    %broadcast_in_dim3A_1358 = arith.constant true
    %broadcast_in_dim3A_1359 = vector.broadcast %broadcast_in_dim3A_1358 : i1 to vector<16xi1>
    %masked_cumsum3A_1360 = tpu.scan <sum>, %select_n3A_1357 masked %broadcast_in_dim3A_1359 : vector<16xi32>, vector<16xi1> -> vector<16xi32>
    %sub3A_1361 = arith.constant 1 : i32
    %sub3A_1362 = vector.broadcast %sub3A_1361 : i32 to vector<16xi32>
    %sub3A_1363 = arith.subi %masked_cumsum3A_1360, %sub3A_1362 : vector<16xi32>
    %select_n3A_1364 = arith.select %eq3A_1356, %sub3A_1363, %select_n3A_1347 : vector<16xi1>, vector<16xi32>
    %all_reduce_population_count3A_1365 = tpu.all_reduce %eq3A_1356 {dim = 0 : i64, kind = #tpu.reduction_kind<sum>} : vector<16xi1> -> vector<16xi32>
    %eq3A_1366 = arith.constant 2 : i32
    %eq3A_1367 = vector.broadcast %eq3A_1366 : i32 to vector<16xi32>
    %eq3A_1368 = arith.cmpi eq, %iota3A, %eq3A_1367 : vector<16xi32>
    %add3A_1369 = arith.addi %select_n3A_1353, %all_reduce_population_count3A_1365 : vector<16xi32>
    %select_n3A_1370 = arith.select %eq3A_1368, %add3A_1369, %select_n3A_1353 : vector<16xi1>, vector<16xi32>
    %eq3A_1371 = arith.constant 3 : i32
    %eq3A_1372 = vector.broadcast %eq3A_1371 : i32 to vector<16xi32>
    %eq3A_1373 = arith.cmpi eq, %get3A_1316, %eq3A_1372 : vector<16xi32>
    %select_n3A_1374 = arith.select %eq3A_1373, %broadcast_in_dim3A_6, %broadcast_in_dim3A_4 : vector<16xi1>, vector<16xi32>
    %broadcast_in_dim3A_1375 = arith.constant true
    %broadcast_in_dim3A_1376 = vector.broadcast %broadcast_in_dim3A_1375 : i1 to vector<16xi1>
    %masked_cumsum3A_1377 = tpu.scan <sum>, %select_n3A_1374 masked %broadcast_in_dim3A_1376 : vector<16xi32>, vector<16xi1> -> vector<16xi32>
    %sub3A_1378 = arith.constant 1 : i32
    %sub3A_1379 = vector.broadcast %sub3A_1378 : i32 to vector<16xi32>
    %sub3A_1380 = arith.subi %masked_cumsum3A_1377, %sub3A_1379 : vector<16xi32>
    %select_n3A_1381 = arith.select %eq3A_1373, %sub3A_1380, %select_n3A_1364 : vector<16xi1>, vector<16xi32>
    %all_reduce_population_count3A_1382 = tpu.all_reduce %eq3A_1373 {dim = 0 : i64, kind = #tpu.reduction_kind<sum>} : vector<16xi1> -> vector<16xi32>
    %eq3A_1383 = arith.constant 3 : i32
    %eq3A_1384 = vector.broadcast %eq3A_1383 : i32 to vector<16xi32>
    %eq3A_1385 = arith.cmpi eq, %iota3A, %eq3A_1384 : vector<16xi32>
    %add3A_1386 = arith.addi %select_n3A_1370, %all_reduce_population_count3A_1382 : vector<16xi32>
    %select_n3A_1387 = arith.select %eq3A_1385, %add3A_1386, %select_n3A_1370 : vector<16xi1>, vector<16xi32>
    %eq3A_1388 = arith.constant 4 : i32
    %eq3A_1389 = vector.broadcast %eq3A_1388 : i32 to vector<16xi32>
    %eq3A_1390 = arith.cmpi eq, %get3A_1316, %eq3A_1389 : vector<16xi32>
    %select_n3A_1391 = arith.select %eq3A_1390, %broadcast_in_dim3A_6, %broadcast_in_dim3A_4 : vector<16xi1>, vector<16xi32>
    %broadcast_in_dim3A_1392 = arith.constant true
    %broadcast_in_dim3A_1393 = vector.broadcast %broadcast_in_dim3A_1392 : i1 to vector<16xi1>
    %masked_cumsum3A_1394 = tpu.scan <sum>, %select_n3A_1391 masked %broadcast_in_dim3A_1393 : vector<16xi32>, vector<16xi1> -> vector<16xi32>
    %sub3A_1395 = arith.constant 1 : i32
    %sub3A_1396 = vector.broadcast %sub3A_1395 : i32 to vector<16xi32>
    %sub3A_1397 = arith.subi %masked_cumsum3A_1394, %sub3A_1396 : vector<16xi32>
    %select_n3A_1398 = arith.select %eq3A_1390, %sub3A_1397, %select_n3A_1381 : vector<16xi1>, vector<16xi32>
    %all_reduce_population_count3A_1399 = tpu.all_reduce %eq3A_1390 {dim = 0 : i64, kind = #tpu.reduction_kind<sum>} : vector<16xi1> -> vector<16xi32>
    %eq3A_1400 = arith.constant 4 : i32
    %eq3A_1401 = vector.broadcast %eq3A_1400 : i32 to vector<16xi32>
    %eq3A_1402 = arith.cmpi eq, %iota3A, %eq3A_1401 : vector<16xi32>
    %add3A_1403 = arith.addi %select_n3A_1387, %all_reduce_population_count3A_1399 : vector<16xi32>
    %select_n3A_1404 = arith.select %eq3A_1402, %add3A_1403, %select_n3A_1387 : vector<16xi1>, vector<16xi32>
    %eq3A_1405 = arith.constant 5 : i32
    %eq3A_1406 = vector.broadcast %eq3A_1405 : i32 to vector<16xi32>
    %eq3A_1407 = arith.cmpi eq, %get3A_1316, %eq3A_1406 : vector<16xi32>
    %select_n3A_1408 = arith.select %eq3A_1407, %broadcast_in_dim3A_6, %broadcast_in_dim3A_4 : vector<16xi1>, vector<16xi32>
    %broadcast_in_dim3A_1409 = arith.constant true
    %broadcast_in_dim3A_1410 = vector.broadcast %broadcast_in_dim3A_1409 : i1 to vector<16xi1>
    %masked_cumsum3A_1411 = tpu.scan <sum>, %select_n3A_1408 masked %broadcast_in_dim3A_1410 : vector<16xi32>, vector<16xi1> -> vector<16xi32>
    %sub3A_1412 = arith.constant 1 : i32
    %sub3A_1413 = vector.broadcast %sub3A_1412 : i32 to vector<16xi32>
    %sub3A_1414 = arith.subi %masked_cumsum3A_1411, %sub3A_1413 : vector<16xi32>
    %select_n3A_1415 = arith.select %eq3A_1407, %sub3A_1414, %select_n3A_1398 : vector<16xi1>, vector<16xi32>
    %all_reduce_population_count3A_1416 = tpu.all_reduce %eq3A_1407 {dim = 0 : i64, kind = #tpu.reduction_kind<sum>} : vector<16xi1> -> vector<16xi32>
    %eq3A_1417 = arith.constant 5 : i32
    %eq3A_1418 = vector.broadcast %eq3A_1417 : i32 to vector<16xi32>
    %eq3A_1419 = arith.cmpi eq, %iota3A, %eq3A_1418 : vector<16xi32>
    %add3A_1420 = arith.addi %select_n3A_1404, %all_reduce_population_count3A_1416 : vector<16xi32>
    %select_n3A_1421 = arith.select %eq3A_1419, %add3A_1420, %select_n3A_1404 : vector<16xi1>, vector<16xi32>
    %eq3A_1422 = arith.constant 6 : i32
    %eq3A_1423 = vector.broadcast %eq3A_1422 : i32 to vector<16xi32>
    %eq3A_1424 = arith.cmpi eq, %get3A_1316, %eq3A_1423 : vector<16xi32>
    %select_n3A_1425 = arith.select %eq3A_1424, %broadcast_in_dim3A_6, %broadcast_in_dim3A_4 : vector<16xi1>, vector<16xi32>
    %broadcast_in_dim3A_1426 = arith.constant true
    %broadcast_in_dim3A_1427 = vector.broadcast %broadcast_in_dim3A_1426 : i1 to vector<16xi1>
    %masked_cumsum3A_1428 = tpu.scan <sum>, %select_n3A_1425 masked %broadcast_in_dim3A_1427 : vector<16xi32>, vector<16xi1> -> vector<16xi32>
    %sub3A_1429 = arith.constant 1 : i32
    %sub3A_1430 = vector.broadcast %sub3A_1429 : i32 to vector<16xi32>
    %sub3A_1431 = arith.subi %masked_cumsum3A_1428, %sub3A_1430 : vector<16xi32>
    %select_n3A_1432 = arith.select %eq3A_1424, %sub3A_1431, %select_n3A_1415 : vector<16xi1>, vector<16xi32>
    %all_reduce_population_count3A_1433 = tpu.all_reduce %eq3A_1424 {dim = 0 : i64, kind = #tpu.reduction_kind<sum>} : vector<16xi1> -> vector<16xi32>
    %eq3A_1434 = arith.constant 6 : i32
    %eq3A_1435 = vector.broadcast %eq3A_1434 : i32 to vector<16xi32>
    %eq3A_1436 = arith.cmpi eq, %iota3A, %eq3A_1435 : vector<16xi32>
    %add3A_1437 = arith.addi %select_n3A_1421, %all_reduce_population_count3A_1433 : vector<16xi32>
    %select_n3A_1438 = arith.select %eq3A_1436, %add3A_1437, %select_n3A_1421 : vector<16xi1>, vector<16xi32>
    %eq3A_1439 = arith.constant 7 : i32
    %eq3A_1440 = vector.broadcast %eq3A_1439 : i32 to vector<16xi32>
    %eq3A_1441 = arith.cmpi eq, %get3A_1316, %eq3A_1440 : vector<16xi32>
    %select_n3A_1442 = arith.select %eq3A_1441, %broadcast_in_dim3A_6, %broadcast_in_dim3A_4 : vector<16xi1>, vector<16xi32>
    %broadcast_in_dim3A_1443 = arith.constant true
    %broadcast_in_dim3A_1444 = vector.broadcast %broadcast_in_dim3A_1443 : i1 to vector<16xi1>
    %masked_cumsum3A_1445 = tpu.scan <sum>, %select_n3A_1442 masked %broadcast_in_dim3A_1444 : vector<16xi32>, vector<16xi1> -> vector<16xi32>
    %sub3A_1446 = arith.constant 1 : i32
    %sub3A_1447 = vector.broadcast %sub3A_1446 : i32 to vector<16xi32>
    %sub3A_1448 = arith.subi %masked_cumsum3A_1445, %sub3A_1447 : vector<16xi32>
    %select_n3A_1449 = arith.select %eq3A_1441, %sub3A_1448, %select_n3A_1432 : vector<16xi1>, vector<16xi32>
    %all_reduce_population_count3A_1450 = tpu.all_reduce %eq3A_1441 {dim = 0 : i64, kind = #tpu.reduction_kind<sum>} : vector<16xi1> -> vector<16xi32>
    %eq3A_1451 = arith.constant 7 : i32
    %eq3A_1452 = vector.broadcast %eq3A_1451 : i32 to vector<16xi32>
    %eq3A_1453 = arith.cmpi eq, %iota3A, %eq3A_1452 : vector<16xi32>
    %add3A_1454 = arith.addi %select_n3A_1438, %all_reduce_population_count3A_1450 : vector<16xi32>
    %select_n3A_1455 = arith.select %eq3A_1453, %add3A_1454, %select_n3A_1438 : vector<16xi1>, vector<16xi32>
    %swap3A_1456 = arith.constant 0 : index
    %swap3A_1457 = tpu.vector_load %arg17[%swap3A_1456] {strides = array<i32>} : memref<16xi32, #tpu.memory_space<vmem>>, vector<16xi32>,
    tpu.vector_store %arg17[%swap3A_1456], %select_n3A_1455 {strides = array<i32>} : memref<16xi32, #tpu.memory_space<vmem>>, vector<16xi32>,
    %add3A_1458 = arith.addi %gather3A_1317, %select_n3A_1449 : vector<16xi32>
    %swap3A_1459 = arith.constant 48 : index
    %swap3A_1460 = tpu.vector_load %arg19[%swap3A_1459] {strides = array<i32>} : memref<64xi32, #tpu.memory_space<vmem>>, vector<16xi32>,
    tpu.vector_store %arg19[%swap3A_1459], %add3A_1458 {strides = array<i32>} : memref<64xi32, #tpu.memory_space<vmem>>, vector<16xi32>,
    %add3A_1461 = arith.constant 0 : i32
    %add3A_1462 = arith.addi %mul3A_2, %add3A_1461 : i32
    %broadcast_in_dim3A_1463 = vector.broadcast %add3A_1462 : i32 to vector<16xi32>
    %add3A_1464 = arith.addi %broadcast_in_dim3A_1463, %iota3A : vector<16xi32>
    %swap3A_1465 = arith.constant 0 : index
    %swap3A_1466 = tpu.vector_load %arg20[%swap3A_1465] {strides = array<i32>} : memref<64xi32, #tpu.memory_space<vmem>>, vector<16xi32>,
    tpu.vector_store %arg20[%swap3A_1465], %add3A_1464 {strides = array<i32>} : memref<64xi32, #tpu.memory_space<vmem>>, vector<16xi32>,
    %add3A_1467 = arith.constant 16 : i32
    %add3A_1468 = arith.addi %mul3A_2, %add3A_1467 : i32
    %broadcast_in_dim3A_1469 = vector.broadcast %add3A_1468 : i32 to vector<16xi32>
    %add3A_1470 = arith.addi %broadcast_in_dim3A_1469, %iota3A : vector<16xi32>
    %swap3A_1471 = arith.constant 16 : index
    %swap3A_1472 = tpu.vector_load %arg20[%swap3A_1471] {strides = array<i32>} : memref<64xi32, #tpu.memory_space<vmem>>, vector<16xi32>,
    tpu.vector_store %arg20[%swap3A_1471], %add3A_1470 {strides = array<i32>} : memref<64xi32, #tpu.memory_space<vmem>>, vector<16xi32>,
    %add3A_1473 = arith.constant 32 : i32
    %add3A_1474 = arith.addi %mul3A_2, %add3A_1473 : i32
    %broadcast_in_dim3A_1475 = vector.broadcast %add3A_1474 : i32 to vector<16xi32>
    %add3A_1476 = arith.addi %broadcast_in_dim3A_1475, %iota3A : vector<16xi32>
    %swap3A_1477 = arith.constant 32 : index
    %swap3A_1478 = tpu.vector_load %arg20[%swap3A_1477] {strides = array<i32>} : memref<64xi32, #tpu.memory_space<vmem>>, vector<16xi32>,
    tpu.vector_store %arg20[%swap3A_1477], %add3A_1476 {strides = array<i32>} : memref<64xi32, #tpu.memory_space<vmem>>, vector<16xi32>,
    %add3A_1479 = arith.constant 48 : i32
    %add3A_1480 = arith.addi %mul3A_2, %add3A_1479 : i32
    %broadcast_in_dim3A_1481 = vector.broadcast %add3A_1480 : i32 to vector<16xi32>
    %add3A_1482 = arith.addi %broadcast_in_dim3A_1481, %iota3A : vector<16xi32>
    %swap3A_1483 = arith.constant 48 : index
    %swap3A_1484 = tpu.vector_load %arg20[%swap3A_1483] {strides = array<i32>} : memref<64xi32, #tpu.memory_space<vmem>>, vector<16xi32>,
    tpu.vector_store %arg20[%swap3A_1483], %add3A_1482 {strides = array<i32>} : memref<64xi32, #tpu.memory_space<vmem>>, vector<16xi32>,
    %dma_start3A = arith.constant 0 : i32
    %dma_start3A_1485 = arith.constant 0 : i32
    %dma_start3A_1486 = tpu.memref_slice %arg4[%dma_start3A, %dma_start3A_1485] : memref<2048x768xf32, #tpu.memory_space<hbm>> -> memref<2048x768xf32, #tpu.memory_space<hbm>>
    tpu.enqueue_indirect_dma source(%dma_start3A_1486 : memref<2048x768xf32, #tpu.memory_space<hbm>>) target(%arg21 : memref<64x768xf32, #tpu.memory_space<vmem>>) offsets(%arg20 : memref<64xi32, #tpu.memory_space<vmem>>) semaphore(%arg24 : memref<!tpu.dma_semaphore, #tpu.memory_space<semaphore_mem>>)
    %dma_start3A_1487 = arith.constant 0 : i32
    %dma_start3A_1488 = arith.constant 0 : i32
    %dma_start3A_1489 = tpu.memref_slice %arg7[%dma_start3A_1487, %dma_start3A_1488] : memref<2048x128xf32, #tpu.memory_space<hbm>> -> memref<2048x128xf32, #tpu.memory_space<hbm>>
    tpu.enqueue_indirect_dma source(%dma_start3A_1489 : memref<2048x128xf32, #tpu.memory_space<hbm>>) target(%arg22 : memref<64x128xf32, #tpu.memory_space<vmem>>) offsets(%arg20 : memref<64xi32, #tpu.memory_space<vmem>>) semaphore(%arg25 : memref<!tpu.dma_semaphore, #tpu.memory_space<semaphore_mem>>)
    %dma_wait3A = arith.constant 0 : i32
    %dma_wait3A_1490 = arith.constant 0 : i32
    %dma_wait3A_1491 = tpu.memref_slice %arg4[%dma_wait3A, %dma_wait3A_1490] : memref<2048x768xf32, #tpu.memory_space<hbm>> -> memref<2048x768xf32, #tpu.memory_space<hbm>>
    tpu.wait_indirect_dma semaphore(%arg24 : memref<!tpu.dma_semaphore, #tpu.memory_space<semaphore_mem>>) src(%dma_wait3A_1491 : memref<2048x768xf32, #tpu.memory_space<hbm>>) dst(%arg21 : memref<64x768xf32, #tpu.memory_space<vmem>>)
    %dma_start3A_1492 = arith.constant 0 : i32
    %dma_start3A_1493 = arith.constant 0 : i32
    %dma_start3A_1494 = tpu.memref_slice %arg9[%dma_start3A_1492, %dma_start3A_1493] : memref<6144x768xf32, #tpu.memory_space<hbm>> -> memref<6144x768xf32, #tpu.memory_space<hbm>>
    tpu.enqueue_indirect_dma source(%arg21 : memref<64x768xf32, #tpu.memory_space<vmem>>) target(%dma_start3A_1494 : memref<6144x768xf32, #tpu.memory_space<hbm>>) offsets(%arg18 : memref<64xi32, #tpu.memory_space<vmem>>) semaphore(%arg24 : memref<!tpu.dma_semaphore, #tpu.memory_space<semaphore_mem>>)
    %dma_start3A_1495 = arith.constant 0 : i32
    %dma_start3A_1496 = arith.constant 0 : i32
    %dma_start3A_1497 = tpu.memref_slice %arg9[%dma_start3A_1495, %dma_start3A_1496] : memref<6144x768xf32, #tpu.memory_space<hbm>> -> memref<6144x768xf32, #tpu.memory_space<hbm>>
    tpu.enqueue_indirect_dma source(%arg21 : memref<64x768xf32, #tpu.memory_space<vmem>>) target(%dma_start3A_1497 : memref<6144x768xf32, #tpu.memory_space<hbm>>) offsets(%arg19 : memref<64xi32, #tpu.memory_space<vmem>>) semaphore(%arg24 : memref<!tpu.dma_semaphore, #tpu.memory_space<semaphore_mem>>)
    %dma_wait3A_1498 = arith.constant 0 : i32
    %dma_wait3A_1499 = arith.constant 0 : i32
    %dma_wait3A_1500 = tpu.memref_slice %arg7[%dma_wait3A_1498, %dma_wait3A_1499] : memref<2048x128xf32, #tpu.memory_space<hbm>> -> memref<2048x128xf32, #tpu.memory_space<hbm>>
    tpu.wait_indirect_dma semaphore(%arg25 : memref<!tpu.dma_semaphore, #tpu.memory_space<semaphore_mem>>) src(%dma_wait3A_1500 : memref<2048x128xf32, #tpu.memory_space<hbm>>) dst(%arg22 : memref<64x128xf32, #tpu.memory_space<vmem>>)
    %dma_start3A_1501 = arith.constant 0 : i32
    %dma_start3A_1502 = arith.constant 0 : i32
    %dma_start3A_1503 = tpu.memref_slice %arg12[%dma_start3A_1501, %dma_start3A_1502] : memref<6144x128xf32, #tpu.memory_space<hbm>> -> memref<6144x128xf32, #tpu.memory_space<hbm>>
    tpu.enqueue_indirect_dma source(%arg22 : memref<64x128xf32, #tpu.memory_space<vmem>>) target(%dma_start3A_1503 : memref<6144x128xf32, #tpu.memory_space<hbm>>) offsets(%arg18 : memref<64xi32, #tpu.memory_space<vmem>>) semaphore(%arg25 : memref<!tpu.dma_semaphore, #tpu.memory_space<semaphore_mem>>)
    %dma_wait3A_1504 = arith.constant 0 : i32
    %dma_wait3A_1505 = arith.constant 0 : i32
    %dma_wait3A_1506 = tpu.memref_slice %arg12[%dma_wait3A_1504, %dma_wait3A_1505] : memref<6144x128xf32, #tpu.memory_space<hbm>> -> memref<6144x128xf32, #tpu.memory_space<hbm>>
    tpu.wait_indirect_dma semaphore(%arg25 : memref<!tpu.dma_semaphore, #tpu.memory_space<semaphore_mem>>) src(%arg22 : memref<64x128xf32, #tpu.memory_space<vmem>>) dst(%dma_wait3A_1506 : memref<6144x128xf32, #tpu.memory_space<hbm>>)
    %dma_start3A_1507 = arith.constant 0 : i32
    %dma_start3A_1508 = arith.constant 0 : i32
    %dma_start3A_1509 = tpu.memref_slice %arg8[%dma_start3A_1507, %dma_start3A_1508] : memref<2048x128xf32, #tpu.memory_space<hbm>> -> memref<2048x128xf32, #tpu.memory_space<hbm>>
    tpu.enqueue_indirect_dma source(%dma_start3A_1509 : memref<2048x128xf32, #tpu.memory_space<hbm>>) target(%arg23 : memref<64x128xf32, #tpu.memory_space<vmem>>) offsets(%arg20 : memref<64xi32, #tpu.memory_space<vmem>>) semaphore(%arg25 : memref<!tpu.dma_semaphore, #tpu.memory_space<semaphore_mem>>)
    %dma_wait3A_1510 = arith.constant 0 : i32
    %dma_wait3A_1511 = arith.constant 0 : i32
    %dma_wait3A_1512 = tpu.memref_slice %arg8[%dma_wait3A_1510, %dma_wait3A_1511] : memref<2048x128xf32, #tpu.memory_space<hbm>> -> memref<2048x128xf32, #tpu.memory_space<hbm>>
    tpu.wait_indirect_dma semaphore(%arg25 : memref<!tpu.dma_semaphore, #tpu.memory_space<semaphore_mem>>) src(%dma_wait3A_1512 : memref<2048x128xf32, #tpu.memory_space<hbm>>) dst(%arg23 : memref<64x128xf32, #tpu.memory_space<vmem>>)
    %dma_start3A_1513 = arith.constant 0 : i32
    %dma_start3A_1514 = arith.constant 0 : i32
    %dma_start3A_1515 = tpu.memref_slice %arg12[%dma_start3A_1513, %dma_start3A_1514] : memref<6144x128xf32, #tpu.memory_space<hbm>> -> memref<6144x128xf32, #tpu.memory_space<hbm>>
    tpu.enqueue_indirect_dma source(%arg23 : memref<64x128xf32, #tpu.memory_space<vmem>>) target(%dma_start3A_1515 : memref<6144x128xf32, #tpu.memory_space<hbm>>) offsets(%arg19 : memref<64xi32, #tpu.memory_space<vmem>>) semaphore(%arg25 : memref<!tpu.dma_semaphore, #tpu.memory_space<semaphore_mem>>)
    %dma_wait3A_1516 = arith.constant 0 : i32
    %dma_wait3A_1517 = arith.constant 0 : i32
    %dma_wait3A_1518 = tpu.memref_slice %arg9[%dma_wait3A_1516, %dma_wait3A_1517] : memref<6144x768xf32, #tpu.memory_space<hbm>> -> memref<6144x768xf32, #tpu.memory_space<hbm>>
    tpu.wait_indirect_dma semaphore(%arg24 : memref<!tpu.dma_semaphore, #tpu.memory_space<semaphore_mem>>) src(%arg21 : memref<64x768xf32, #tpu.memory_space<vmem>>) dst(%dma_wait3A_1518 : memref<6144x768xf32, #tpu.memory_space<hbm>>)
    %dma_wait3A_1519 = arith.constant 0 : i32
    %dma_wait3A_1520 = arith.constant 0 : i32
    %dma_wait3A_1521 = tpu.memref_slice %arg9[%dma_wait3A_1519, %dma_wait3A_1520] : memref<6144x768xf32, #tpu.memory_space<hbm>> -> memref<6144x768xf32, #tpu.memory_space<hbm>>
    tpu.wait_indirect_dma semaphore(%arg24 : memref<!tpu.dma_semaphore, #tpu.memory_space<semaphore_mem>>) src(%arg21 : memref<64x768xf32, #tpu.memory_space<vmem>>) dst(%dma_wait3A_1521 : memref<6144x768xf32, #tpu.memory_space<hbm>>)
    %dma_wait3A_1522 = arith.constant 0 : i32
    %dma_wait3A_1523 = arith.constant 0 : i32
    %dma_wait3A_1524 = tpu.memref_slice %arg12[%dma_wait3A_1522, %dma_wait3A_1523] : memref<6144x128xf32, #tpu.memory_space<hbm>> -> memref<6144x128xf32, #tpu.memory_space<hbm>>
    tpu.wait_indirect_dma semaphore(%arg25 : memref<!tpu.dma_semaphore, #tpu.memory_space<semaphore_mem>>) src(%arg23 : memref<64x128xf32, #tpu.memory_space<vmem>>) dst(%dma_wait3A_1524 : memref<6144x128xf32, #tpu.memory_space<hbm>>)
    "tpu.region"() ({
      %run_scoped3A = tpu.sem_alloc : memref<!tpu.dma_semaphore, #tpu.memory_space<semaphore_mem>>
      %dma_start3A_1525 = tpu.memref_slice %arg10[%mul3A_2] : memref<2048xi32, #tpu.memory_space<hbm>> -> memref<64xi32, #tpu.memory_space<hbm>>
      %dma_start3A_1526 = tpu.memref_slice %arg10[%mul3A_2] : memref<2048xi32, #tpu.memory_space<hbm>> -> memref<64xi32, #tpu.memory_space<hbm>>
      tpu.enqueue_dma source(%arg18 : memref<64xi32, #tpu.memory_space<vmem>>) target(%dma_start3A_1526 : memref<64xi32, #tpu.memory_space<hbm>>) target_semaphore(%run_scoped3A : memref<!tpu.dma_semaphore, #tpu.memory_space<semaphore_mem>>)
      %dma_wait3A_1527 = tpu.memref_slice %arg10[%mul3A_2] : memref<2048xi32, #tpu.memory_space<hbm>> -> memref<64xi32, #tpu.memory_space<hbm>>
      %dma_wait3A_1528 = tpu.memref_slice %arg10[%mul3A_2] : memref<2048xi32, #tpu.memory_space<hbm>> -> memref<64xi32, #tpu.memory_space<hbm>>
      tpu.wait_dma2 semaphore(%run_scoped3A : memref<!tpu.dma_semaphore, #tpu.memory_space<semaphore_mem>>) src(%arg18 : memref<64xi32, #tpu.memory_space<vmem>>) dst(%dma_wait3A_1528 : memref<64xi32, #tpu.memory_space<hbm>>)
      tpu.yield
    }) : () -> ()
    "tpu.region"() ({
      %run_scoped3A = tpu.sem_alloc : memref<!tpu.dma_semaphore, #tpu.memory_space<semaphore_mem>>
      %dma_start3A_1525 = tpu.memref_slice %arg11[%mul3A_2] : memref<2048xi32, #tpu.memory_space<hbm>> -> memref<64xi32, #tpu.memory_space<hbm>>
      %dma_start3A_1526 = tpu.memref_slice %arg11[%mul3A_2] : memref<2048xi32, #tpu.memory_space<hbm>> -> memref<64xi32, #tpu.memory_space<hbm>>
      tpu.enqueue_dma source(%arg19 : memref<64xi32, #tpu.memory_space<vmem>>) target(%dma_start3A_1526 : memref<64xi32, #tpu.memory_space<hbm>>) target_semaphore(%run_scoped3A : memref<!tpu.dma_semaphore, #tpu.memory_space<semaphore_mem>>)
      %dma_wait3A_1527 = tpu.memref_slice %arg11[%mul3A_2] : memref<2048xi32, #tpu.memory_space<hbm>> -> memref<64xi32, #tpu.memory_space<hbm>>
      %dma_wait3A_1528 = tpu.memref_slice %arg11[%mul3A_2] : memref<2048xi32, #tpu.memory_space<hbm>> -> memref<64xi32, #tpu.memory_space<hbm>>
      tpu.wait_dma2 semaphore(%run_scoped3A : memref<!tpu.dma_semaphore, #tpu.memory_space<semaphore_mem>>) src(%arg19 : memref<64xi32, #tpu.memory_space<vmem>>) dst(%dma_wait3A_1528 : memref<64xi32, #tpu.memory_space<hbm>>)
      tpu.yield
    }) : () -> ()
    return
  }
}

module attributes {stable_mosaic.version = 14 : i64} {
  func.func @_router_body(%arg0: memref<2048x768xf32, #tpu.memory_space<vmem>>, %arg1: memref<8x768xf32, #tpu.memory_space<vmem>>, %arg2: memref<2048x1xi32, #tpu.memory_space<vmem>>, %arg3: memref<2048x1xi32, #tpu.memory_space<vmem>>, %arg4: memref<2048x128xf32, #tpu.memory_space<vmem>>, %arg5: memref<2048x128xf32, #tpu.memory_space<vmem>>, %arg6: memref<32x16xi32, #tpu.memory_space<vmem>>, %arg7: memref<8x16xi32, #tpu.memory_space<vmem>>, %arg8: memref<8x24xi32, #tpu.memory_space<vmem>>) attributes {dimension_semantics = [], scalar_prefetch = 0 : i64, scratch_operands = 0 : i64, tpu.core_type = #tpu.core_type<tc>} {
    %get3A = arith.constant 0 : index
    %get3A_0 = arith.constant 0 : index
    %get3A_1 = vector.load %arg0[%get3A, %get3A_0] : memref<2048x768xf32, #tpu.memory_space<vmem>>, vector<2048x768xf32>
    %get3A_2 = arith.constant 0 : index
    %get3A_3 = arith.constant 0 : index
    %get3A_4 = vector.load %arg1[%get3A_2, %get3A_3] : memref<8x768xf32, #tpu.memory_space<vmem>>, vector<8x768xf32>
    %dot_general3A = arith.constant dense<0.000000e+00> : vector<2048x8xf32>
    %dot_general3A_5 = tpu.matmul %get3A_1, %get3A_4, %dot_general3A {dimension_numbers = #tpu.dot_dimension_numbers<[1], [1], [0], [0], [0, 0, 1, 0], [], []>, transpose_lhs_hint = false} : vector<2048x768xf32>, vector<8x768xf32>, vector<2048x8xf32> -> vector<2048x8xf32>
    %iota3A = tpu.iota {dimensions = array<i32: 1>} : vector<2048x8xi32>
    %reduce_max3A = arith.constant dense<0xFF800000> : vector<2048xf32>
    %reduce_max3A_6 = vector.multi_reduction <maximumf>, %dot_general3A_5, %reduce_max3A [1] : vector<2048x8xf32> to vector<2048xf32>
    %broadcast_in_dim3A = vector.shape_cast %reduce_max3A_6 : vector<2048xf32> to vector<2048x1xf32>
    %eq3A = vector.broadcast %broadcast_in_dim3A : vector<2048x1xf32> to vector<2048x8xf32>
    %eq3A_7 = arith.cmpf oeq, %dot_general3A_5, %eq3A : vector<2048x8xf32>
    %jit3A = arith.constant 8 : i32
    %broadcast_in_dim3A_8 = vector.broadcast %jit3A : i32 to vector<2048x8xi32>
    %select_n3A = arith.select %eq3A_7, %iota3A, %broadcast_in_dim3A_8 : vector<2048x8xi1>, vector<2048x8xi32>
    %reduce_min3A = arith.constant dense<2147483647> : vector<2048xi32>
    %reduce_min3A_9 = vector.multi_reduction <minsi>, %select_n3A, %reduce_min3A [1] : vector<2048x8xi32> to vector<2048xi32>
    %broadcast_in_dim3A_10 = vector.shape_cast %reduce_min3A_9 : vector<2048xi32> to vector<2048x1xi32>
    %eq3A_11 = vector.broadcast %broadcast_in_dim3A_10 : vector<2048x1xi32> to vector<2048x8xi32>
    %eq3A_12 = arith.cmpi eq, %iota3A, %eq3A_11 : vector<2048x8xi32>
    %jit3A_13 = arith.constant 0xFF800000 : f32
    %broadcast_in_dim3A_14 = vector.broadcast %jit3A_13 : f32 to vector<2048x8xf32>
    %select_n3A_15 = arith.select %eq3A_12, %broadcast_in_dim3A_14, %dot_general3A_5 : vector<2048x8xi1>, vector<2048x8xf32>
    %reduce_max3A_16 = arith.constant dense<0xFF800000> : vector<2048xf32>
    %reduce_max3A_17 = vector.multi_reduction <maximumf>, %select_n3A_15, %reduce_max3A_16 [1] : vector<2048x8xf32> to vector<2048xf32>
    %broadcast_in_dim3A_18 = vector.shape_cast %reduce_max3A_17 : vector<2048xf32> to vector<2048x1xf32>
    %eq3A_19 = vector.broadcast %broadcast_in_dim3A_18 : vector<2048x1xf32> to vector<2048x8xf32>
    %eq3A_20 = arith.cmpf oeq, %select_n3A_15, %eq3A_19 : vector<2048x8xf32>
    %jit3A_21 = arith.constant 8 : i32
    %broadcast_in_dim3A_22 = vector.broadcast %jit3A_21 : i32 to vector<2048x8xi32>
    %select_n3A_23 = arith.select %eq3A_20, %iota3A, %broadcast_in_dim3A_22 : vector<2048x8xi1>, vector<2048x8xi32>
    %reduce_min3A_24 = arith.constant dense<2147483647> : vector<2048xi32>
    %reduce_min3A_25 = vector.multi_reduction <minsi>, %select_n3A_23, %reduce_min3A_24 [1] : vector<2048x8xi32> to vector<2048xi32>
    %broadcast_in_dim3A_26 = vector.shape_cast %reduce_min3A_25 : vector<2048xi32> to vector<2048x1xi32>
    %sub3A = arith.subf %broadcast_in_dim3A, %broadcast_in_dim3A_18 : vector<2048x1xf32>
    %neg3A = arith.constant 0.000000e+00 : f32
    %neg3A_27 = vector.broadcast %neg3A : f32 to vector<2048x1xf32>
    %neg3A_28 = arith.subf %neg3A_27, %sub3A : vector<2048x1xf32>
    %exp3A = math.exp %neg3A_28 : vector<2048x1xf32>
    %add3A = arith.constant 1.000000e+00 : f32
    %add3A_29 = vector.broadcast %add3A : f32 to vector<2048x1xf32>
    %add3A_30 = arith.addf %add3A_29, %exp3A : vector<2048x1xf32>
    %div3A = arith.constant 1.000000e+00 : f32
    %div3A_31 = vector.broadcast %div3A : f32 to vector<2048x1xf32>
    %div3A_32 = arith.divf %div3A_31, %add3A_30 : vector<2048x1xf32>
    %swap3A = arith.constant 0 : index
    %swap3A_33 = arith.constant 0 : index
    %swap3A_34 = vector.load %arg2[%swap3A, %swap3A_33] : memref<2048x1xi32, #tpu.memory_space<vmem>>, vector<2048x1xi32>
    tpu.vector_store %arg2[%swap3A, %swap3A_33], %broadcast_in_dim3A_10 {strides = array<i32>} : memref<2048x1xi32, #tpu.memory_space<vmem>>, vector<2048x1xi32>,
    %swap3A_35 = arith.constant 0 : index
    %swap3A_36 = arith.constant 0 : index
    %swap3A_37 = vector.load %arg3[%swap3A_35, %swap3A_36] : memref<2048x1xi32, #tpu.memory_space<vmem>>, vector<2048x1xi32>
    tpu.vector_store %arg3[%swap3A_35, %swap3A_36], %broadcast_in_dim3A_26 {strides = array<i32>} : memref<2048x1xi32, #tpu.memory_space<vmem>>, vector<2048x1xi32>,
    %broadcast_in_dim3A_38 = arith.constant 0.000000e+00 : f32
    %broadcast_in_dim3A_39 = vector.broadcast %broadcast_in_dim3A_38 : f32 to vector<2048x128xf32>
    %add3A_40 = vector.broadcast %div3A_32 : vector<2048x1xf32> to vector<2048x128xf32>
    %add3A_41 = arith.addf %add3A_40, %broadcast_in_dim3A_39 : vector<2048x128xf32>
    %swap3A_42 = arith.constant 0 : index
    %swap3A_43 = arith.constant 0 : index
    %swap3A_44 = vector.load %arg4[%swap3A_42, %swap3A_43] : memref<2048x128xf32, #tpu.memory_space<vmem>>, vector<2048x128xf32>
    tpu.vector_store %arg4[%swap3A_42, %swap3A_43], %add3A_41 {strides = array<i32>} : memref<2048x128xf32, #tpu.memory_space<vmem>>, vector<2048x128xf32>,
    %sub3A_45 = arith.constant 1.000000e+00 : f32
    %sub3A_46 = vector.broadcast %sub3A_45 : f32 to vector<2048x1xf32>
    %sub3A_47 = arith.subf %sub3A_46, %div3A_32 : vector<2048x1xf32>
    %broadcast_in_dim3A_48 = arith.constant 0.000000e+00 : f32
    %broadcast_in_dim3A_49 = vector.broadcast %broadcast_in_dim3A_48 : f32 to vector<2048x128xf32>
    %add3A_50 = vector.broadcast %sub3A_47 : vector<2048x1xf32> to vector<2048x128xf32>
    %add3A_51 = arith.addf %add3A_50, %broadcast_in_dim3A_49 : vector<2048x128xf32>
    %swap3A_52 = arith.constant 0 : index
    %swap3A_53 = arith.constant 0 : index
    %swap3A_54 = vector.load %arg5[%swap3A_52, %swap3A_53] : memref<2048x128xf32, #tpu.memory_space<vmem>>, vector<2048x128xf32>
    tpu.vector_store %arg5[%swap3A_52, %swap3A_53], %add3A_51 {strides = array<i32>} : memref<2048x128xf32, #tpu.memory_space<vmem>>, vector<2048x128xf32>,
    %iota3A_55 = tpu.iota {dimensions = array<i32: 1>} : vector<2048x16xi32>
    %eq3A_56 = vector.broadcast %broadcast_in_dim3A_10 : vector<2048x1xi32> to vector<2048x16xi32>
    %eq3A_57 = arith.cmpi eq, %iota3A_55, %eq3A_56 : vector<2048x16xi32>
    %jit3A_58 = arith.constant 1.000000e+00 : f32
    %jit3A_59 = arith.constant 0.000000e+00 : f32
    %broadcast_in_dim3A_60 = vector.broadcast %jit3A_58 : f32 to vector<2048x16xf32>
    %broadcast_in_dim3A_61 = vector.broadcast %jit3A_59 : f32 to vector<2048x16xf32>
    %select_n3A_62 = arith.select %eq3A_57, %broadcast_in_dim3A_60, %broadcast_in_dim3A_61 : vector<2048x16xi1>, vector<2048x16xf32>
    %eq3A_63 = vector.broadcast %broadcast_in_dim3A_26 : vector<2048x1xi32> to vector<2048x16xi32>
    %eq3A_64 = arith.cmpi eq, %iota3A_55, %eq3A_63 : vector<2048x16xi32>
    %jit3A_65 = arith.constant 1.000000e+00 : f32
    %jit3A_66 = arith.constant 0.000000e+00 : f32
    %broadcast_in_dim3A_67 = vector.broadcast %jit3A_65 : f32 to vector<2048x16xf32>
    %broadcast_in_dim3A_68 = vector.broadcast %jit3A_66 : f32 to vector<2048x16xf32>
    %select_n3A_69 = arith.select %eq3A_64, %broadcast_in_dim3A_67, %broadcast_in_dim3A_68 : vector<2048x16xi1>, vector<2048x16xf32>
    %add3A_70 = arith.addf %select_n3A_62, %select_n3A_69 : vector<2048x16xf32>
    %iota3A_71 = tpu.iota {dimensions = array<i32: 0>} : vector<32x2048xi32>
    %iota3A_72 = tpu.iota {dimensions = array<i32: 1>} : vector<32x2048xi32>
    %jit3A_73 = arith.constant 64 : i32
    %div3A_74 = vector.broadcast %jit3A_73 : i32 to vector<32x2048xi32>
    %div3A_75 = arith.divsi %iota3A_72, %div3A_74 : vector<32x2048xi32>
    %sign3A = arith.constant 0 : i32
    %sign3A_76 = vector.broadcast %sign3A : i32 to vector<32x2048xi32>
    %sign3A_77 = arith.cmpi sgt, %iota3A_72, %sign3A_76 : vector<32x2048xi32>
    %sign3A_78 = arith.extui %sign3A_77 : vector<32x2048xi1> to vector<32x2048xi32>
    %sign3A_79 = arith.constant 0 : i32
    %sign3A_80 = vector.broadcast %sign3A_79 : i32 to vector<32x2048xi32>
    %sign3A_81 = arith.cmpi slt, %iota3A_72, %sign3A_80 : vector<32x2048xi32>
    %sign3A_82 = arith.extui %sign3A_81 : vector<32x2048xi1> to vector<32x2048xi32>
    %sign3A_83 = arith.subi %sign3A_78, %sign3A_82 : vector<32x2048xi32>
    %sign3A_84 = arith.constant 0 : i32
    %sign3A_85 = arith.cmpi sgt, %jit3A_73, %sign3A_84 : i32
    %sign3A_86 = arith.extui %sign3A_85 : i1 to i32
    %sign3A_87 = arith.constant 0 : i32
    %sign3A_88 = arith.cmpi slt, %jit3A_73, %sign3A_87 : i32
    %sign3A_89 = arith.extui %sign3A_88 : i1 to i32
    %sign3A_90 = arith.subi %sign3A_86, %sign3A_89 : i32
    %ne3A = vector.broadcast %sign3A_90 : i32 to vector<32x2048xi32>
    %ne3A_91 = arith.cmpi ne, %sign3A_83, %ne3A : vector<32x2048xi32>
    %rem3A = vector.broadcast %jit3A_73 : i32 to vector<32x2048xi32>
    %rem3A_92 = arith.remsi %iota3A_72, %rem3A : vector<32x2048xi32>
    %ne3A_93 = arith.constant 0 : i32
    %ne3A_94 = vector.broadcast %ne3A_93 : i32 to vector<32x2048xi32>
    %ne3A_95 = arith.cmpi ne, %rem3A_92, %ne3A_94 : vector<32x2048xi32>
    %and3A = arith.andi %ne3A_91, %ne3A_95 : vector<32x2048xi1>
    %sub3A_96 = arith.constant 1 : i32
    %sub3A_97 = vector.broadcast %sub3A_96 : i32 to vector<32x2048xi32>
    %sub3A_98 = arith.subi %div3A_75, %sub3A_97 : vector<32x2048xi32>
    %select_n3A_99 = arith.select %and3A, %sub3A_98, %div3A_75 : vector<32x2048xi1>, vector<32x2048xi32>
    %eq3A_100 = arith.cmpi eq, %select_n3A_99, %iota3A_71 : vector<32x2048xi32>
    %jit3A_101 = arith.constant 1.000000e+00 : f32
    %jit3A_102 = arith.constant 0.000000e+00 : f32
    %broadcast_in_dim3A_103 = vector.broadcast %jit3A_101 : f32 to vector<32x2048xf32>
    %broadcast_in_dim3A_104 = vector.broadcast %jit3A_102 : f32 to vector<32x2048xf32>
    %select_n3A_105 = arith.select %eq3A_100, %broadcast_in_dim3A_103, %broadcast_in_dim3A_104 : vector<32x2048xi1>, vector<32x2048xf32>
    %dot_general3A_106 = arith.constant dense<0.000000e+00> : vector<32x16xf32>
    %dot_general3A_107 = tpu.matmul %select_n3A_105, %add3A_70, %dot_general3A_106 {dimension_numbers = #tpu.dot_dimension_numbers<[1], [0], [0], [1], [0, 0, 1, 1], [], []>, transpose_lhs_hint = false} : vector<32x2048xf32>, vector<2048x16xf32>, vector<32x16xf32> -> vector<32x16xf32>
    %convert_element_type3A = arith.fptosi %dot_general3A_107 : vector<32x16xf32> to vector<32x16xi32>
    %swap3A_108 = arith.constant 0 : index
    %swap3A_109 = arith.constant 0 : index
    %swap3A_110 = vector.load %arg6[%swap3A_108, %swap3A_109] : memref<32x16xi32, #tpu.memory_space<vmem>>, vector<32x16xi32>
    tpu.vector_store %arg6[%swap3A_108, %swap3A_109], %convert_element_type3A {strides = array<i32>} : memref<32x16xi32, #tpu.memory_space<vmem>>, vector<32x16xi32>,
    %reduce_sum3A = arith.constant dense<0.000000e+00> : vector<16xf32>
    %reduce_sum3A_111 = vector.multi_reduction <add>, %add3A_70, %reduce_sum3A [0] : vector<2048x16xf32> to vector<16xf32>
    %broadcast_in_dim3A_112 = vector.shape_cast %reduce_sum3A_111 : vector<16xf32> to vector<1x16xf32>
    %add3A_113 = arith.constant 2.550000e+02 : f32
    %add3A_114 = vector.broadcast %add3A_113 : f32 to vector<1x16xf32>
    %add3A_115 = arith.addf %broadcast_in_dim3A_112, %add3A_114 : vector<1x16xf32>
    %mul3A = arith.constant 3.906250e-03 : f32
    %mul3A_116 = vector.broadcast %mul3A : f32 to vector<1x16xf32>
    %mul3A_117 = arith.mulf %add3A_115, %mul3A_116 : vector<1x16xf32>
    %floor3A = math.floor %mul3A_117 : vector<1x16xf32>
    %iota3A_118 = tpu.iota {dimensions = array<i32: 0>} : vector<16x16xi32>
    %iota3A_119 = tpu.iota {dimensions = array<i32: 1>} : vector<16x16xi32>
    %le3A = arith.cmpi sle, %iota3A_118, %iota3A_119 : vector<16x16xi32>
    %jit3A_120 = arith.constant 1.000000e+00 : f32
    %jit3A_121 = arith.constant 0.000000e+00 : f32
    %broadcast_in_dim3A_122 = vector.broadcast %jit3A_120 : f32 to vector<16x16xf32>
    %broadcast_in_dim3A_123 = vector.broadcast %jit3A_121 : f32 to vector<16x16xf32>
    %select_n3A_124 = arith.select %le3A, %broadcast_in_dim3A_122, %broadcast_in_dim3A_123 : vector<16x16xi1>, vector<16x16xf32>
    %dot_general3A_125 = arith.constant dense<0.000000e+00> : vector<1x16xf32>
    %dot_general3A_126 = tpu.matmul %floor3A, %select_n3A_124, %dot_general3A_125 {dimension_numbers = #tpu.dot_dimension_numbers<[1], [0], [0], [1], [0, 0, 1, 1], [], []>, transpose_lhs_hint = false} : vector<1x16xf32>, vector<16x16xf32>, vector<1x16xf32> -> vector<1x16xf32>
    %sub3A_127 = arith.subf %dot_general3A_126, %floor3A : vector<1x16xf32>
    %mul3A_128 = arith.constant 2.560000e+02 : f32
    %mul3A_129 = vector.broadcast %mul3A_128 : f32 to vector<1x16xf32>
    %mul3A_130 = arith.mulf %sub3A_127, %mul3A_129 : vector<1x16xf32>
    %broadcast_in_dim3A_131 = arith.constant 0.000000e+00 : f32
    %broadcast_in_dim3A_132 = vector.broadcast %broadcast_in_dim3A_131 : f32 to vector<4x16xf32>
    %concatenate3A = tpu.concatenate %broadcast_in_dim3A_112, %floor3A, %mul3A_130, %dot_general3A_126, %broadcast_in_dim3A_132 in 0 : vector<1x16xf32>, vector<1x16xf32>, vector<1x16xf32>, vector<1x16xf32>, vector<4x16xf32> -> vector<8x16xf32>
    %convert_element_type3A_133 = arith.fptosi %concatenate3A : vector<8x16xf32> to vector<8x16xi32>
    %swap3A_134 = arith.constant 0 : index
    %swap3A_135 = arith.constant 0 : index
    %swap3A_136 = vector.load %arg7[%swap3A_134, %swap3A_135] : memref<8x16xi32, #tpu.memory_space<vmem>>, vector<8x16xi32>
    tpu.vector_store %arg7[%swap3A_134, %swap3A_135], %convert_element_type3A_133 {strides = array<i32>} : memref<8x16xi32, #tpu.memory_space<vmem>>, vector<8x16xi32>,
    %iota3A_137 = tpu.iota {dimensions = array<i32: 1>} : vector<8x24xi32>
    %convert_element_type3A_138 = arith.sitofp %iota3A_137 : vector<8x24xi32> to vector<8x24xf32>
    %broadcast_in_dim3A_139 = arith.constant 0.000000e+00 : f32
    %broadcast_in_dim3A_140 = vector.broadcast %broadcast_in_dim3A_139 : f32 to vector<8x24xf32>
    %slice3A = vector.extract_strided_slice %dot_general3A_126 {offsets = [0, 0], sizes = [1, 1], strides = [1, 1]} : vector<1x16xf32> to vector<1x1xf32>
    %squeeze3A = vector.extract %slice3A[0, 0] : f32 from vector<1x1xf32>
    %ge3A = vector.broadcast %squeeze3A : f32 to vector<8x24xf32>
    %ge3A_141 = arith.cmpf oge, %convert_element_type3A_138, %ge3A : vector<8x24xf32>
    %jit3A_142 = arith.constant 1.000000e+00 : f32
    %jit3A_143 = arith.constant 0.000000e+00 : f32
    %broadcast_in_dim3A_144 = vector.broadcast %jit3A_142 : f32 to vector<8x24xf32>
    %broadcast_in_dim3A_145 = vector.broadcast %jit3A_143 : f32 to vector<8x24xf32>
    %select_n3A_146 = arith.select %ge3A_141, %broadcast_in_dim3A_144, %broadcast_in_dim3A_145 : vector<8x24xi1>, vector<8x24xf32>
    %add3A_147 = arith.addf %broadcast_in_dim3A_140, %select_n3A_146 : vector<8x24xf32>
    %slice3A_148 = vector.extract_strided_slice %dot_general3A_126 {offsets = [0, 1], sizes = [1, 1], strides = [1, 1]} : vector<1x16xf32> to vector<1x1xf32>
    %squeeze3A_149 = vector.extract %slice3A_148[0, 0] : f32 from vector<1x1xf32>
    %ge3A_150 = vector.broadcast %squeeze3A_149 : f32 to vector<8x24xf32>
    %ge3A_151 = arith.cmpf oge, %convert_element_type3A_138, %ge3A_150 : vector<8x24xf32>
    %jit3A_152 = arith.constant 1.000000e+00 : f32
    %jit3A_153 = arith.constant 0.000000e+00 : f32
    %broadcast_in_dim3A_154 = vector.broadcast %jit3A_152 : f32 to vector<8x24xf32>
    %broadcast_in_dim3A_155 = vector.broadcast %jit3A_153 : f32 to vector<8x24xf32>
    %select_n3A_156 = arith.select %ge3A_151, %broadcast_in_dim3A_154, %broadcast_in_dim3A_155 : vector<8x24xi1>, vector<8x24xf32>
    %add3A_157 = arith.addf %add3A_147, %select_n3A_156 : vector<8x24xf32>
    %slice3A_158 = vector.extract_strided_slice %dot_general3A_126 {offsets = [0, 2], sizes = [1, 1], strides = [1, 1]} : vector<1x16xf32> to vector<1x1xf32>
    %squeeze3A_159 = vector.extract %slice3A_158[0, 0] : f32 from vector<1x1xf32>
    %ge3A_160 = vector.broadcast %squeeze3A_159 : f32 to vector<8x24xf32>
    %ge3A_161 = arith.cmpf oge, %convert_element_type3A_138, %ge3A_160 : vector<8x24xf32>
    %jit3A_162 = arith.constant 1.000000e+00 : f32
    %jit3A_163 = arith.constant 0.000000e+00 : f32
    %broadcast_in_dim3A_164 = vector.broadcast %jit3A_162 : f32 to vector<8x24xf32>
    %broadcast_in_dim3A_165 = vector.broadcast %jit3A_163 : f32 to vector<8x24xf32>
    %select_n3A_166 = arith.select %ge3A_161, %broadcast_in_dim3A_164, %broadcast_in_dim3A_165 : vector<8x24xi1>, vector<8x24xf32>
    %add3A_167 = arith.addf %add3A_157, %select_n3A_166 : vector<8x24xf32>
    %slice3A_168 = vector.extract_strided_slice %dot_general3A_126 {offsets = [0, 3], sizes = [1, 1], strides = [1, 1]} : vector<1x16xf32> to vector<1x1xf32>
    %squeeze3A_169 = vector.extract %slice3A_168[0, 0] : f32 from vector<1x1xf32>
    %ge3A_170 = vector.broadcast %squeeze3A_169 : f32 to vector<8x24xf32>
    %ge3A_171 = arith.cmpf oge, %convert_element_type3A_138, %ge3A_170 : vector<8x24xf32>
    %jit3A_172 = arith.constant 1.000000e+00 : f32
    %jit3A_173 = arith.constant 0.000000e+00 : f32
    %broadcast_in_dim3A_174 = vector.broadcast %jit3A_172 : f32 to vector<8x24xf32>
    %broadcast_in_dim3A_175 = vector.broadcast %jit3A_173 : f32 to vector<8x24xf32>
    %select_n3A_176 = arith.select %ge3A_171, %broadcast_in_dim3A_174, %broadcast_in_dim3A_175 : vector<8x24xi1>, vector<8x24xf32>
    %add3A_177 = arith.addf %add3A_167, %select_n3A_176 : vector<8x24xf32>
    %slice3A_178 = vector.extract_strided_slice %dot_general3A_126 {offsets = [0, 4], sizes = [1, 1], strides = [1, 1]} : vector<1x16xf32> to vector<1x1xf32>
    %squeeze3A_179 = vector.extract %slice3A_178[0, 0] : f32 from vector<1x1xf32>
    %ge3A_180 = vector.broadcast %squeeze3A_179 : f32 to vector<8x24xf32>
    %ge3A_181 = arith.cmpf oge, %convert_element_type3A_138, %ge3A_180 : vector<8x24xf32>
    %jit3A_182 = arith.constant 1.000000e+00 : f32
    %jit3A_183 = arith.constant 0.000000e+00 : f32
    %broadcast_in_dim3A_184 = vector.broadcast %jit3A_182 : f32 to vector<8x24xf32>
    %broadcast_in_dim3A_185 = vector.broadcast %jit3A_183 : f32 to vector<8x24xf32>
    %select_n3A_186 = arith.select %ge3A_181, %broadcast_in_dim3A_184, %broadcast_in_dim3A_185 : vector<8x24xi1>, vector<8x24xf32>
    %add3A_187 = arith.addf %add3A_177, %select_n3A_186 : vector<8x24xf32>
    %slice3A_188 = vector.extract_strided_slice %dot_general3A_126 {offsets = [0, 5], sizes = [1, 1], strides = [1, 1]} : vector<1x16xf32> to vector<1x1xf32>
    %squeeze3A_189 = vector.extract %slice3A_188[0, 0] : f32 from vector<1x1xf32>
    %ge3A_190 = vector.broadcast %squeeze3A_189 : f32 to vector<8x24xf32>
    %ge3A_191 = arith.cmpf oge, %convert_element_type3A_138, %ge3A_190 : vector<8x24xf32>
    %jit3A_192 = arith.constant 1.000000e+00 : f32
    %jit3A_193 = arith.constant 0.000000e+00 : f32
    %broadcast_in_dim3A_194 = vector.broadcast %jit3A_192 : f32 to vector<8x24xf32>
    %broadcast_in_dim3A_195 = vector.broadcast %jit3A_193 : f32 to vector<8x24xf32>
    %select_n3A_196 = arith.select %ge3A_191, %broadcast_in_dim3A_194, %broadcast_in_dim3A_195 : vector<8x24xi1>, vector<8x24xf32>
    %add3A_197 = arith.addf %add3A_187, %select_n3A_196 : vector<8x24xf32>
    %slice3A_198 = vector.extract_strided_slice %dot_general3A_126 {offsets = [0, 6], sizes = [1, 1], strides = [1, 1]} : vector<1x16xf32> to vector<1x1xf32>
    %squeeze3A_199 = vector.extract %slice3A_198[0, 0] : f32 from vector<1x1xf32>
    %ge3A_200 = vector.broadcast %squeeze3A_199 : f32 to vector<8x24xf32>
    %ge3A_201 = arith.cmpf oge, %convert_element_type3A_138, %ge3A_200 : vector<8x24xf32>
    %jit3A_202 = arith.constant 1.000000e+00 : f32
    %jit3A_203 = arith.constant 0.000000e+00 : f32
    %broadcast_in_dim3A_204 = vector.broadcast %jit3A_202 : f32 to vector<8x24xf32>
    %broadcast_in_dim3A_205 = vector.broadcast %jit3A_203 : f32 to vector<8x24xf32>
    %select_n3A_206 = arith.select %ge3A_201, %broadcast_in_dim3A_204, %broadcast_in_dim3A_205 : vector<8x24xi1>, vector<8x24xf32>
    %add3A_207 = arith.addf %add3A_197, %select_n3A_206 : vector<8x24xf32>
    %slice3A_208 = vector.extract_strided_slice %dot_general3A_126 {offsets = [0, 7], sizes = [1, 1], strides = [1, 1]} : vector<1x16xf32> to vector<1x1xf32>
    %squeeze3A_209 = vector.extract %slice3A_208[0, 0] : f32 from vector<1x1xf32>
    %ge3A_210 = vector.broadcast %squeeze3A_209 : f32 to vector<8x24xf32>
    %ge3A_211 = arith.cmpf oge, %convert_element_type3A_138, %ge3A_210 : vector<8x24xf32>
    %jit3A_212 = arith.constant 1.000000e+00 : f32
    %jit3A_213 = arith.constant 0.000000e+00 : f32
    %broadcast_in_dim3A_214 = vector.broadcast %jit3A_212 : f32 to vector<8x24xf32>
    %broadcast_in_dim3A_215 = vector.broadcast %jit3A_213 : f32 to vector<8x24xf32>
    %select_n3A_216 = arith.select %ge3A_211, %broadcast_in_dim3A_214, %broadcast_in_dim3A_215 : vector<8x24xi1>, vector<8x24xf32>
    %add3A_217 = arith.addf %add3A_207, %select_n3A_216 : vector<8x24xf32>
    %min3A = arith.constant 7.000000e+00 : f32
    %min3A_218 = vector.broadcast %min3A : f32 to vector<8x24xf32>
    %min3A_219 = arith.minimumf %add3A_217, %min3A_218 : vector<8x24xf32>
    %convert_element_type3A_220 = arith.fptosi %min3A_219 : vector<8x24xf32> to vector<8x24xi32>
    %swap3A_221 = arith.constant 0 : index
    %swap3A_222 = arith.constant 0 : index
    %swap3A_223 = vector.load %arg8[%swap3A_221, %swap3A_222] : memref<8x24xi32, #tpu.memory_space<vmem>>, vector<8x24xi32>
    tpu.vector_store %arg8[%swap3A_221, %swap3A_222], %convert_element_type3A_220 {strides = array<i32>} : memref<8x24xi32, #tpu.memory_space<vmem>>, vector<8x24xi32>,
    return
  }
}

module attributes {stable_mosaic.version = 14 : i64} {
  func.func @_ffn_body(%arg0: i32, %arg1: i32, %arg2: memref<24xi32, #tpu.memory_space<smem>>, %arg3: memref<256x768xf32, #tpu.memory_space<vmem>>, %arg4: memref<1x1536x768xf32, #tpu.memory_space<vmem>>, %arg5: memref<1x1536x768xf32, #tpu.memory_space<vmem>>, %arg6: memref<1x1x1536xf32, #tpu.memory_space<vmem>>, %arg7: memref<1x1x1536xf32, #tpu.memory_space<vmem>>, %arg8: memref<1x768x1536xf32, #tpu.memory_space<vmem>>, %arg9: memref<1x1x768xf32, #tpu.memory_space<vmem>>, %arg10: memref<256x128xf32, #tpu.memory_space<vmem>>, %arg11: memref<6144x768xf32, #tpu.memory_space<vmem>>) attributes {dimension_semantics = [#tpu.dimension_semantics<arbitrary>, #tpu.dimension_semantics<arbitrary>], iteration_bounds = array<i64: 2, 24>, scalar_prefetch = 1 : i64, scratch_operands = 0 : i64, tpu.core_type = #tpu.core_type<tc>, window_params = [{transform_indices = @transform_0, window_bounds = array<i64: 256, 768>}, {transform_indices = @transform_1, window_bounds = array<i64: 1, 1536, 768>}, {transform_indices = @transform_2, window_bounds = array<i64: 1, 1536, 768>}, {transform_indices = @transform_3, window_bounds = array<i64: 1, 1, 1536>}, {transform_indices = @transform_4, window_bounds = array<i64: 1, 1, 1536>}, {transform_indices = @transform_5, window_bounds = array<i64: 1, 768, 1536>}, {transform_indices = @transform_6, window_bounds = array<i64: 1, 1, 768>}, {transform_indices = @transform_7, window_bounds = array<i64: 256, 128>}, {pipeline_mode = #tpu.pipeline_mode<synchronous>, transform_indices = @transform_8, window_bounds = array<i64: 6144, 768>}]} {
    %get3A = arith.constant 0 : index
    %get3A_0 = arith.constant 0 : index
    %get3A_1 = vector.load %arg3[%get3A, %get3A_0] : memref<256x768xf32, #tpu.memory_space<vmem>>, vector<256x768xf32>
    %convert_element_type3A = arith.truncf %get3A_1 : vector<256x768xf32> to vector<256x768xbf16>
    %get3A_2 = arith.constant 0 : index
    %get3A_3 = arith.constant 0 : index
    %get3A_4 = arith.constant 0 : index
    %get3A_5 = vector.load %arg5[%get3A_2, %get3A_3, %get3A_4] : memref<1x1536x768xf32, #tpu.memory_space<vmem>>, vector<1x1536x768xf32>
    %get3A_6 = vector.shape_cast %get3A_5 : vector<1x1536x768xf32> to vector<1536x768xf32>
    %convert_element_type3A_7 = arith.truncf %get3A_6 : vector<1536x768xf32> to vector<1536x768xbf16>
    %dot_general3A = arith.constant dense<0.000000e+00> : vector<256x1536xf32>
    %dot_general3A_8 = tpu.matmul %convert_element_type3A, %convert_element_type3A_7, %dot_general3A {dimension_numbers = #tpu.dot_dimension_numbers<[1], [1], [0], [0], [0, 0, 1, 0], [], []>, transpose_lhs_hint = false} : vector<256x768xbf16>, vector<1536x768xbf16>, vector<256x1536xf32> -> vector<256x1536xf32>
    %get3A_9 = arith.constant 0 : index
    %get3A_10 = arith.constant 0 : index
    %get3A_11 = arith.constant 0 : index
    %get3A_12 = vector.load %arg7[%get3A_9, %get3A_10, %get3A_11] : memref<1x1x1536xf32, #tpu.memory_space<vmem>>, vector<1x1x1536xf32>
    %get3A_13 = vector.shape_cast %get3A_12 : vector<1x1x1536xf32> to vector<1x1536xf32>
    %add3A = vector.broadcast %get3A_13 : vector<1x1536xf32> to vector<256x1536xf32>
    %add3A_14 = arith.addf %dot_general3A_8, %add3A : vector<256x1536xf32>
    %get3A_15 = arith.constant 0 : index
    %get3A_16 = arith.constant 0 : index
    %get3A_17 = arith.constant 0 : index
    %get3A_18 = vector.load %arg4[%get3A_15, %get3A_16, %get3A_17] : memref<1x1536x768xf32, #tpu.memory_space<vmem>>, vector<1x1536x768xf32>
    %get3A_19 = vector.shape_cast %get3A_18 : vector<1x1536x768xf32> to vector<1536x768xf32>
    %convert_element_type3A_20 = arith.truncf %get3A_19 : vector<1536x768xf32> to vector<1536x768xbf16>
    %dot_general3A_21 = arith.constant dense<0.000000e+00> : vector<256x1536xf32>
    %dot_general3A_22 = tpu.matmul %convert_element_type3A, %convert_element_type3A_20, %dot_general3A_21 {dimension_numbers = #tpu.dot_dimension_numbers<[1], [1], [0], [0], [0, 0, 1, 0], [], []>, transpose_lhs_hint = false} : vector<256x768xbf16>, vector<1536x768xbf16>, vector<256x1536xf32> -> vector<256x1536xf32>
    %get3A_23 = arith.constant 0 : index
    %get3A_24 = arith.constant 0 : index
    %get3A_25 = arith.constant 0 : index
    %get3A_26 = vector.load %arg6[%get3A_23, %get3A_24, %get3A_25] : memref<1x1x1536xf32, #tpu.memory_space<vmem>>, vector<1x1x1536xf32>
    %get3A_27 = vector.shape_cast %get3A_26 : vector<1x1x1536xf32> to vector<1x1536xf32>
    %add3A_28 = vector.broadcast %get3A_27 : vector<1x1536xf32> to vector<256x1536xf32>
    %add3A_29 = arith.addf %dot_general3A_22, %add3A_28 : vector<256x1536xf32>
    %neg3A = arith.constant 0.000000e+00 : f32
    %neg3A_30 = vector.broadcast %neg3A : f32 to vector<256x1536xf32>
    %neg3A_31 = arith.subf %neg3A_30, %add3A_14 : vector<256x1536xf32>
    %exp3A = math.exp %neg3A_31 : vector<256x1536xf32>
    %add3A_32 = arith.constant 1.000000e+00 : f32
    %add3A_33 = vector.broadcast %add3A_32 : f32 to vector<256x1536xf32>
    %add3A_34 = arith.addf %add3A_33, %exp3A : vector<256x1536xf32>
    %div3A = arith.constant 1.000000e+00 : f32
    %div3A_35 = vector.broadcast %div3A : f32 to vector<256x1536xf32>
    %div3A_36 = arith.divf %div3A_35, %add3A_34 : vector<256x1536xf32>
    %mul3A = arith.mulf %add3A_14, %div3A_36 : vector<256x1536xf32>
    %mul3A_37 = arith.mulf %mul3A, %add3A_29 : vector<256x1536xf32>
    %convert_element_type3A_38 = arith.truncf %mul3A_37 : vector<256x1536xf32> to vector<256x1536xbf16>
    %get3A_39 = arith.constant 0 : index
    %get3A_40 = arith.constant 0 : index
    %get3A_41 = arith.constant 0 : index
    %get3A_42 = vector.load %arg8[%get3A_39, %get3A_40, %get3A_41] : memref<1x768x1536xf32, #tpu.memory_space<vmem>>, vector<1x768x1536xf32>
    %get3A_43 = vector.shape_cast %get3A_42 : vector<1x768x1536xf32> to vector<768x1536xf32>
    %convert_element_type3A_44 = arith.truncf %get3A_43 : vector<768x1536xf32> to vector<768x1536xbf16>
    %dot_general3A_45 = arith.constant dense<0.000000e+00> : vector<256x768xf32>
    %dot_general3A_46 = tpu.matmul %convert_element_type3A_38, %convert_element_type3A_44, %dot_general3A_45 {dimension_numbers = #tpu.dot_dimension_numbers<[1], [1], [0], [0], [0, 0, 1, 0], [], []>, transpose_lhs_hint = false} : vector<256x1536xbf16>, vector<768x1536xbf16>, vector<256x768xf32> -> vector<256x768xf32>
    %mul3A_47 = arith.constant 256 : i32
    %mul3A_48 = arith.muli %arg1, %mul3A_47 : i32
    %get3A_49 = arith.constant 0 : index
    %get3A_50 = arith.constant 0 : index
    %get3A_51 = vector.load %arg10[%get3A_49, %get3A_50] : memref<256x128xf32, #tpu.memory_space<vmem>>, vector<256x1xf32>
    %eq3A = arith.constant 0 : i32
    %eq3A_52 = arith.cmpi eq, %arg0, %eq3A : i32
    %convert_element_type3A_53 = arith.extui %eq3A_52 : i1 to i32
    %cond3A = arith.constant 0 : i32
    %cond3A_54 = arith.cmpi ne, %convert_element_type3A_53, %cond3A : i32
    scf.if %cond3A_54 {
      %get3A_59 = arith.constant 0 : index
      %get3A_60 = arith.constant 0 : index
      %get3A_61 = arith.constant 0 : index
      %get3A_62 = vector.load %arg9[%get3A_59, %get3A_60, %get3A_61] : memref<1x1x768xf32, #tpu.memory_space<vmem>>, vector<1x1x768xf32>
      %get3A_63 = vector.shape_cast %get3A_62 : vector<1x1x768xf32> to vector<1x768xf32>
      %add3A_64 = vector.broadcast %get3A_63 : vector<1x768xf32> to vector<256x768xf32>
      %add3A_65 = arith.addf %dot_general3A_46, %add3A_64 : vector<256x768xf32>
      %mul3A_66 = vector.broadcast %get3A_51 : vector<256x1xf32> to vector<256x768xf32>
      %mul3A_67 = arith.mulf %mul3A_66, %add3A_65 : vector<256x768xf32>
      %swap3A = arith.index_cast %mul3A_48 : i32 to index
      %swap3A_68 = arith.constant 0 : index
      %swap3A_69 = vector.load %arg11[%swap3A, %swap3A_68] : memref<6144x768xf32, #tpu.memory_space<vmem>>, vector<256x768xf32>
      tpu.vector_store %arg11[%swap3A, %swap3A_68], %mul3A_67 {strides = array<i32>} : memref<6144x768xf32, #tpu.memory_space<vmem>>, vector<256x768xf32>,
    } else {
    }
    %gt3A = arith.constant 0 : i32
    %gt3A_55 = arith.cmpi sgt, %arg0, %gt3A : i32
    %convert_element_type3A_56 = arith.extui %gt3A_55 : i1 to i32
    %cond3A_57 = arith.constant 0 : i32
    %cond3A_58 = arith.cmpi ne, %convert_element_type3A_56, %cond3A_57 : i32
    scf.if %cond3A_58 {
      %get3A_59 = arith.index_cast %mul3A_48 : i32 to index
      %get3A_60 = arith.constant 0 : index
      %get3A_61 = vector.load %arg11[%get3A_59, %get3A_60] : memref<6144x768xf32, #tpu.memory_space<vmem>>, vector<256x768xf32>
      %mul3A_62 = vector.broadcast %get3A_51 : vector<256x1xf32> to vector<256x768xf32>
      %mul3A_63 = arith.mulf %mul3A_62, %dot_general3A_46 : vector<256x768xf32>
      %add3A_64 = arith.addf %get3A_61, %mul3A_63 : vector<256x768xf32>
      %swap3A = arith.index_cast %mul3A_48 : i32 to index
      %swap3A_65 = arith.constant 0 : index
      %swap3A_66 = vector.load %arg11[%swap3A, %swap3A_65] : memref<6144x768xf32, #tpu.memory_space<vmem>>, vector<256x768xf32>
      tpu.vector_store %arg11[%swap3A, %swap3A_65], %add3A_64 {strides = array<i32>} : memref<6144x768xf32, #tpu.memory_space<vmem>>, vector<256x768xf32>,
    } else {
    }
    return
  }
  func.func @transform_0(%arg0: i32, %arg1: i32, %arg2: memref<24xi32, #tpu.memory_space<smem>>) -> (i32, i32) {
    %c0_i32 = arith.constant 0 : i32
    %c0_i32_0 = arith.constant 0 : i32
    return %arg1, %c0_i32 : i32, i32
  }
  func.func @transform_1(%arg0: i32, %arg1: i32, %arg2: memref<24xi32, #tpu.memory_space<smem>>) -> (i32, i32, i32) {
    %get3A = arith.index_cast %arg1 : i32 to index
    %get3A_0 = memref.load %arg2[%get3A] : memref<24xi32, #tpu.memory_space<smem>>
    %c0_i32 = arith.constant 0 : i32
    %c0_i32_1 = arith.constant 0 : i32
    return %get3A_0, %arg0, %c0_i32 : i32, i32, i32
  }
  func.func @transform_2(%arg0: i32, %arg1: i32, %arg2: memref<24xi32, #tpu.memory_space<smem>>) -> (i32, i32, i32) {
    %get3A = arith.index_cast %arg1 : i32 to index
    %get3A_0 = memref.load %arg2[%get3A] : memref<24xi32, #tpu.memory_space<smem>>
    %c0_i32 = arith.constant 0 : i32
    %c0_i32_1 = arith.constant 0 : i32
    return %get3A_0, %arg0, %c0_i32 : i32, i32, i32
  }
  func.func @transform_3(%arg0: i32, %arg1: i32, %arg2: memref<24xi32, #tpu.memory_space<smem>>) -> (i32, i32, i32) {
    %get3A = arith.index_cast %arg1 : i32 to index
    %get3A_0 = memref.load %arg2[%get3A] : memref<24xi32, #tpu.memory_space<smem>>
    %c0_i32 = arith.constant 0 : i32
    %c0_i32_1 = arith.constant 0 : i32
    return %get3A_0, %c0_i32, %arg0 : i32, i32, i32
  }
  func.func @transform_4(%arg0: i32, %arg1: i32, %arg2: memref<24xi32, #tpu.memory_space<smem>>) -> (i32, i32, i32) {
    %get3A = arith.index_cast %arg1 : i32 to index
    %get3A_0 = memref.load %arg2[%get3A] : memref<24xi32, #tpu.memory_space<smem>>
    %c0_i32 = arith.constant 0 : i32
    %c0_i32_1 = arith.constant 0 : i32
    return %get3A_0, %c0_i32, %arg0 : i32, i32, i32
  }
  func.func @transform_5(%arg0: i32, %arg1: i32, %arg2: memref<24xi32, #tpu.memory_space<smem>>) -> (i32, i32, i32) {
    %get3A = arith.index_cast %arg1 : i32 to index
    %get3A_0 = memref.load %arg2[%get3A] : memref<24xi32, #tpu.memory_space<smem>>
    %c0_i32 = arith.constant 0 : i32
    %c0_i32_1 = arith.constant 0 : i32
    return %get3A_0, %c0_i32, %arg0 : i32, i32, i32
  }
  func.func @transform_6(%arg0: i32, %arg1: i32, %arg2: memref<24xi32, #tpu.memory_space<smem>>) -> (i32, i32, i32) {
    %get3A = arith.index_cast %arg1 : i32 to index
    %get3A_0 = memref.load %arg2[%get3A] : memref<24xi32, #tpu.memory_space<smem>>
    %c0_i32 = arith.constant 0 : i32
    %c0_i32_1 = arith.constant 0 : i32
    %c0_i32_2 = arith.constant 0 : i32
    return %get3A_0, %c0_i32, %c0_i32_1 : i32, i32, i32
  }
  func.func @transform_7(%arg0: i32, %arg1: i32, %arg2: memref<24xi32, #tpu.memory_space<smem>>) -> (i32, i32) {
    %c0_i32 = arith.constant 0 : i32
    %c0_i32_0 = arith.constant 0 : i32
    return %arg1, %c0_i32 : i32, i32
  }
  func.func @transform_8(%arg0: i32, %arg1: i32, %arg2: memref<24xi32, #tpu.memory_space<smem>>) -> (i32, i32) {
    %c0_i32 = arith.constant 0 : i32
    %c0_i32_0 = arith.constant 0 : i32
    %c0_i32_1 = arith.constant 0 : i32
    return %c0_i32, %c0_i32_0 : i32, i32
  }
}

</mosaic_0001>

<sc_bundles>
// kernel: kernel.6.cloned.1.call-start
scs
__scs_entry_jumppad:
0x0: {  	(pc) =	sbr.rel $0x88, $3  }
0x1: {  	(tag) =	ssettag $0x0;
	lr =	simm.s32 $0x1  }
0x2: {  	[smem:$0x3F99] =	sst lr;
	_ =	strace $0xD0000000  }
0x3: {  	_ = 	snop  }
0x4: {  	_ = 	snop  }
0x5: {  	_ = 	snop  }
0x6: {  	_ = 	snop  }
0x7: {  	_ = 	snop  }
__scs_overlays_trampoline_lowered:
0x8: {  	[smem:$0x3FA8] =	sst s0  }
0x9: {  	[smem:$0x3FA9] =	sst s1  }
0xa: {  	[smem:$0x3FAA] =	sst s2  }
0xb: {  	[smem:$0x3FAB] =	sst s3  }
0xc: {  	[smem:$0x3FAC] =	sst s4  }
0xd: {  	[smem:$0x3FAD] =	sst s5  }
0xe: {  	[smem:$0x3FAE] =	sst s6  }
0xf: {  	[smem:$0x3FAF] =	sst s7  }
0x10: {  	[smem:$0x3FB0] =	sst s8  }
0x11: {  	[smem:$0x3FB1] =	sst s9;
	s0 =	simm.s32 @!p0 $0x0  }
0x12: {  	s1 =	sld [smem:$0x3F97];
	s0 =	simm.s32 @p0 $0x1  }
0x13: {  	[smem:$0x3FB2] =	sst s0;
	s0 =	simm.s32 @!p1 $0x0  }
0x14: {  	s2 =	sld [smem:$0x3F96];
	s0 =	simm.s32 @p1 $0x1  }
0x15: {  	[smem:$0x3FB3] =	sst s0;
	s0 =	simm.s32 @!p2 $0x0  }
0x16: {  	s3 =	sld [smem:$0x3FDB];
	s0 =	simm.s32 @p2 $0x1  }
0x17: {  	s4 =	simm.s32 $0x1BF5;
	[smem:$0x3FB5] =	sst s0  }
0x18: {  	s0 =	sld [smem:$0x3F98];
	_ =	swait.ge [sflag:s4], $0x0  }
0x19: {  	s7 =	sld [smem:$0x3F99]  }
0x1a: {  	s8 =	sadd.s32 $0xFFFFE003, lr  }
0x1b: {  	s9 =	sadd.s32 $0xFFFFFEF7, lr;
	s5 =	simm.s32 $0xFFFFFFFF;
	p2 =	slt.u32 s8, $0xFFFFF086  }
0x1c: {  	p1 =	slt.u32 s9, $0xF7A;
	s5 =	simm.s32 @!p2 $0x0  }
0x1d: {  	s5 =	simm.s32 @p1 $0x1;
	p0 =	seq.s32 s7, s2  }
0x1e: {  	s7 =	smul.u32 @!p0 $0xF7A, s2;
	p2 =	seq.s32 @!p0 s5, $0x0  }
0x1f: {  	s9 =	smul.u32 $0xF7A, s1;
	s8 =	simm.s32 @!p0 $0x1BF5;
	p2 =	por !p2, p0  }
0x20: {  	[sflag:s8] =	ssyncset.s32 @!p0 $0xFFFFF086;
	s6 =	sadd.s32 @!p0 s3, s7;
	s7 =	simm.s32 @!p0 $0x108  }
0x21: {  	s3 =	sadd.s32 s3, s9;
	s6 =	sadd.s32 @!p0 $0x88, s6;
	s7 =	simm.s32 @p2 $0x1082  }
0x22: {  	[simem:s7], [sflag:s8] =	dma.local @!p0 [hbm:s6], $0xF7A  }
0x23: {  	s9 =	sor.u32 $0xD0000000, s2;
	s6 =	simm.s32 $0x108;
	_ =	swait.ge @!p0 [sflag:s8], $0x0  }
0x24: {  	s3 =	sadd.s32 $0x88, s3;
	s6 =	simm.s32 @!p1 $0x1082;
	[sflag:s4] =	ssyncset.s32 $0xFFFFF086  }
0x25: {  	[simem:s6], [sflag:s4] =	dma.local [hbm:s3], $0xF7A  }
0x26: {  	[smem:$0x3F99] =	sst s1;
	(tag) =	ssettag s2;
	_ =	strace s9  }
0x27: {  	s1 =	sld [smem:$0x3FA9]  }
0x28: {  	s2 =	sld [smem:$0x3FAA]  }
0x29: {  	s4 =	sld [smem:$0x3FAC]  }
0x2a: {  	p0 =	seq.s32 s5, $0x0;
	s5 =	sld [smem:$0x3FAD]  }
0x2b: {  	s6 =	sld [smem:$0x3FAE]  }
0x2c: {  	s7 =	sld [smem:$0x3FAF]  }
0x2d: {  	s3 =	simm.s32 $0x108;
	s8 =	sld [smem:$0x3FB0]  }
0x2e: {  	s3 =	simm.s32 @!p0 $0x1082;
	s9 =	sld [smem:$0x3FB1]  }
0x2f: {  	lr =	sadd.s32 s0, s3;
	s0 =	sld [smem:$0x3FA8]  }
0x30: {  	s3 =	sld [smem:$0x3FAB]  }
0x31: {  	[smem:$0x3FB4] =	sst s10  }
0x32: {  	s10 =	sld [smem:$0x3FB2];
	_ =	sdelay $0x3  }
0x33: {  	p0 =	seq.s32 s10, $0x1;
	s10 =	sld [smem:$0x3FB4];
	_ =	sdelay $0x3  }
0x34: {  	[smem:$0x3FB4] =	sst s10  }
0x35: {  	s10 =	sld [smem:$0x3FB3];
	_ =	sdelay $0x3  }
0x36: {  	p1 =	seq.s32 s10, $0x1;
	s10 =	sld [smem:$0x3FB4];
	_ =	sdelay $0x3  }
0x37: {  	[smem:$0x3FB4] =	sst s10  }
0x38: {  	s10 =	sld [smem:$0x3FB5]  }
0x39: {  	_ = 	snop;
	(pc) =	sbr.ind lr, $3  }
0x3a: {  	_ = 	snop  }
0x3b: {  	_ = 	snop  }
0x3c: {  	p2 =	seq.s32 s10, $0x1;
	s10 =	sld [smem:$0x3FB4]  }
0x3d: {  	_ =	shalt  }
0x3e: {  	_ =	shalt  }
0x3f: {  	_ =	shalt  }
0x40: {  	_ =	shalt  }
0x41: {  	_ =	shalt  }
0x42: {  	_ =	shalt  }
0x43: {  	_ =	shalt  }
0x44: {  	_ =	shalt  }
0x45: {  	_ =	shalt  }
0x46: {  	_ =	shalt  }
0x47: {  	_ =	shalt  }
0x48: {  	_ =	shalt  }
0x49: {  	_ =	shalt  }
0x4a: {  	_ =	shalt  }
0x4b: {  	_ =	shalt  }
0x4c: {  	_ =	shalt  }
0x4d: {  	_ =	shalt  }
0x4e: {  	_ =	shalt  }
0x4f: {  	_ =	shalt  }
0x50: {  	_ =	shalt  }
0x51: {  	_ =	shalt  }
0x52: {  	_ =	shalt  }
0x53: {  	_ =	shalt  }
0x54: {  	_ =	shalt  }
0x55: {  	_ =	shalt  }
0x56: {  	_ =	shalt  }
0x57: {  	_ =	shalt  }
0x58: {  	_ =	shalt  }
0x59: {  	_ =	shalt  }
0x5a: {  	_ =	shalt  }
0x5b: {  	_ =	shalt  }
0x5c: {  	_ =	shalt  }
0x5d: {  	_ =	shalt  }
0x5e: {  	_ =	shalt  }
0x5f: {  	_ =	shalt  }
0x60: {  	_ =	shalt  }
0x61: {  	_ =	shalt  }
0x62: {  	_ =	shalt  }
0x63: {  	_ =	shalt  }
0x64: {  	_ =	shalt  }
0x65: {  	_ =	shalt  }
0x66: {  	_ =	shalt  }
0x67: {  	_ =	shalt  }
0x68: {  	_ =	shalt  }
0x69: {  	_ =	shalt  }
0x6a: {  	_ =	shalt  }
0x6b: {  	_ =	shalt  }
0x6c: {  	_ =	shalt  }
0x6d: {  	_ =	shalt  }
0x6e: {  	_ =	shalt  }
0x6f: {  	_ =	shalt  }
0x70: {  	_ =	shalt  }
0x71: {  	_ =	shalt  }
0x72: {  	_ =	shalt  }
0x73: {  	_ =	shalt  }
0x74: {  	_ =	shalt  }
0x75: {  	_ =	shalt  }
0x76: {  	_ =	shalt  }
0x77: {  	_ =	shalt  }
0x78: {  	_ =	shalt  }
0x79: {  	_ =	shalt  }
0x7a: {  	_ =	shalt  }
0x7b: {  	_ =	shalt  }
0x7c: {  	_ =	shalt  }
0x7d: {  	_ =	shalt  }
0x7e: {  	_ =	shalt  }
0x7f: {  	_ =	shalt  }
0x80: {  	_ =	shalt  }
0x81: {  	_ =	shalt  }
0x82: {  	_ =	shalt  }
0x83: {  	_ =	shalt  }
0x84: {  	_ =	shalt  }
0x85: {  	_ =	shalt  }
0x86: {  	_ =	shalt  }
0x87: {  	_ =	shalt  }
.Lfunc_end0:
.L_simem_size_0:
called_computation_lowered:
.L_overlay_start_0:
0x88: {  	s2 =	sld [smem:$0x3FD9]  }
0x89: {  	s3 =	sld [smem:$0x3FFE];
	_ =	sdelay $0x1  }
0x8a: {  	s1 =	srdreg.scid  }
0x8b: {  	s0 =	sand.u32 $0x1, s1  }
0x8c: {  	s17 =	sshll.u32 s0, $0xA;
	s2 =	sadd.s32 s3, s2  }
0x8d: {  	s2 =	sadd.s32 s2, s17  }
0x8e: {  	[smem:$0x3FC0] =	sst s2  }
0x8f: {  	_ = 	snop  }
0x90: {  	s2 =	sld [smem:$0x3FC9]  }
0x91: {  	s18 =	sld [smem:$0x3FD0];
	(tm) =	ssettm $0x1  }
0x92: {  	s4 =	sld [smem:$0x3FFB];
	_ =	sdelay $0x3  }
0x93: {  	_ =	strace s4  }
0x94: {  	s4 =	sld [smem:$0x3FFC];
	_ =	sdelay $0x3  }
0x95: {  	_ =	strace s4  }
0x96: {  	s4 =	sld [smem:$0x3FFD];
	_ =	sdelay $0x3  }
0x97: {  	_ =	strace s4  }
0x98: {  	_ =	strace $0x8FFFFFFF  }
0x99: {  	s19 =	sld [smem:$0x3FDB];
	_ =	sdelay $0x1  }
0x9a: {  	s5 =	simm.s32 $_scs_section_size  }
0x9b: {  	s6 =	simm.s32 $_size__tile_overlayer_lowered;
	s7 =	simm.s32 $_tile_overlayer_lowered  }
0x9c: {  	s22 =	simm.s32 $0x1BFF;
	s21 =	sshll.u32 s7, $0x1;
	s4 =	sadd.s32 s5, s19  }
0x9d: {  	s8 =	simm.s32 $0x0;
	s20 =	sshll.u32 s6, $0x1;
	s6 =	sadd.s32 s21, s4  }
0x9e: {  	[timem:s8], [sflag:s22] =	dma.local [hbm:s6], s20  }
0x9f: {  	_ =	swait.ge [sflag:s22], s20  }
0xa0: {  	s5 =	ssub.s32 $0x0, s20;
	[sflag:s22] =	ssyncset.done $0x0  }
0xa1: {  	[sflag:s22] =	ssyncadd.s32 s5;
	_ =	sdelay $0x1  }
0xa2: {  	s23 =	simm.s32 $0x1B8B  }
0xa3: {  	_ =	swait.ge [sflag:s23], $0x1  }
0xa4: {  	[sflag:s23] =	ssyncset.done $0x0  }
0xa5: {  	s25 =	simm.s32 $0x1B8E;
	s24 =	sld [smem:$0x3FFE];
	[sflag:s23] =	ssyncadd.s32 $0xFFFFFFFF  }
0xa6: {  	s26 =	simm.s32 $execute0_lowered;
	[smem:$0x3FD2] =	sst s25  }
0xa7: {  	s6 =	sshll.u32 s26, $0x1;
	_ =	strace $0x80000046;
	[dreg:$0x1] =	wrdreg $0xFFFFFFFF  }
0xa8: {  	s28 =	simm.s32 $_size_execute0_lowered;
	s4 =	sadd.s32 s4, s6;
	[dreg:$0x0] =	wrdreg $0x0  }
0xa9: {  	s6 =	sshll.u32 s28, $0x1;
	[dreg:$0x2] =	wrdreg s4  }
0xaa: {  	[dreg:$0x3] =	wrdreg s6  }
0xab: {  	[dreg:$0x4] =	wrdreg $0xC0  }
0xac: {  	_ =	task [dreg:s8], $0x5FFFF  }
0xad: {  	[dreg:$0x1] =	wrdreg $0xFFFFFFFF  }
0xae: {  	[dreg:$0x0] =	wrdreg $0x60  }
0xaf: {  	[dreg:$0x2] =	wrdreg s24  }
0xb0: {  	[dreg:$0x3] =	wrdreg s2  }
0xb1: {  	[dreg:$0x4] =	wrdreg s18  }
0xb2: {  	[dreg:$0x5] =	wrdreg $0x9  }
0xb3: {  	_ =	task.clear_ibuf [dreg:s8], $0x6FFFF;
	_ =	strace $0x90000046  }
0xb4: {  	s29 =	simm.s32 $0x9;
	_ =	strace $0x80000048  }
0xb5: {  	_ =	swait.ge [sflag:s29], $0x1  }
0xb6: {  	[sflag:s29] =	ssyncadd.s32 $0xFFFFFFFF  }
0xb7: {  	_ =	strace $0x90000048  }
0xb8: {  	_ =	sfence  }
0xb9: {  	s30 =	sld [smem:$0x0];
	_ =	sdelay $0x2  }
0xba: {  	s31 =	sshll.u32 s1, $0xD;
	s1 =	sshrl.u32 s1, $0x2  }
0xbb: {  	s3 =	sand.u32 $0x4000, s31;
	s1 =	sadd.s32 s1, s30  }
0xbc: {  	s0 =	sor.u32 s3, s0;
	s1 =	sshll.u32 s1, $0x11  }
0xbd: {  	s0 =	sor.u32 s1, s0  }
0xbe: {  	s0 =	sadd.s32 $0x8F2B, s0  }
0xbf: {  	[sflag:s0] =	ssyncadd.remote.s32 $0x1  }
0xc0: {  	_ =	sfence.sel $0xFFFF  }
0xc1: {  	[dreg:$0x0] =	wrdreg $0xFFFFFFFF;
	(pc) =	sbr.abs _section_cstart, $3  }
0xc2: {  	[dreg:$0x1] =	wrdreg $0xFFFFFFFF  }
0xc3: {  	_ =	task.clear_ibuf [dreg:s8], $0x2FFFF;
	_ =	strace $0x9FFFFFFF  }
0xc4: {  	(tm) =	ssettm $0x7FFFFFFF  }
0xc5: {  	_ =	shalt  }
tec
execute0_lowered:
.L_overlay_start_1:
0x0: {  	(tag) =	ssettag $0x1  }
0x1: {  	s0 =	rddreg [dreg:$0x0]  }
0x2: {  	s1 =	rddreg [dreg:$0x1]  }
0x3: {  	s3 =	simm.s32 $0x0;
	s15 =	srdreg.scid;
	s5 =	stileid.u32  }
0x4: {  	[smem:$0x7FF] =	sst s3;
	s2 =	sadd.s32 $0x11A00, s0;
	s5 =	sshll.u32 s5, $0x1  }
0x5: {  	_ =	strace $0x80000047;
	[dreg:$0x4] =	wrdreg s2;
	s2 =	sand.u32 $0x1, s15  }
0x6: {  	s6 =	sor.u32 s2, s5  }
0x7: {  	v6 =	vlaneseq.u32;
	s7 =	sshll.u32 s6, $0x6  }
0x8: {  	v0 =	vor.u32 s7, v6  }
0x9: {  	v1 =	vshrl.u32 v0, $0x3  }
0xa: {  	v5 =	vmul.u32 $0x30, v1  }
0xb: {  	v3 =	vand.u32 $0x7, v6;
	v10 =	vmov s6  }
0xc: {  	vm0 =	veq.s32 v10, $0x1F;
	v7 =	vor.u32 v3, v5;
	v5 =	vimm.s32 $0x0  }
0xd: {  	v5 =	vsel vm0, $0xFFFFFFFF, v5  }
0xe: {  	vm0 =	vgt.u32 v10, $0x1D;
	[tilespmem:$0x1FE00] =	vst v5;
	v5 =	vimm.s32 $0x0  }
0xf: {  	v5 =	vsel vm0, $0xFFFFFFFF, v5  }
0x10: {  	vm0 =	vgt.u32 v10, $0x1C;
	[tilespmem:$0x1FE10] =	vst v5;
	v5 =	vimm.s32 $0x0  }
0x11: {  	v5 =	vsel vm0, $0xFFFFFFFF, v5  }
0x12: {  	vm0 =	vgt.u32 v10, $0x1B;
	[tilespmem:$0x1FE20] =	vst v5;
	v5 =	vimm.s32 $0x0  }
0x13: {  	v5 =	vsel vm0, $0xFFFFFFFF, v5  }
0x14: {  	vm0 =	vgt.u32 v10, $0x1A;
	[tilespmem:$0x1FE30] =	vst v5;
	v5 =	vimm.s32 $0x0  }
0x15: {  	v5 =	vsel vm0, $0xFFFFFFFF, v5  }
0x16: {  	vm0 =	vgt.u32 v10, $0x19;
	[tilespmem:$0x1FE40] =	vst v5;
	v5 =	vimm.s32 $0x0  }
0x17: {  	v5 =	vsel vm0, $0xFFFFFFFF, v5  }
0x18: {  	vm0 =	vgt.u32 v10, $0x18;
	[tilespmem:$0x1FE50] =	vst v5;
	v5 =	vimm.s32 $0x0  }
0x19: {  	v5 =	vsel vm0, $0xFFFFFFFF, v5  }
0x1a: {  	vm0 =	vgt.u32 v10, $0x17;
	[tilespmem:$0x1FE60] =	vst v5;
	v5 =	vimm.s32 $0x0  }
0x1b: {  	v5 =	vsel vm0, $0xFFFFFFFF, v5  }
0x1c: {  	vm0 =	vgt.u32 v10, $0x16;
	[tilespmem:$0x1FE70] =	vst v5;
	v5 =	vimm.s32 $0x0  }
0x1d: {  	v5 =	vsel vm0, $0xFFFFFFFF, v5  }
0x1e: {  	vm0 =	vgt.u32 v10, $0x15;
	[tilespmem:$0x1FE80] =	vst v5;
	v5 =	vimm.s32 $0x0  }
0x1f: {  	v5 =	vsel vm0, $0xFFFFFFFF, v5  }
0x20: {  	vm0 =	vgt.u32 v10, $0x14;
	[tilespmem:$0x1FE90] =	vst v5;
	v5 =	vimm.s32 $0x0  }
0x21: {  	vm1 =	vcmask $0x714;
	v9 =	vimm.s32 $0x0;
	v5 =	vsel vm0, $0xFFFFFFFF, v5  }
0x22: {  	s10 =	sor.u32 $0x20, s7;
	s21 =	sor.u32 $0x30, s7;
	vm2 =	vgt.u32 v10, $0x11;
	vm0 =	vgt.u32 v10, $0x13;
	[tilespmem:$0x1FEA0] =	vst v5;
	v5 =	vimm.s32 $0x0  }
0x23: {  	v2 =	vor.u32 s10, v6;
	v4 =	vor.u32 s21, v6;
	v5 =	vsel vm0, $0xFFFFFFFF, v5  }
0x24: {  	s19 =	sor.u32 $0x10, s7;
	v9 =	vsel vm2, $0xFFFFFFFF, v9;
	vm0 =	vgt.u32 v10, $0x12;
	[tilespmem:$0x1FEB0] =	vst v5;
	v5 =	vimm.s32 $0x0  }
0x25: {  	v1 =	vor.u32 s19, v6;
	v5 =	vsel vm0, $0xFFFFFFFF, v5;
	vm0 =	vcmask $0xF0C  }
0x26: {  	[tilespmem:$0x1FED0] =	vst v9;
	v9 =	vimm.s32 $0x0;
	v8 =	vperm.xlane v7, v3;
	vm0 =	vmor vm1, vm0  }
0x27: {  	[tilespmem:$0x1FEC0] =	vst v5;
	v5 =	vshrl.u32 v6, $0x3;
	v6 =	vor.u32 $0x8, v6;
	v9 =	vsel vm0, $0xFFFFFFFF, v9  }
0x28: {  	vm0 =	vgt.u32 v10, $0x10;
	[tilespmem:$0x1FEE0] =	vst v9;
	v9 =	vperm.xlane v7, v6;
	v7 =	vimm.s32 $0x0  }
0x29: {  	v11 =	vimm.s32 $0x0;
	v7 =	vsel vm0, $0xFFFFFFFF, v7;
	vm0 =	vgt.u32 v10, $0xF  }
0x2a: {  	v11 =	vsel vm0, $0xFFFFFFFF, v11  }
0x2b: {  	vm0 =	vgt.u32 v10, $0xE;
	[tilespmem:$0x1FF00] =	vst v11;
	v11 =	vimm.s32 $0x0  }
0x2c: {  	v11 =	vsel vm0, $0xFFFFFFFF, v11  }
0x2d: {  	vm0 =	vgt.u32 v10, $0xD;
	[tilespmem:$0x1FF10] =	vst v11;
	v11 =	vimm.s32 $0x0  }
0x2e: {  	v11 =	vsel vm0, $0xFFFFFFFF, v11  }
0x2f: {  	vm0 =	vgt.u32 v10, $0xC;
	[tilespmem:$0x1FF20] =	vst v11;
	v11 =	vimm.s32 $0x0  }
0x30: {  	v11 =	vsel vm0, $0xFFFFFFFF, v11  }
0x31: {  	vm0 =	vgt.u32 v10, $0xB;
	[tilespmem:$0x1FF30] =	vst v11;
	v11 =	vimm.s32 $0x0  }
0x32: {  	v11 =	vsel vm0, $0xFFFFFFFF, v11  }
0x33: {  	vm0 =	vgt.u32 v10, $0xA;
	[tilespmem:$0x1FF40] =	vst v11;
	v11 =	vimm.s32 $0x0  }
0x34: {  	v11 =	vsel vm0, $0xFFFFFFFF, v11  }
0x35: {  	vm0 =	vgt.u32 v10, $0x9;
	[tilespmem:$0x1FF50] =	vst v11;
	v11 =	vimm.s32 $0x0  }
0x36: {  	v11 =	vsel vm0, $0xFFFFFFFF, v11  }
0x37: {  	s4 =	sadd.s32 $0x11C00, s0;
	vm0 =	vgt.u32 v10, $0x8;
	[tilespmem:$0x1FF60] =	vst v11;
	v11 =	vimm.s32 $0x0  }
0x38: {  	s16 =	sadd.s32 $0x1A00, s0;
	[dreg:$0x5] =	wrdreg s4;
	v11 =	vsel vm0, $0xFFFFFFFF, v11  }
0x39: {  	s24 =	simm.s32 $0x80;
	s17 =	sadd.s32 $0x9A00, s0;
	[dreg:$0x6] =	wrdreg s16;
	vm0 =	vgt.u32 v10, $0x7;
	[tilespmem:$0x1FF70] =	vst v11;
	v11 =	vimm.s32 $0x0  }
0x3a: {  	s25 =	simm.s32 $0x100;
	s23 =	sadd.s32 $0x100, s1;
	[dreg:$0x7] =	wrdreg s17;
	v11 =	vsel vm0, $0xFFFFFFFF, v11  }
0x3b: {  	s26 =	simm.s32 $0x1100;
	s1 =	sadd.s32 $0x200, s1;
	[dreg:$0xf] =	wrdreg s23;
	vm0 =	vgt.u32 v10, $0x6;
	[tilespmem:$0x1FF80] =	vst v11;
	v11 =	vimm.s32 $0x0  }
0x3c: {  	s28 =	simm.s32 $0x4F00;
	s29 =	simm.s32 $0x5700;
	[dreg:$0x10] =	wrdreg s1;
	v11 =	vsel vm0, $0xFFFFFFFF, v11  }
0x3d: {  	s30 =	simm.s32 $0x5F00;
	s31 =	simm.s32 $0x6700;
	[dreg:$0xc] =	wrdreg s24;
	vm0 =	vgt.u32 v10, $0x5;
	[tilespmem:$0x1FF90] =	vst v11;
	v11 =	vimm.s32 $0x0  }
0x3e: {  	s13 =	simm.s32 $0x8700;
	s14 =	simm.s32 $0x8F00;
	[dreg:$0xd] =	wrdreg s25;
	v11 =	vsel vm0, $0xFFFFFFFF, v11  }
0x3f: {  	s12 =	simm.s32 $0xAF00;
	[dreg:$0xe] =	wrdreg s26;
	s23 =	simm.s32 $0x2F00;
	vm0 =	vgt.u32 v10, $0x4;
	[tilespmem:$0x1FFA0] =	vst v11;
	v11 =	vimm.s32 $0x0  }
0x40: {  	s24 =	simm.s32 $0x3700;
	s25 =	simm.s32 $0x3F00;
	s26 =	simm.s32 $0x4700;
	v11 =	vsel vm0, $0xFFFFFFFF, v11  }
0x41: {  	s15 =	simm.s32 $0x9700;
	s16 =	simm.s32 $0x9F00;
	s2 =	ssub.s32 $0x2, s2;
	vm0 =	vgt.u32 v10, $0x3;
	[tilespmem:$0x1FFB0] =	vst v11;
	v11 =	vimm.s32 $0x0  }
0x42: {  	s17 =	simm.s32 $0xB700;
	s18 =	sshll.u32 s6, $0x3;
	s8 =	sshrl.u32 s2, $0x1;
	v11 =	vsel vm0, $0xFFFFFFFF, v11  }
0x43: {  	s5 =	sadd.s32 $0x12200, s0;
	s4 =	sadd.s32 s18, s0;
	s2 =	ssub.s32 s2, s8;
	vm0 =	vgt.u32 v10, $0x2;
	[tilespmem:$0x1FFC0] =	vst v11;
	v11 =	vimm.s32 $0x0  }
0x44: {  	s8 =	sadd.s32 $0x12300, s0;
	s18 =	simm.s32 $0xBF00;
	s9 =	sadd.s32 $0x11E00, s4;
	v11 =	vsel vm0, $0xFFFFFFFF, v11  }
0x45: {  	s20 =	sadd.s32 $0x12000, s4;
	s22 =	sadd.s32 $0xA2200, s4;
	[dreg:$0x8] =	wrdreg s9;
	v5 =	vmul.u32 $0x8, v5;
	vm0 =	vgt.u32 v10, $0x1;
	[tilespmem:$0x1FFD0] =	vst v11;
	v11 =	vimm.s32 $0x0  }
0x46: {  	s4 =	sadd.s32 $0xA2400, s4;
	s1 =	smax.u32 s2, $0x1;
	[dreg:$0x9] =	wrdreg s20;
	[tilespmem:$0x1FEF0] =	vst v7;
	v11 =	vsel vm0, $0xFFFFFFFF, v11;
	vm0 =	veq.s32 v10, $0x0;
	v10 =	vimm.s32 $0x0  }
0x47: {  	s21 =	simm.s32 $0x1F00;
	s10 =	simm.s32 $0xC700;
	[dreg:$0xa] =	wrdreg s22;
	vm1 =	vmmov $0xffff;
	[tilespmem:$0x1FFE0] =	vst v11;
	v10 =	vsel vm0, $0xFFFFFFFF, v10  }
0x48: {  	[dreg:$0xb] =	wrdreg s4;
	s9 =	sadd.s32 $0x12400, s0;
	s22 =	simm.s32 $0x2700;
	v8 =	vadd.s32 v5, v8;
	v7 =	vimm.s32 $0x0;
	v9 =	vadd.s32 v5, v9;
	[tilespmem:$0x1FFF0] =	vst v10  }
.LBB2_1:
0x49: {  	s19 =	rddreg [dreg:$0x8];
	s0 =	simm.s32 $0x3  }
0x4a: {  	[tilespmem:s3], [sflag:$0x3] =	stream.linear.gather [hbm4b:s19+s3], $0x40, $0x38;
	[tilespmem:$0x11700] =	vst v63  }
0x4b: {  	_ =	swait.ge [sflag:s0], $0x40  }
0x4c: {  	s2 =	rddreg [dreg:$0x9];
	[sflag:s0] =	ssyncset.done $0x0  }
0x4d: {  	s20 =	rddreg [dreg:$0xc];
	[sflag:s0] =	ssyncadd.s32 $0xFFFFFFC0  }
0x4e: {  	[tilespmem:s20], [sflag:$0x3] =	stream.linear.gather [hbm4b:s2+s3], $0x40, $0x38;
	[tilespmem:$0x11700] =	vst v63  }
0x4f: {  	_ =	swait.ge [sflag:s0], $0x40  }
0x50: {  	s4 =	rddreg [dreg:$0x4];
	[sflag:s0] =	ssyncset.done $0x0  }
0x51: {  	s6 =	rddreg [dreg:$0xd];
	[sflag:s0] =	ssyncadd.s32 $0xFFFFFFC0  }
0x52: {  	[tilespmem:s6], [sflag:$0x3] =	stream.linear.gather [hbm4b:s4+s3], $0x1000, $0x38;
	[tilespmem:$0x11700] =	vst v63  }
0x53: {  	_ =	swait.ge [sflag:s0], $0x1000  }
0x54: {  	s7 =	rddreg [dreg:$0x5];
	[sflag:s0] =	ssyncset.done $0x0  }
0x55: {  	s11 =	rddreg [dreg:$0xe];
	[sflag:s0] =	ssyncadd.s32 $0xFFFFF000  }
0x56: {  	[tilespmem:s11], [sflag:$0x3] =	stream.linear.gather [hbm4b:s7+s3], $0x400, $0x38;
	[tilespmem:$0x11700] =	vst v63  }
0x57: {  	_ =	swait.ge [sflag:s0], $0x400  }
0x58: {  	[sflag:s0] =	ssyncset.done $0x0;
	v17 =	vld [tilespmem:$0x1FFF0]  }
0x59: {  	v39 =	vld [tilespmem:$0x1FFE0];
	[sflag:s0] =	ssyncadd.s32 $0xFFFFFC00  }
0x5a: {  	v10 =	vld [tilespmem:$0x100]  }
0x5b: {  	v11 =	vld [tilespmem:$0x180];
	_ =	sdelay $0x2  }
0x5c: {  	vm0 =	vnez.u8 v17  }
0x5d: {  	v10 =	vsel vm0, $0x0, v10;
	vm0 =	vnez.u8 v39  }
0x5e: {  	v11 =	vnsel vm0, $0x0, v11  }
0x5f: {  	v10 =	vadd.s32 v10, v11;
	v11 =	vld [tilespmem:$0x1FFD0]  }
0x60: {  	v12 =	vld [tilespmem:$0x200];
	_ =	sdelay $0x3  }
0x61: {  	vm0 =	vnez.u8 v11  }
0x62: {  	v11 =	vnsel vm0, $0x0, v12  }
0x63: {  	v10 =	vadd.s32 v11, v10;
	v11 =	vld [tilespmem:$0x1FFC0]  }
0x64: {  	v13 =	vld [tilespmem:$0x280];
	_ =	sdelay $0x3  }
0x65: {  	vm0 =	vnez.u8 v11  }
0x66: {  	v11 =	vnsel vm0, $0x0, v13  }
0x67: {  	v10 =	vadd.s32 v11, v10;
	v11 =	vld [tilespmem:$0x1FFB0]  }
0x68: {  	v14 =	vld [tilespmem:$0x300];
	_ =	sdelay $0x3  }
0x69: {  	vm0 =	vnez.u8 v11  }
0x6a: {  	v11 =	vnsel vm0, $0x0, v14  }
0x6b: {  	v10 =	vadd.s32 v11, v10;
	v11 =	vld [tilespmem:$0x1FFA0]  }
0x6c: {  	v15 =	vld [tilespmem:$0x380];
	_ =	sdelay $0x3  }
0x6d: {  	vm0 =	vnez.u8 v11  }
0x6e: {  	v11 =	vnsel vm0, $0x0, v15  }
0x6f: {  	v10 =	vadd.s32 v11, v10;
	v11 =	vld [tilespmem:$0x1FF90]  }
0x70: {  	v16 =	vld [tilespmem:$0x400];
	_ =	sdelay $0x3  }
0x71: {  	vm0 =	vnez.u8 v11  }
0x72: {  	v11 =	vnsel vm0, $0x0, v16  }
0x73: {  	v10 =	vadd.s32 v11, v10;
	v11 =	vld [tilespmem:$0x1FF80]  }
0x74: {  	v40 =	vld [tilespmem:$0x480];
	_ =	sdelay $0x3  }
0x75: {  	vm0 =	vnez.u8 v11  }
0x76: {  	v11 =	vnsel vm0, $0x0, v40  }
0x77: {  	v10 =	vadd.s32 v11, v10;
	v11 =	vld [tilespmem:$0x1FF70]  }
0x78: {  	v41 =	vld [tilespmem:$0x500];
	_ =	sdelay $0x3  }
0x79: {  	vm0 =	vnez.u8 v11  }
0x7a: {  	v11 =	vnsel vm0, $0x0, v41  }
0x7b: {  	v10 =	vadd.s32 v11, v10;
	v11 =	vld [tilespmem:$0x1FF60]  }
0x7c: {  	v42 =	vld [tilespmem:$0x580];
	_ =	sdelay $0x3  }
0x7d: {  	vm0 =	vnez.u8 v11  }
0x7e: {  	v11 =	vnsel vm0, $0x0, v42  }
0x7f: {  	v10 =	vadd.s32 v11, v10;
	v11 =	vld [tilespmem:$0x1FF50]  }
0x80: {  	v43 =	vld [tilespmem:$0x600];
	_ =	sdelay $0x3  }
0x81: {  	vm0 =	vnez.u8 v11  }
0x82: {  	v11 =	vnsel vm0, $0x0, v43  }
0x83: {  	v10 =	vadd.s32 v11, v10;
	v11 =	vld [tilespmem:$0x1FF40]  }
0x84: {  	v44 =	vld [tilespmem:$0x680];
	_ =	sdelay $0x3  }
0x85: {  	vm0 =	vnez.u8 v11  }
0x86: {  	v11 =	vnsel vm0, $0x0, v44  }
0x87: {  	v10 =	vadd.s32 v11, v10;
	v11 =	vld [tilespmem:$0x1FF30]  }
0x88: {  	v45 =	vld [tilespmem:$0x700];
	_ =	sdelay $0x3  }
0x89: {  	vm0 =	vnez.u8 v11  }
0x8a: {  	v11 =	vnsel vm0, $0x0, v45  }
0x8b: {  	v10 =	vadd.s32 v11, v10;
	v11 =	vld [tilespmem:$0x1FF20]  }
0x8c: {  	v46 =	vld [tilespmem:$0x780];
	_ =	sdelay $0x3  }
0x8d: {  	vm0 =	vnez.u8 v11  }
0x8e: {  	v11 =	vnsel vm0, $0x0, v46  }
0x8f: {  	v10 =	vadd.s32 v11, v10;
	v11 =	vld [tilespmem:$0x1FF10]  }
0x90: {  	v47 =	vld [tilespmem:$0x800];
	_ =	sdelay $0x3  }
0x91: {  	vm0 =	vnez.u8 v11  }
0x92: {  	v11 =	vnsel vm0, $0x0, v47  }
0x93: {  	v10 =	vadd.s32 v11, v10;
	v11 =	vld [tilespmem:$0x1FF00]  }
0x94: {  	v48 =	vld [tilespmem:$0x880];
	_ =	sdelay $0x3  }
0x95: {  	vm0 =	vnez.u8 v11  }
0x96: {  	v11 =	vnsel vm0, $0x0, v48  }
0x97: {  	v10 =	vadd.s32 v11, v10;
	v11 =	vld [tilespmem:$0x1FEF0]  }
0x98: {  	v49 =	vld [tilespmem:$0x900];
	_ =	sdelay $0x3  }
0x99: {  	vm0 =	vnez.u8 v11  }
0x9a: {  	v11 =	vnsel vm0, $0x0, v49  }
0x9b: {  	v10 =	vadd.s32 v11, v10;
	v11 =	vld [tilespmem:$0x1FED0]  }
0x9c: {  	v50 =	vld [tilespmem:$0x980];
	_ =	sdelay $0x3  }
0x9d: {  	vm0 =	vnez.u8 v11  }
0x9e: {  	v11 =	vnsel vm0, $0x0, v50  }
0x9f: {  	v10 =	vadd.s32 v11, v10;
	v11 =	vld [tilespmem:$0x1FEC0]  }
0xa0: {  	v51 =	vld [tilespmem:$0xA00];
	_ =	sdelay $0x3  }
0xa1: {  	vm0 =	vnez.u8 v11  }
0xa2: {  	v11 =	vnsel vm0, $0x0, v51  }
0xa3: {  	v10 =	vadd.s32 v11, v10;
	v11 =	vld [tilespmem:$0x1FEB0]  }
0xa4: {  	v52 =	vld [tilespmem:$0xA80];
	_ =	sdelay $0x3  }
0xa5: {  	vm0 =	vnez.u8 v11  }
0xa6: {  	v11 =	vnsel vm0, $0x0, v52  }
0xa7: {  	v10 =	vadd.s32 v11, v10;
	v11 =	vld [tilespmem:$0x1FEA0]  }
0xa8: {  	v53 =	vld [tilespmem:$0xB00];
	_ =	sdelay $0x3  }
0xa9: {  	vm0 =	vnez.u8 v11  }
0xaa: {  	v11 =	vnsel vm0, $0x0, v53  }
0xab: {  	v10 =	vadd.s32 v11, v10;
	v11 =	vld [tilespmem:$0x1FE90]  }
0xac: {  	v54 =	vld [tilespmem:$0xB80];
	_ =	sdelay $0x3  }
0xad: {  	vm0 =	vnez.u8 v11  }
0xae: {  	v11 =	vnsel vm0, $0x0, v54  }
0xaf: {  	v10 =	vadd.s32 v11, v10;
	v11 =	vld [tilespmem:$0x1FE80]  }
0xb0: {  	v55 =	vld [tilespmem:$0xC00];
	_ =	sdelay $0x3  }
0xb1: {  	vm0 =	vnez.u8 v11  }
0xb2: {  	v11 =	vnsel vm0, $0x0, v55  }
0xb3: {  	v10 =	vadd.s32 v11, v10;
	v11 =	vld [tilespmem:$0x1FE70]  }
0xb4: {  	v56 =	vld [tilespmem:$0xC80];
	_ =	sdelay $0x3  }
0xb5: {  	vm0 =	vnez.u8 v11  }
0xb6: {  	v11 =	vnsel vm0, $0x0, v56  }
0xb7: {  	v10 =	vadd.s32 v11, v10;
	v11 =	vld [tilespmem:$0x1FE60]  }
0xb8: {  	v58 =	vld [tilespmem:$0xD00];
	_ =	sdelay $0x3  }
0xb9: {  	vm2 =	vnez.u8 v11  }
0xba: {  	v11 =	vnsel vm2, $0x0, v58  }
0xbb: {  	v10 =	vadd.s32 v11, v10;
	v11 =	vld [tilespmem:$0x1FE50]  }
0xbc: {  	v59 =	vld [tilespmem:$0xD80];
	_ =	sdelay $0x3  }
0xbd: {  	vm2 =	vnez.u8 v11  }
0xbe: {  	v11 =	vnsel vm2, $0x0, v59  }
0xbf: {  	v10 =	vadd.s32 v11, v10;
	v11 =	vld [tilespmem:$0x1FE40]  }
0xc0: {  	v60 =	vld [tilespmem:$0xE00];
	_ =	sdelay $0x3  }
0xc1: {  	vm2 =	vnez.u8 v11  }
0xc2: {  	v11 =	vnsel vm2, $0x0, v60  }
0xc3: {  	v10 =	vadd.s32 v11, v10;
	v11 =	vld [tilespmem:$0x1FE30]  }
0xc4: {  	v61 =	vld [tilespmem:$0xE80];
	_ =	sdelay $0x3  }
0xc5: {  	vm2 =	vnez.u8 v11  }
0xc6: {  	v11 =	vnsel vm2, $0x0, v61  }
0xc7: {  	v10 =	vadd.s32 v11, v10;
	v11 =	vld [tilespmem:$0x1FE20]  }
0xc8: {  	v62 =	vld [tilespmem:$0xF00];
	_ =	sdelay $0x3  }
0xc9: {  	vm2 =	vnez.u8 v11  }
0xca: {  	v11 =	vnsel vm2, $0x0, v62  }
0xcb: {  	v10 =	vadd.s32 v11, v10;
	v11 =	vld [tilespmem:$0x1FE10]  }
0xcc: {  	v63 =	vld [tilespmem:$0xF80];
	_ =	sdelay $0x1  }
0xcd: {  	v57 =	vld [tilespmem:$0x0];
	_ =	sdelay $0x1  }
0xce: {  	vm8 =	vmmov $0x1;
	v30 =	vld [tilespmem:$0x10];
	vm2 =	vnez.u8 v11  }
0xcf: {  	vm4 =	vcmask $0x30C;
	vm5 =	vcmask $0xB14;
	v11 =	vnsel vm2, $0x0, v63  }
0xd0: {  	vm6 =	vcmask $0xF18;
	vm14 =	vcmask $0x1B20;
	v10 =	vadd.s32 v11, v10;
	v11 =	vld [tilespmem:$0x1FE00]  }
0xd1: {  	v20 =	vld [tilespmem:$0x1000];
	vm10 =	veq.s32 v57, $0x1;
	vm12 =	veq.s32 v57, $0x2;
	vm0 =	veq.s32 v57, $0x0  }
0xd2: {  	vm9 =	veq.s32 v57, $0x3;
	vm11 =	veq.s32 v57, $0x4;
	v18 =	vsel vm0, $0x1, v7  }
0xd3: {  	v21 =	vld [tilespmem:$0x1200];
	vm13 =	veq.s32 v57, $0x5;
	vm15 =	veq.s32 v57, $0x7;
	vm3 =	veq.s32 v30, $0x1;
	(xrf0) =	vadd.scan.msk.s32 $0xffff, v18  }
0xd4: {  	vm7 =	veq.s32 v30, $0x2;
	v23 =	vmpcnt.ones.xlane vm10;
	v24 =	vmpcnt.ones.xlane vm12  }
0xd5: {  	v25 =	vsel vm10, $0x1, v7;
	v26 =	vmpcnt.ones.xlane vm9;
	vm2 =	vnez.u8 v11  }
0xd6: {  	v27 =	vsel vm12, $0x1, v7;
	v28 =	vmpcnt.ones.xlane vm11;
	v11 =	vnsel vm2, $0x0, v20  }
0xd7: {  	v29 =	vsel vm9, $0x1, v7;
	v22 =	vmpcnt.ones.xlane vm0;
	v10 =	vadd.s32 v11, v10  }
0xd8: {  	v31 =	vsel vm11, $0x1, v7;
	v32 =	vmpcnt.ones.xlane vm13;
	v10 =	vadd.s32 v21, v10  }
0xd9: {  	v33 =	vsel vm13, $0x1, v7;
	v36 =	vmpcnt.ones.xlane vm15;
	v11, _, _ =	vpop (xrf0);
	v12 =	vadd.s32 v10, v22;
	(xrf0) =	vadd.scan.msk.s32 $0xffff, v25  }
0xda: {  	v13 =	vadd.s32 v23, v10;
	v14 =	vadd.s32 v24, v10;
	[tilespmem:$0x1500] =	vst v10;
	v12 =	vsel vm8, v12, v10;
	v10 =	vld [tilespmem:$0x1FEE0]  }
0xdb: {  	v37 =	vsel vm15, $0x1, v7;
	v47 =	vsel vm7, $0x1, v7;
	v52 =	vmpcnt.ones.xlane vm3;
	(xrf0) =	vadd.scan.msk.s32 $0xffff, v27  }
0xdc: {  	v55 =	vmpcnt.ones.xlane vm7;
	vm2 =	veq.s32 v30, $0x0;
	v11 =	vadd.s32 $0xFFFFFFFF, v11;
	(xrf0) =	vadd.scan.msk.s32 $0xffff, v29  }
0xdd: {  	v39 =	vsel vm2, $0x1, v7;
	v11 =	vnsel vm0, $0x0, v11;
	vm0 =	veq.s32 v57, $0x6;
	(xrf0) =	vadd.scan.msk.s32 $0xffff, v31  }
0xde: {  	v50 =	vmpcnt.ones.xlane vm2;
	v12 =	vsel vm4, v12, v13;
	v35 =	vsel vm0, $0x1, v7;
	(xrf0) =	vadd.scan.msk.s32 $0xffff, v33  }
0xdf: {  	v13 =	vadd.s32 v26, v12;
	v34 =	vmpcnt.ones.xlane vm0;
	(xrf0) =	vadd.scan.msk.s32 $0xffff, v35;
	vm4 =	vnez.u8 v10;
	v38, _, _ =	vpop (xrf0)  }
0xe0: {  	(xrf0) =	vadd.scan.msk.s32 $0xffff, v37;
	v10 =	vsel vm4, v12, v14;
	v12 =	vadd.s32 v28, v12;
	v15 =	vadd.s32 $0xFFFFFFFF, v38  }
0xe1: {  	v62 =	vld [tilespmem:$0x20];
	v40, _, _ =	vpop (xrf0);
	(xrf0) =	vadd.scan.msk.s32 $0xffff, v39;
	v10 =	vsel vm5, v10, v13;
	vm5 =	vcmask $0x1720;
	v11 =	vsel vm10, v15, v11  }
0xe2: {  	v42, _, _ =	vpop (xrf0);
	v12 =	vsel vm6, v10, v12;
	v10 =	vadd.s32 v32, v10;
	vm6 =	vcmask $0x131C  }
0xe3: {  	v41 =	vadd.s32 $0xFFFFFFFF, v40;
	v44, _, _ =	vpop (xrf0);
	v10 =	vsel vm6, v12, v10;
	v12 =	vadd.s32 v34, v12  }
0xe4: {  	vm10 =	veq.s32 v30, $0x5;
	v46, _, _ =	vpop (xrf0);
	v12 =	vsel vm5, v10, v12;
	v10 =	vadd.s32 v36, v10  }
0xe5: {  	s20 =	simm.s32 $0x1500;
	v11 =	vsel vm12, v41, v11;
	v43 =	vadd.s32 $0xFFFFFFFF, v42;
	v48, _, _ =	vpop (xrf0);
	v10 =	vsel vm14, v12, v10  }
0xe6: {  	v16 =	vld.idx.msk [tilespmem:v57+s20+$0x0], $0xffff;
	v21 =	vsel vm10, $0x1, v7;
	vm12 =	veq.s32 v62, $0x1;
	v49, _, _ =	vpop (xrf0);
	[tilespmem:$0x1500] =	vst v10;
	v10 =	vsel vm3, $0x1, v7  }
0xe7: {  	v22 =	vmpcnt.ones.xlane vm10;
	v36 =	vmpcnt.ones.xlane vm12;
	v51, _, _ =	vpop (xrf0);
	(xrf0) =	vadd.scan.msk.s32 $0xffff, v10;
	v10 =	vsel vm9, v43, v11  }
0xe8: {  	v11 =	vadd.s32 $0xFFFFFFFF, v44;
	v12 =	vadd.s32 $0xFFFFFFFF, v51;
	vm9 =	veq.s32 v30, $0x4  }
0xe9: {  	v10 =	vsel vm11, v11, v10;
	v11 =	vadd.s32 $0xFFFFFFFF, v46;
	v61 =	vsel vm9, $0x1, v7  }
0xea: {  	v45 =	vld [tilespmem:$0x1500];
	v63 =	vmpcnt.ones.xlane vm9;
	vm11 =	veq.s32 v30, $0x7;
	v10 =	vsel vm13, v11, v10  }
0xeb: {  	(xrf0) =	vadd.scan.msk.s32 $0xffff, v47;
	v11 =	vadd.s32 $0xFFFFFFFF, v48;
	vm13 =	vcmask $0xB14;
	v25 =	vsel vm11, $0x1, v7  }
0xec: {  	v26 =	vmpcnt.ones.xlane vm11;
	v10 =	vsel vm0, v11, v10;
	v11 =	vadd.s32 $0xFFFFFFFF, v49  }
0xed: {  	vm0 =	veq.s32 v30, $0x3;
	v10 =	vsel vm15, v11, v10;
	v11 =	vnsel vm2, $0x0, v12  }
0xee: {  	vm15 =	vcmask $0x30C;
	v57 =	vmpcnt.ones.xlane vm0;
	v59 =	vsel vm0, $0x1, v7  }
0xef: {  	vm2 =	veq.s32 v30, $0x6;
	v14 =	vadd.s32 v45, v50;
	v17 =	vadd.s32 v52, v45  }
0xf0: {  	v15 =	vadd.s32 v55, v45;
	v10 =	vadd.s32 v16, v10;
	(xrf0) =	vadd.scan.msk.s32 $0xffff, v59;
	v23 =	vsel vm2, $0x1, v7;
	v54, _, _ =	vpop (xrf0)  }
0xf1: {  	v24 =	vmpcnt.ones.xlane vm2;
	v53 =	vsel vm8, v14, v45;
	(xrf0) =	vadd.scan.msk.s32 $0xffff, v61;
	v14 =	vadd.s32 $0xFFFFFFFF, v54;
	v56, _, _ =	vpop (xrf0)  }
0xf2: {  	[tilespmem:$0x1580] =	vst v10;
	v12 =	vsel vm15, v53, v17;
	v11 =	vsel vm3, v14, v11;
	v14 =	vadd.s32 $0xFFFFFFFF, v56  }
0xf3: {  	(xrf0) =	vadd.scan.msk.s32 $0xffff, v21;
	v58 =	vsel vm4, v12, v15;
	v60 =	vadd.s32 v57, v12;
	v12 =	vadd.s32 v63, v12  }
0xf4: {  	(xrf0) =	vadd.scan.msk.s32 $0xffff, v23;
	v11 =	vsel vm7, v14, v11;
	v14 =	vsel vm13, v58, v60;
	vm7 =	vcmask $0xF18  }
0xf5: {  	v13 =	vld.idx.msk [tilespmem:v30+s20+$0x0], $0xffff;
	v30 =	vsel vm12, $0x1, v7;
	v12 =	vsel vm7, v14, v12;
	v14 =	vadd.s32 v22, v14  }
0xf6: {  	vm3 =	veq.s32 v62, $0x0;
	(xrf0) =	vadd.scan.msk.s32 $0xffff, v25;
	v14 =	vsel vm6, v12, v14;
	v12 =	vadd.s32 v24, v12;
	v10, _, _ =	vpop (xrf0)  }
0xf7: {  	v27 =	vsel vm3, $0x1, v7;
	v12 =	vsel vm5, v14, v12;
	v10 =	vadd.s32 $0xFFFFFFFF, v10;
	v28, _, _ =	vpop (xrf0)  }
0xf8: {  	v14 =	vadd.s32 v26, v14;
	v10 =	vsel vm0, v10, v11;
	v11 =	vadd.s32 $0xFFFFFFFF, v28  }
0xf9: {  	(xrf0) =	vadd.scan.msk.s32 $0xffff, v27;
	v12 =	vsel vm14, v12, v14;
	v29, _, _ =	vpop (xrf0);
	vm0 =	veq.s32 v62, $0x3;
	v10 =	vsel vm9, v11, v10  }
0xfa: {  	v11 =	vadd.s32 $0xFFFFFFFF, v29;
	v31, _, _ =	vpop (xrf0);
	vm9 =	veq.s32 v62, $0x2;
	v40 =	vmpcnt.ones.xlane vm0  }
0xfb: {  	(xrf0) =	vadd.scan.msk.s32 $0xffff, v30;
	v42 =	vsel vm0, $0x1, v7;
	v10 =	vsel vm10, v11, v10;
	v11 =	vadd.s32 $0xFFFFFFFF, v31  }
0xfc: {  	[tilespmem:$0x1500] =	vst v12;
	v33, _, _ =	vpop (xrf0);
	v34 =	vsel vm9, $0x1, v7;
	v38 =	vmpcnt.ones.xlane vm9;
	vm10 =	veq.s32 v62, $0x5  }
0xfd: {  	v32 =	vld [tilespmem:$0x1500];
	v10 =	vsel vm2, v11, v10;
	v11 =	vadd.s32 $0xFFFFFFFF, v33;
	vm2 =	veq.s32 v62, $0x4  }
0xfe: {  	v46 =	vsel vm10, $0x1, v7;
	v47 =	vmpcnt.ones.xlane vm10;
	v10 =	vsel vm11, v11, v10  }
0xff: {  	v44 =	vld [tilespmem:$0x30];
	(xrf0) =	vadd.scan.msk.s32 $0xffff, v34;
	v11 =	vmpcnt.ones.xlane vm3;
	v35, _, _ =	vpop (xrf0);
	v43 =	vsel vm2, $0x1, v7;
	v45 =	vmpcnt.ones.xlane vm2  }
0x100: {  	vm11 =	veq.s32 v62, $0x6;
	v10 =	vadd.s32 v13, v10;
	v12 =	vadd.s32 $0xFFFFFFFF, v35  }
0x101: {  	(xrf0) =	vadd.scan.msk.s32 $0xffff, v42;
	v19 =	vsel vm11, $0x1, v7;
	v48 =	vmpcnt.ones.xlane vm11;
	v12 =	vnsel vm3, $0x0, v12;
	v37, _, _ =	vpop (xrf0)  }
0x102: {  	vm3 =	veq.s32 v62, $0x7;
	v11 =	vadd.s32 v32, v11;
	v14 =	vadd.s32 $0xFFFFFFFF, v37  }
0x103: {  	v13 =	vadd.s32 v36, v32;
	v15 =	vadd.s32 v38, v32;
	v49 =	vsel vm3, $0x1, v7  }
0x104: {  	(xrf0) =	vadd.scan.msk.s32 $0xffff, v43;
	v11 =	vsel vm8, v11, v32;
	v12 =	vsel vm12, v14, v12;
	vm12 =	veq.s32 v44, $0x0  }
0x105: {  	(xrf0) =	vadd.scan.msk.s32 $0xffff, v46;
	v50 =	vmpcnt.ones.xlane vm3;
	v11 =	vsel vm15, v11, v13;
	v39, _, _ =	vpop (xrf0);
	v51 =	vsel vm12, $0x1, v7  }
0x106: {  	[tilespmem:$0x1590] =	vst v10;
	v13 =	vadd.s32 $0xFFFFFFFF, v39;
	v41 =	vsel vm4, v11, v15;
	v17 =	vadd.s32 v40, v11  }
0x107: {  	(xrf0) =	vadd.scan.msk.s32 $0xffff, v19;
	v11 =	vadd.s32 v45, v11;
	v10, _, _ =	vpop (xrf0);
	v14 =	vsel vm13, v41, v17;
	v12 =	vsel vm9, v13, v12  }
0x108: {  	(xrf0) =	vadd.scan.msk.s32 $0xffff, v49;
	v10 =	vadd.s32 $0xFFFFFFFF, v10;
	v11 =	vsel vm7, v14, v11;
	v14 =	vadd.s32 v47, v14  }
0x109: {  	v24 =	vld [tilespmem:$0x80];
	vm9 =	veq.s32 v44, $0x3;
	v14 =	vsel vm6, v11, v14;
	v11 =	vadd.s32 v48, v11  }
0x10a: {  	(xrf0) =	vadd.scan.msk.s32 $0xffff, v51;
	v52, _, _ =	vpop (xrf0);
	v10 =	vsel vm0, v10, v12;
	v11 =	vsel vm5, v14, v11;
	v14 =	vadd.s32 v50, v14  }
0x10b: {  	v16 =	vld.idx.msk [tilespmem:v62+s20+$0x0], $0xffff;
	v53 =	vadd.s32 $0xFFFFFFFF, v52;
	v62 =	vmpcnt.ones.xlane vm9;
	v11 =	vsel vm14, v11, v14  }
0x10c: {  	v54, _, _ =	vpop (xrf0);
	v23 =	vsel vm9, $0x1, v7;
	vm0 =	veq.s32 v44, $0x6;
	v10 =	vsel vm2, v53, v10;
	[tilespmem:$0x1500] =	vst v11  }
0x10d: {  	v55, _, _ =	vpop (xrf0);
	v28 =	vmpcnt.ones.xlane vm0;
	v29 =	vsel vm0, $0x1, v7;
	v11 =	vadd.s32 $0xFFFFFFFF, v54;
	v56 =	vld [tilespmem:$0x1500]  }
0x10e: {  	vm2 =	veq.s32 v24, $0x0;
	v57, _, _ =	vpop (xrf0);
	v10 =	vsel vm10, v11, v10;
	v11 =	vadd.s32 $0xFFFFFFFF, v55  }
0x10f: {  	v33 =	vsel vm2, $0x1, v7;
	v10 =	vsel vm11, v11, v10;
	v11 =	vadd.s32 $0xFFFFFFFF, v57  }
0x110: {  	v58, _, _ =	vpop (xrf0);
	vm10 =	veq.s32 v44, $0x1;
	v10 =	vsel vm3, v11, v10;
	v11 =	vmpcnt.ones.xlane vm12  }
0x111: {  	v12 =	vadd.s32 $0xFFFFFFFF, v58;
	v59 =	vmpcnt.ones.xlane vm10;
	vm11 =	veq.s32 v44, $0x2  }
0x112: {  	v12 =	vnsel vm12, $0x0, v12;
	v60 =	vmpcnt.ones.xlane vm11;
	v11 =	vadd.s32 v56, v11  }
0x113: {  	v61 =	vsel vm10, $0x1, v7;
	v14 =	vadd.s32 v59, v56;
	v11 =	vsel vm8, v11, v56  }
0x114: {  	(xrf0) =	vadd.scan.msk.s32 $0xffff, v61;
	v10 =	vadd.s32 v16, v10;
	v13 =	vadd.s32 v60, v56;
	v11 =	vsel vm15, v11, v14  }
0x115: {  	vm12 =	veq.s32 v44, $0x4;
	[tilespmem:$0x15A0] =	vst v10;
	v10 =	vsel vm4, v11, v13;
	v21 =	vadd.s32 v62, v11  }
0x116: {  	v22 =	vmpcnt.ones.xlane vm12;
	v10 =	vsel vm13, v10, v21;
	vm13 =	veq.s32 v44, $0x5  }
0x117: {  	v42 =	vmpcnt.ones.xlane vm2;
	v63 =	vsel vm11, $0x1, v7;
	v26 =	vmpcnt.ones.xlane vm13  }
0x118: {  	vm3 =	veq.s32 v24, $0x1;
	(xrf0) =	vadd.scan.msk.s32 $0xffff, v63;
	v25 =	vsel vm12, $0x1, v7;
	v11 =	vadd.s32 v22, v11  }
0x119: {  	(xrf0) =	vadd.scan.msk.s32 $0xffff, v23;
	vm15 =	veq.s32 v44, $0x7;
	v11 =	vsel vm7, v10, v11;
	v10 =	vadd.s32 v26, v10  }
0x11a: {  	v30 =	vmpcnt.ones.xlane vm15;
	v32, _, _ =	vpop (xrf0);
	v10 =	vsel vm6, v11, v10;
	v11 =	vadd.s32 v28, v11  }
0x11b: {  	(xrf0) =	vadd.scan.msk.s32 $0xffff, v25;
	v15 =	vadd.s32 $0xFFFFFFFF, v32;
	v27 =	vsel vm13, $0x1, v7;
	v11 =	vsel vm5, v10, v11  }
0x11c: {  	v46 =	vmpcnt.ones.xlane vm3;
	v31 =	vsel vm15, $0x1, v7;
	v12 =	vsel vm10, v15, v12;
	(xrf0) =	vadd.scan.msk.s32 $0xffff, v27  }
0x11d: {  	vm10 =	veq.s32 v24, $0x3;
	vm7 =	vcmask $0x30C;
	v10 =	vadd.s32 v30, v10  }
0x11e: {  	v48 =	vmpcnt.ones.xlane vm10;
	v51 =	vsel vm10, $0x1, v7;
	(xrf0) =	vadd.scan.msk.s32 $0xffff, v29;
	v10 =	vsel vm14, v11, v10;
	v11, _, _ =	vpop (xrf0)  }
0x11f: {  	v34 =	vld.idx.msk [tilespmem:v44+s20+$0x0], $0xffff;
	(xrf0) =	vadd.scan.msk.s32 $0xffff, v31;
	vm5 =	vmmov vm14;
	[tilespmem:$0x1500] =	vst v10;
	v11 =	vadd.s32 $0xFFFFFFFF, v11;
	v35, _, _ =	vpop (xrf0)  }
0x120: {  	v10 =	vsel vm3, $0x1, v7;
	(xrf0) =	vadd.scan.msk.s32 $0xffff, v33;
	v38 =	vld [tilespmem:$0x1500];
	v11 =	vsel vm11, v11, v12;
	v36 =	vadd.s32 $0xFFFFFFFF, v35  }
0x121: {  	vm14 =	vmmov vm6;
	v37, _, _ =	vpop (xrf0);
	(xrf0) =	vadd.scan.msk.s32 $0xffff, v10;
	vm11 =	veq.s32 v24, $0x2;
	v10 =	vsel vm9, v36, v11  }
0x122: {  	v52 =	vld [tilespmem:$0x90];
	v11 =	vadd.s32 $0xFFFFFFFF, v37;
	v39, _, _ =	vpop (xrf0);
	v47 =	vmpcnt.ones.xlane vm11;
	vm9 =	veq.s32 v24, $0x4  }
0x123: {  	v50 =	vsel vm11, $0x1, v7;
	v10 =	vsel vm12, v11, v10;
	v11 =	vadd.s32 $0xFFFFFFFF, v39  }
0x124: {  	v40, _, _ =	vpop (xrf0);
	v49 =	vmpcnt.ones.xlane vm9;
	v53 =	vsel vm9, $0x1, v7;
	vm12 =	veq.s32 v24, $0x6  }
0x125: {  	v10 =	vsel vm13, v11, v10;
	v11 =	vadd.s32 $0xFFFFFFFF, v40;
	v44 =	vadd.s32 v38, v42  }
0x126: {  	v41, _, _ =	vpop (xrf0);
	v16 =	vadd.s32 v46, v38;
	v56 =	vsel vm12, $0x1, v7;
	v57 =	vmpcnt.ones.xlane vm12  }
0x127: {  	vm13 =	veq.s32 v52, $0x0;
	v10 =	vsel vm0, v11, v10;
	v11 =	vadd.s32 $0xFFFFFFFF, v41  }
0x128: {  	(xrf0) =	vadd.scan.msk.s32 $0xffff, v50;
	v43, _, _ =	vpop (xrf0);
	v12 =	vsel vm8, v44, v38;
	vm0 =	vcmask $0xB14;
	v62 =	vsel vm13, $0x1, v7  }
0x129: {  	v26 =	vmpcnt.ones.xlane vm13;
	v10 =	vsel vm15, v11, v10;
	v11 =	vadd.s32 $0xFFFFFFFF, v43  }
0x12a: {  	(xrf0) =	vadd.scan.msk.s32 $0xffff, v51;
	v12 =	vsel vm7, v12, v16;
	vm15 =	vcmask $0x1720;
	v10 =	vadd.s32 v34, v10  }
0x12b: {  	(xrf0) =	vadd.scan.msk.s32 $0xffff, v53;
	v11 =	vnsel vm2, $0x0, v11;
	v45, _, _ =	vpop (xrf0);
	v17 =	vadd.s32 v48, v12;
	vm2 =	veq.s32 v24, $0x7  }
0x12c: {  	v14 =	vadd.s32 $0xFFFFFFFF, v45;
	v58 =	vsel vm2, $0x1, v7;
	v59 =	vmpcnt.ones.xlane vm2  }
0x12d: {  	v36 =	vld [tilespmem:$0xA0];
	v11 =	vsel vm3, v14, v11;
	v14 =	vadd.s32 v47, v38;
	vm3 =	veq.s32 v52, $0x1  }
0x12e: {  	v14 =	vsel vm4, v12, v14;
	v12 =	vadd.s32 v49, v12;
	v60, _, _ =	vpop (xrf0);
	v27 =	vmpcnt.ones.xlane vm3  }
0x12f: {  	v14 =	vsel vm0, v14, v17;
	vm0 =	vcmask $0xF18;
	v16 =	vadd.s32 $0xFFFFFFFF, v60  }
0x130: {  	v63, _, _ =	vpop (xrf0);
	v12 =	vsel vm0, v14, v12;
	vm0 =	veq.s32 v24, $0x5;
	v11 =	vsel vm11, v16, v11  }
0x131: {  	v18 =	vadd.s32 $0xFFFFFFFF, v63;
	v19, _, _ =	vpop (xrf0);
	v54 =	vsel vm0, $0x1, v7;
	v55 =	vmpcnt.ones.xlane vm0  }
0x132: {  	vm11 =	veq.s32 v36, $0x1;
	v11 =	vsel vm10, v18, v11;
	v20 =	vadd.s32 $0xFFFFFFFF, v19;
	(xrf0) =	vadd.scan.msk.s32 $0xffff, v54  }
0x133: {  	vm10 =	veq.s32 v52, $0x6;
	v49 =	vsel vm11, $0x1, v7;
	v14 =	vadd.s32 v55, v14;
	(xrf0) =	vadd.scan.msk.s32 $0xffff, v56  }
0x134: {  	v40 =	vsel vm10, $0x1, v7;
	v14 =	vsel vm6, v12, v14;
	v12 =	vadd.s32 v57, v12;
	(xrf0) =	vadd.scan.msk.s32 $0xffff, v58  }
0x135: {  	[tilespmem:$0x15B0] =	vst v10;
	v41 =	vmpcnt.ones.xlane vm10;
	v10 =	vsel vm15, v14, v12;
	v61 =	vadd.s32 v59, v14  }
0x136: {  	vm6 =	veq.s32 v52, $0x2;
	v57 =	vmpcnt.ones.xlane vm11;
	v10 =	vsel vm5, v10, v61  }
0x137: {  	v13 =	vld.idx.msk [tilespmem:v24+s20+$0x0], $0xffff;
	(xrf0) =	vadd.scan.msk.s32 $0xffff, v62;
	v24 =	vsel vm6, $0x1, v7;
	[tilespmem:$0x1500] =	vst v10;
	v10 =	vsel vm3, $0x1, v7  }
0x138: {  	v29 =	vmpcnt.ones.xlane vm6;
	v21, _, _ =	vpop (xrf0);
	(xrf0) =	vadd.scan.msk.s32 $0xffff, v10;
	v10 =	vsel vm9, v20, v11;
	vm9 =	veq.s32 v52, $0x4  }
0x139: {  	vm5 =	vcmask $0xB14;
	v22 =	vld [tilespmem:$0x1500];
	v11 =	vadd.s32 $0xFFFFFFFF, v21;
	v23, _, _ =	vpop (xrf0);
	v35 =	vmpcnt.ones.xlane vm9  }
0x13a: {  	v37 =	vsel vm9, $0x1, v7;
	v10 =	vsel vm0, v11, v10;
	v11 =	vadd.s32 $0xFFFFFFFF, v23;
	v25, _, _ =	vpop (xrf0)  }
0x13b: {  	vm0 =	veq.s32 v52, $0x3;
	v10 =	vsel vm12, v11, v10;
	v11 =	vadd.s32 $0xFFFFFFFF, v25  }
0x13c: {  	(xrf0) =	vadd.scan.msk.s32 $0xffff, v24;
	v32 =	vmpcnt.ones.xlane vm0;
	v34 =	vsel vm0, $0x1, v7;
	vm12 =	veq.s32 v36, $0x0  }
0x13d: {  	v10 =	vsel vm2, v11, v10;
	vm2 =	veq.s32 v52, $0x5;
	v44 =	vsel vm12, $0x1, v7  }
0x13e: {  	v55 =	vmpcnt.ones.xlane vm12;
	v12 =	vadd.s32 v22, v26;
	v10 =	vadd.s32 v13, v10  }
0x13f: {  	v14 =	vadd.s32 v27, v22;
	v31 =	vadd.s32 v29, v22;
	v38 =	vsel vm2, $0x1, v7;
	v11, _, _ =	vpop (xrf0)  }
0x140: {  	(xrf0) =	vadd.scan.msk.s32 $0xffff, v34;
	v39 =	vmpcnt.ones.xlane vm2;
	v12 =	vsel vm8, v12, v22;
	v11 =	vadd.s32 $0xFFFFFFFF, v11;
	v28, _, _ =	vpop (xrf0)  }
0x141: {  	v12 =	vsel vm7, v12, v14;
	v11 =	vnsel vm13, $0x0, v11;
	v13 =	vadd.s32 $0xFFFFFFFF, v28  }
0x142: {  	(xrf0) =	vadd.scan.msk.s32 $0xffff, v37;
	vm13 =	vmmov vm7;
	v30, _, _ =	vpop (xrf0);
	v33 =	vsel vm4, v12, v31;
	v16 =	vadd.s32 v32, v12  }
0x143: {  	(xrf0) =	vadd.scan.msk.s32 $0xffff, v38;
	v12 =	vadd.s32 v35, v12;
	v11 =	vsel vm3, v13, v11;
	v13 =	vadd.s32 $0xFFFFFFFF, v30  }
0x144: {  	vm7 =	vcmask $0x1B20;
	vm3 =	veq.s32 v52, $0x7;
	v11 =	vsel vm6, v13, v11  }
0x145: {  	(xrf0) =	vadd.scan.msk.s32 $0xffff, v40;
	v13 =	vsel vm5, v33, v16;
	vm6 =	vcmask $0xF18;
	v42 =	vsel vm3, $0x1, v7  }
0x146: {  	v43 =	vmpcnt.ones.xlane vm3;
	v45, _, _ =	vpop (xrf0);
	v12 =	vsel vm6, v13, v12;
	v13 =	vadd.s32 v39, v13;
	(xrf0) =	vadd.scan.msk.s32 $0xffff, v42  }
0x147: {  	[tilespmem:$0x1600] =	vst v10;
	v47 =	vadd.s32 $0xFFFFFFFF, v45;
	v10 =	vsel vm14, v12, v13;
	v12 =	vadd.s32 v41, v12  }
0x148: {  	v63 =	vld [tilespmem:$0xB0];
	v48, _, _ =	vpop (xrf0);
	v11 =	vsel vm0, v47, v11;
	v12 =	vsel vm15, v10, v12;
	v10 =	vadd.s32 v43, v10  }
0x149: {  	(xrf0) =	vadd.scan.msk.s32 $0xffff, v44;
	vm0 =	veq.s32 v36, $0x5;
	v50 =	vadd.s32 $0xFFFFFFFF, v48;
	v51, _, _ =	vpop (xrf0);
	v10 =	vsel vm7, v12, v10  }
0x14a: {  	v46 =	vld.idx.msk [tilespmem:v52+s20+$0x0], $0xffff;
	v21 =	vmpcnt.ones.xlane vm0;
	[tilespmem:$0x1500] =	vst v10;
	v10 =	vsel vm9, v50, v11;
	v11 =	vadd.s32 $0xFFFFFFFF, v51  }
0x14b: {  	v22 =	vsel vm0, $0x1, v7;
	v52, _, _ =	vpop (xrf0);
	vm9 =	veq.s32 v36, $0x7;
	v10 =	vsel vm2, v11, v10  }
0x14c: {  	(xrf0) =	vadd.scan.msk.s32 $0xffff, v49;
	v53 =	vld [tilespmem:$0x1500];
	v11 =	vadd.s32 $0xFFFFFFFF, v52;
	v25 =	vmpcnt.ones.xlane vm9;
	v26 =	vsel vm9, $0x1, v7;
	v54, _, _ =	vpop (xrf0)  }
0x14d: {  	vm2 =	veq.s32 v63, $0x0;
	v10 =	vsel vm10, v11, v10;
	v11 =	vadd.s32 $0xFFFFFFFF, v54  }
0x14e: {  	vm10 =	veq.s32 v36, $0x3;
	v28 =	vsel vm2, $0x1, v7;
	v37 =	vmpcnt.ones.xlane vm2  }
0x14f: {  	v59 =	vmpcnt.ones.xlane vm10;
	v10 =	vsel vm3, v11, v10;
	vm3 =	veq.s32 v63, $0x4  }
0x150: {  	v62 =	vsel vm10, $0x1, v7;
	v10 =	vadd.s32 v46, v10;
	v41 =	vsel vm3, $0x1, v7;
	v11, _, _ =	vpop (xrf0)  }
0x151: {  	v12 =	vadd.s32 v53, v55;
	v15 =	vadd.s32 v57, v53;
	v11 =	vadd.s32 $0xFFFFFFFF, v11  }
0x152: {  	v56, _, _ =	vpop (xrf0);
	v12 =	vsel vm8, v12, v53;
	v11 =	vnsel vm12, $0x0, v11;
	vm12 =	veq.s32 v36, $0x2  }
0x153: {  	v13 =	vadd.s32 $0xFFFFFFFF, v56;
	v58 =	vmpcnt.ones.xlane vm12;
	v60 =	vsel vm12, $0x1, v7  }
0x154: {  	v12 =	vsel vm13, v12, v15;
	v11 =	vsel vm11, v13, v11;
	vm11 =	veq.s32 v36, $0x4;
	(xrf0) =	vadd.scan.msk.s32 $0xffff, v60  }
0x155: {  	v61 =	vmpcnt.ones.xlane vm11;
	v20 =	vsel vm11, $0x1, v7;
	v14 =	vadd.s32 v58, v53;
	(xrf0) =	vadd.scan.msk.s32 $0xffff, v62  }
0x156: {  	vm13 =	veq.s32 v36, $0x6;
	v13 =	vadd.s32 v59, v12;
	v14 =	vsel vm4, v12, v14;
	(xrf0) =	vadd.scan.msk.s32 $0xffff, v20  }
0x157: {  	v23 =	vmpcnt.ones.xlane vm13;
	v12 =	vadd.s32 v61, v12;
	v13 =	vsel vm5, v14, v13;
	(xrf0) =	vadd.scan.msk.s32 $0xffff, v22  }
0x158: {  	[tilespmem:$0x1610] =	vst v10;
	v24 =	vsel vm13, $0x1, v7;
	v12 =	vsel vm6, v13, v12;
	v13 =	vadd.s32 v21, v13  }
0x159: {  	v55 =	vmpcnt.ones.xlane vm3;
	(xrf0) =	vadd.scan.msk.s32 $0xffff, v24;
	v10 =	vsel vm14, v12, v13;
	v12 =	vadd.s32 v23, v12  }
0x15a: {  	vm5 =	vmmov vm7;
	v27, _, _ =	vpop (xrf0);
	v12 =	vsel vm15, v10, v12;
	(xrf0) =	vadd.scan.msk.s32 $0xffff, v26;
	v10 =	vadd.s32 v25, v10  }
0x15b: {  	v15 =	vadd.s32 $0xFFFFFFFF, v27;
	v30, _, _ =	vpop (xrf0);
	v10 =	vsel vm7, v12, v10;
	(xrf0) =	vadd.scan.msk.s32 $0xffff, v28;
	vm7 =	veq.s32 v63, $0x1  }
0x15c: {  	v29 =	vld.idx.msk [tilespmem:v36+s20+$0x0], $0xffff;
	v11 =	vsel vm12, v15, v11;
	v31, _, _ =	vpop (xrf0);
	v32 =	vadd.s32 $0xFFFFFFFF, v30;
	[tilespmem:$0x1500] =	vst v10;
	v10 =	vsel vm7, $0x1, v7  }
0x15d: {  	vm6 =	vmmov vm15;
	v11 =	vsel vm10, v32, v11;
	v12 =	vadd.s32 $0xFFFFFFFF, v31;
	v33, _, _ =	vpop (xrf0);
	(xrf0) =	vadd.scan.msk.s32 $0xffff, v10  }
0x15e: {  	vm10 =	veq.s32 v63, $0x2;
	v10 =	vsel vm11, v12, v11;
	v11 =	vadd.s32 $0xFFFFFFFF, v33  }
0x15f: {  	vm15 =	veq.s32 v63, $0x7;
	v10 =	vsel vm0, v11, v10;
	v11 =	vsel vm10, $0x1, v7  }
0x160: {  	v51 =	vsel vm15, $0x1, v7;
	v61 =	vmpcnt.ones.xlane vm15;
	v34 =	vld [tilespmem:$0x1500];
	v35, _, _ =	vpop (xrf0);
	vm0 =	veq.s32 v63, $0x3  }
0x161: {  	v42 =	vmpcnt.ones.xlane vm7;
	vm12 =	veq.s32 v63, $0x6;
	v36, _, _ =	vpop (xrf0);
	(xrf0) =	vadd.scan.msk.s32 $0xffff, v11;
	v38 =	vsel vm0, $0x1, v7  }
0x162: {  	v48 =	vsel vm12, $0x1, v7;
	v60 =	vmpcnt.ones.xlane vm12;
	v12 =	vadd.s32 $0xFFFFFFFF, v35;
	v11, _, _ =	vpop (xrf0);
	(xrf0) =	vadd.scan.msk.s32 $0xffff, v38  }
0x163: {  	v46 =	vmpcnt.ones.xlane vm10;
	v10 =	vsel vm13, v12, v10;
	vm13 =	vcmask $0x30C;
	v40, _, _ =	vpop (xrf0);
	(xrf0) =	vadd.scan.msk.s32 $0xffff, v41  }
0x164: {  	v50 =	vmpcnt.ones.xlane vm0;
	v13 =	vadd.s32 $0xFFFFFFFF, v36;
	v11 =	vadd.s32 $0xFFFFFFFF, v11  }
0x165: {  	v17 =	vadd.s32 v34, v37;
	v11 =	vnsel vm2, $0x0, v11;
	vm2 =	veq.s32 v63, $0x5  }
0x166: {  	v44 =	vadd.s32 v42, v34;
	v15 =	vadd.s32 v46, v34;
	v43 =	vsel vm2, $0x1, v7  }
0x167: {  	v10 =	vsel vm9, v13, v10;
	v39 =	vsel vm8, v17, v34;
	v17 =	vadd.s32 $0xFFFFFFFF, v40;
	v45, _, _ =	vpop (xrf0);
	(xrf0) =	vadd.scan.msk.s32 $0xffff, v43  }
0x168: {  	v10 =	vadd.s32 v29, v10;
	v12 =	vsel vm13, v39, v44;
	v11 =	vsel vm7, v17, v11;
	v49, _, _ =	vpop (xrf0);
	(xrf0) =	vadd.scan.msk.s32 $0xffff, v48  }
0x169: {  	v52 =	vsel vm4, v12, v15;
	v54 =	vadd.s32 v50, v12;
	v47 =	vadd.s32 $0xFFFFFFFF, v45;
	v53, _, _ =	vpop (xrf0);
	(xrf0) =	vadd.scan.msk.s32 $0xffff, v51  }
0x16a: {  	[tilespmem:$0x1620] =	vst v10;
	v10 =	vadd.s32 v55, v12;
	v11 =	vsel vm10, v47, v11;
	v17 =	vadd.s32 $0xFFFFFFFF, v49  }
0x16b: {  	v58 =	vmpcnt.ones.xlane vm2;
	v11 =	vsel vm0, v17, v11;
	vm0 =	vcmask $0xB14  }
0x16c: {  	v15 =	vadd.s32 $0xFFFFFFFF, v53;
	v13 =	vsel vm0, v52, v54;
	vm0 =	vcmask $0xF18  }
0x16d: {  	v14 =	vld.idx.msk [tilespmem:v63+s20+$0x0], $0xffff;
	v11 =	vsel vm3, v15, v11;
	v56, _, _ =	vpop (xrf0);
	v10 =	vsel vm0, v13, v10;
	v13 =	vadd.s32 v58, v13  }
0x16e: {  	[tilespmem:$0x1680] =	vst v0;
	v57 =	vadd.s32 $0xFFFFFFFF, v56;
	v62 =	vsel vm14, v10, v13;
	v10 =	vadd.s32 v60, v10;
	v59, _, _ =	vpop (xrf0)  }
0x16f: {  	[tilespmem:$0x1690] =	vst v1;
	v11 =	vsel vm2, v57, v11;
	v10 =	vsel vm6, v62, v10;
	v12 =	vadd.s32 $0xFFFFFFFF, v59;
	v63, _, _ =	vpop (xrf0)  }
0x170: {  	[tilespmem:$0x16A0] =	vst v2;
	v11 =	vsel vm12, v12, v11;
	v13 =	vadd.s32 $0xFFFFFFFF, v63;
	v12 =	vadd.s32 v61, v62  }
0x171: {  	[tilespmem:$0x16B0] =	vst v4;
	v11 =	vsel vm15, v13, v11;
	v10 =	vsel vm5, v10, v12  }
0x172: {  	[tilespmem:$0x1500] =	vst v10;
	v10 =	vadd.s32 v14, v11  }
0x173: {  	s2 =	rddreg [dreg:$0x1];
	s20 =	simm.s32 $0x1700;
	[tilespmem:$0x1630] =	vst v10  }
0x174: {  	[tilespmem:s20], [sflag:$0x1] =	stream.indirect_vreg.gather [hbm4b:s2+s3], $0x80, v8, vm1, $0xb8;
	[tilespmem:$0x11700] =	vst v63  }
0x175: {  	s7 =	rddreg [dreg:$0xf]  }
0x176: {  	[tilespmem:s21], [sflag:$0x1] =	stream.indirect_vreg.gather [hbm4b:s7+s3], $0x80, v8, vm1, $0xb8;
	[tilespmem:$0x11700] =	vst v63  }
0x177: {  	s11 =	rddreg [dreg:$0x10]  }
0x178: {  	[tilespmem:s22], [sflag:$0x1] =	stream.indirect_vreg.gather [hbm4b:s11+s3], $0x80, v8, vm1, $0xb8;
	[tilespmem:$0x11700] =	vst v63  }
0x179: {  	_ = 	snop  }
0x17a: {  	[tilespmem:s23], [sflag:$0x1] =	stream.indirect_vreg.gather [hbm4b:s2+s3], $0x80, v9, vm1, $0xb8;
	[tilespmem:$0x11700] =	vst v63  }
0x17b: {  	_ = 	snop  }
0x17c: {  	[tilespmem:s24], [sflag:$0x1] =	stream.indirect_vreg.gather [hbm4b:s7+s3], $0x80, v9, vm1, $0xb8;
	[tilespmem:$0x11700] =	vst v63  }
0x17d: {  	_ = 	snop  }
0x17e: {  	[tilespmem:s25], [sflag:$0x1] =	stream.indirect_vreg.gather [hbm4b:s11+s3], $0x80, v9, vm1, $0xb8;
	[tilespmem:$0x11700] =	vst v63  }
0x17f: {  	v10 =	vld [tilespmem:$0x1690];
	_ =	sdelay $0x4  }
0x180: {  	v11 =	vshrl.u32 v10, $0x3  }
0x181: {  	v11 =	vmul.u32 $0x30, v11  }
0x182: {  	v10 =	vand.u32 $0x7, v10  }
0x183: {  	v10 =	vor.u32 v10, v11  }
0x184: {  	v11 =	vperm.xlane v10, v3;
	_ =	sdelay $0x1  }
0x185: {  	v11 =	vadd.s32 v5, v11;
	_ =	sdelay $0x3  }
0x186: {  	v10 =	vperm.xlane v10, v6  }
0x187: {  	[tilespmem:s26], [sflag:$0x1] =	stream.indirect_vreg.gather [hbm4b:s2+s3], $0x80, v11, vm1, $0xb8;
	[tilespmem:$0x11700] =	vst v63  }
0x188: {  	v10 =	vadd.s32 v5, v10  }
0x189: {  	[tilespmem:s28], [sflag:$0x1] =	stream.indirect_vreg.gather [hbm4b:s7+s3], $0x80, v11, vm1, $0xb8;
	[tilespmem:$0x11700] =	vst v63  }
0x18a: {  	_ = 	snop  }
0x18b: {  	[tilespmem:s29], [sflag:$0x1] =	stream.indirect_vreg.gather [hbm4b:s11+s3], $0x80, v11, vm1, $0xb8;
	[tilespmem:$0x11700] =	vst v63  }
0x18c: {  	_ = 	snop  }
0x18d: {  	[tilespmem:s30], [sflag:$0x1] =	stream.indirect_vreg.gather [hbm4b:s2+s3], $0x80, v10, vm1, $0xb8;
	[tilespmem:$0x11700] =	vst v63  }
0x18e: {  	_ = 	snop  }
0x18f: {  	[tilespmem:s31], [sflag:$0x1] =	stream.indirect_vreg.gather [hbm4b:s7+s3], $0x80, v10, vm1, $0xb8;
	[tilespmem:$0x11700] =	vst v63  }
0x190: {  	s4 =	simm.s32 $0x6F00  }
0x191: {  	[tilespmem:s4], [sflag:$0x1] =	stream.indirect_vreg.gather [hbm4b:s11+s3], $0x80, v10, vm1, $0xb8;
	[tilespmem:$0x11700] =	vst v63  }
0x192: {  	v10 =	vld [tilespmem:$0x16A0];
	_ =	sdelay $0x4  }
0x193: {  	v11 =	vshrl.u32 v10, $0x3  }
0x194: {  	v11 =	vmul.u32 $0x30, v11  }
0x195: {  	v10 =	vand.u32 $0x7, v10  }
0x196: {  	v10 =	vor.u32 v10, v11  }
0x197: {  	v11 =	vperm.xlane v10, v3;
	_ =	sdelay $0x1  }
0x198: {  	v11 =	vadd.s32 v5, v11;
	_ =	sdelay $0x3  }
0x199: {  	s4 =	simm.s32 $0x7700;
	v10 =	vperm.xlane v10, v6  }
0x19a: {  	[tilespmem:s4], [sflag:$0x1] =	stream.indirect_vreg.gather [hbm4b:s2+s3], $0x80, v11, vm1, $0xb8;
	[tilespmem:$0x11700] =	vst v63  }
0x19b: {  	s6 =	simm.s32 $0x7F00;
	v10 =	vadd.s32 v5, v10  }
0x19c: {  	[tilespmem:s6], [sflag:$0x1] =	stream.indirect_vreg.gather [hbm4b:s7+s3], $0x80, v11, vm1, $0xb8;
	[tilespmem:$0x11700] =	vst v63  }
0x19d: {  	_ = 	snop  }
0x19e: {  	[tilespmem:s13], [sflag:$0x1] =	stream.indirect_vreg.gather [hbm4b:s11+s3], $0x80, v11, vm1, $0xb8;
	[tilespmem:$0x11700] =	vst v63  }
0x19f: {  	_ = 	snop  }
0x1a0: {  	[tilespmem:s14], [sflag:$0x1] =	stream.indirect_vreg.gather [hbm4b:s2+s3], $0x80, v10, vm1, $0xb8;
	[tilespmem:$0x11700] =	vst v63  }
0x1a1: {  	_ = 	snop  }
0x1a2: {  	[tilespmem:s15], [sflag:$0x1] =	stream.indirect_vreg.gather [hbm4b:s7+s3], $0x80, v10, vm1, $0xb8;
	[tilespmem:$0x11700] =	vst v63  }
0x1a3: {  	_ = 	snop  }
0x1a4: {  	[tilespmem:s16], [sflag:$0x1] =	stream.indirect_vreg.gather [hbm4b:s11+s3], $0x80, v10, vm1, $0xb8;
	[tilespmem:$0x11700] =	vst v63  }
0x1a5: {  	v10 =	vld [tilespmem:$0x16B0];
	_ =	sdelay $0x4  }
0x1a6: {  	v11 =	vshrl.u32 v10, $0x3  }
0x1a7: {  	v11 =	vmul.u32 $0x30, v11  }
0x1a8: {  	v10 =	vand.u32 $0x7, v10  }
0x1a9: {  	v10 =	vor.u32 v10, v11  }
0x1aa: {  	v11 =	vperm.xlane v10, v3;
	_ =	sdelay $0x1  }
0x1ab: {  	v11 =	vadd.s32 v5, v11;
	_ =	sdelay $0x3  }
0x1ac: {  	s6 =	simm.s32 $0xA700;
	v10 =	vperm.xlane v10, v6  }
0x1ad: {  	[tilespmem:s6], [sflag:$0x1] =	stream.indirect_vreg.gather [hbm4b:s2+s3], $0x80, v11, vm1, $0xb8;
	[tilespmem:$0x11700] =	vst v63  }
0x1ae: {  	v10 =	vadd.s32 v5, v10  }
0x1af: {  	[tilespmem:s12], [sflag:$0x1] =	stream.indirect_vreg.gather [hbm4b:s7+s3], $0x80, v11, vm1, $0xb8;
	[tilespmem:$0x11700] =	vst v63  }
0x1b0: {  	_ = 	snop  }
0x1b1: {  	[tilespmem:s17], [sflag:$0x1] =	stream.indirect_vreg.gather [hbm4b:s11+s3], $0x80, v11, vm1, $0xb8;
	[tilespmem:$0x11700] =	vst v63  }
0x1b2: {  	_ = 	snop  }
0x1b3: {  	[tilespmem:s18], [sflag:$0x1] =	stream.indirect_vreg.gather [hbm4b:s2+s3], $0x80, v10, vm1, $0xb8;
	[tilespmem:$0x11700] =	vst v63  }
0x1b4: {  	_ = 	snop  }
0x1b5: {  	[tilespmem:s10], [sflag:$0x1] =	stream.indirect_vreg.gather [hbm4b:s7+s3], $0x80, v10, vm1, $0xb8;
	[tilespmem:$0x11700] =	vst v63  }
0x1b6: {  	s19 =	rddreg [dreg:$0x6];
	s7 =	simm.s32 $0xCF00  }
0x1b7: {  	[tilespmem:s7], [sflag:$0x1] =	stream.indirect_vreg.gather [hbm4b:s11+s3], $0x80, v10, vm1, $0xb8;
	[tilespmem:$0x11700] =	vst v63  }
0x1b8: {  	s0 =	simm.s32 $0x1680;
	s2 =	simm.s32 $0xD700;
	s11 =	simm.s32 $0x40  }
0x1b9: {  	[tilespmem:s2], [sflag:$0x2] =	stream.indirect.gather [hbm4b:s19+s11], $0x80, s0, s11, $0xb8;
	[tilespmem:$0x11700] =	vst v63  }
0x1ba: {  	s0 =	simm.s32 $0x1  }
0x1bb: {  	_ =	swait.ge [sflag:s0], $0xC000  }
0x1bc: {  	[sflag:s0] =	ssyncset.done $0x0  }
0x1bd: {  	[sflag:s0] =	ssyncadd.s32 $0xFFFF4000  }
0x1be: {  	v10 =	vld [tilespmem:$0x1580];
	_ =	sdelay $0x4  }
0x1bf: {  	v11 =	vshrl.u32 v10, $0x3  }
0x1c0: {  	v11 =	vmul.u32 $0x30, v11  }
0x1c1: {  	v10 =	vand.u32 $0x7, v10  }
0x1c2: {  	v10 =	vor.u32 v10, v11  }
0x1c3: {  	v11 =	vperm.xlane v10, v3;
	_ =	sdelay $0x1  }
0x1c4: {  	v11 =	vadd.s32 v5, v11;
	_ =	sdelay $0x3  }
0x1c5: {  	v10 =	vperm.xlane v10, v6  }
0x1c6: {  	[hbm4b:s5+s3] =	stream.indirect_vreg.scatter [tilespmem:s20], [sflag:$0x1], $0x80, v11, vm1, $0xb8;
	[tilespmem:$0x11700] =	vst v63  }
0x1c7: {  	v10 =	vadd.s32 v5, v10  }
0x1c8: {  	[hbm4b:s8+s3] =	stream.indirect_vreg.scatter [tilespmem:s21], [sflag:$0x1], $0x80, v11, vm1, $0xb8;
	[tilespmem:$0x11700] =	vst v63  }
0x1c9: {  	_ = 	snop  }
0x1ca: {  	[hbm4b:s9+s3] =	stream.indirect_vreg.scatter [tilespmem:s22], [sflag:$0x1], $0x80, v11, vm1, $0xb8;
	[tilespmem:$0x11700] =	vst v63  }
0x1cb: {  	_ = 	snop  }
0x1cc: {  	[hbm4b:s5+s3] =	stream.indirect_vreg.scatter [tilespmem:s23], [sflag:$0x1], $0x80, v10, vm1, $0xb8;
	[tilespmem:$0x11700] =	vst v63  }
0x1cd: {  	_ = 	snop  }
0x1ce: {  	[hbm4b:s8+s3] =	stream.indirect_vreg.scatter [tilespmem:s24], [sflag:$0x1], $0x80, v10, vm1, $0xb8;
	[tilespmem:$0x11700] =	vst v63  }
0x1cf: {  	_ = 	snop  }
0x1d0: {  	[hbm4b:s9+s3] =	stream.indirect_vreg.scatter [tilespmem:s25], [sflag:$0x1], $0x80, v10, vm1, $0xb8;
	[tilespmem:$0x11700] =	vst v63  }
0x1d1: {  	v10 =	vld [tilespmem:$0x1590];
	_ =	sdelay $0x4  }
0x1d2: {  	v11 =	vshrl.u32 v10, $0x3  }
0x1d3: {  	v11 =	vmul.u32 $0x30, v11  }
0x1d4: {  	v10 =	vand.u32 $0x7, v10  }
0x1d5: {  	v10 =	vor.u32 v10, v11  }
0x1d6: {  	v11 =	vperm.xlane v10, v3;
	_ =	sdelay $0x1  }
0x1d7: {  	v11 =	vadd.s32 v5, v11;
	_ =	sdelay $0x3  }
0x1d8: {  	v10 =	vperm.xlane v10, v6  }
0x1d9: {  	[hbm4b:s5+s3] =	stream.indirect_vreg.scatter [tilespmem:s26], [sflag:$0x1], $0x80, v11, vm1, $0xb8;
	[tilespmem:$0x11700] =	vst v63  }
0x1da: {  	v10 =	vadd.s32 v5, v10  }
0x1db: {  	[hbm4b:s8+s3] =	stream.indirect_vreg.scatter [tilespmem:s28], [sflag:$0x1], $0x80, v11, vm1, $0xb8;
	[tilespmem:$0x11700] =	vst v63  }
0x1dc: {  	_ = 	snop  }
0x1dd: {  	[hbm4b:s9+s3] =	stream.indirect_vreg.scatter [tilespmem:s29], [sflag:$0x1], $0x80, v11, vm1, $0xb8;
	[tilespmem:$0x11700] =	vst v63  }
0x1de: {  	_ = 	snop  }
0x1df: {  	[hbm4b:s5+s3] =	stream.indirect_vreg.scatter [tilespmem:s30], [sflag:$0x1], $0x80, v10, vm1, $0xb8;
	[tilespmem:$0x11700] =	vst v63  }
0x1e0: {  	_ = 	snop  }
0x1e1: {  	[hbm4b:s8+s3] =	stream.indirect_vreg.scatter [tilespmem:s31], [sflag:$0x1], $0x80, v10, vm1, $0xb8;
	[tilespmem:$0x11700] =	vst v63  }
0x1e2: {  	s19 =	simm.s32 $0x6F00  }
0x1e3: {  	[hbm4b:s9+s3] =	stream.indirect_vreg.scatter [tilespmem:s19], [sflag:$0x1], $0x80, v10, vm1, $0xb8;
	[tilespmem:$0x11700] =	vst v63  }
0x1e4: {  	v10 =	vld [tilespmem:$0x15A0];
	_ =	sdelay $0x4  }
0x1e5: {  	v11 =	vshrl.u32 v10, $0x3  }
0x1e6: {  	v11 =	vmul.u32 $0x30, v11  }
0x1e7: {  	v10 =	vand.u32 $0x7, v10  }
0x1e8: {  	v10 =	vor.u32 v10, v11  }
0x1e9: {  	v11 =	vperm.xlane v10, v3;
	_ =	sdelay $0x1  }
0x1ea: {  	v11 =	vadd.s32 v5, v11;
	_ =	sdelay $0x3  }
0x1eb: {  	v10 =	vperm.xlane v10, v6  }
0x1ec: {  	[hbm4b:s5+s3] =	stream.indirect_vreg.scatter [tilespmem:s4], [sflag:$0x1], $0x80, v11, vm1, $0xb8;
	[tilespmem:$0x11700] =	vst v63  }
0x1ed: {  	s2 =	simm.s32 $0x7F00;
	v10 =	vadd.s32 v5, v10  }
0x1ee: {  	[hbm4b:s8+s3] =	stream.indirect_vreg.scatter [tilespmem:s2], [sflag:$0x1], $0x80, v11, vm1, $0xb8;
	[tilespmem:$0x11700] =	vst v63  }
0x1ef: {  	_ = 	snop  }
0x1f0: {  	[hbm4b:s9+s3] =	stream.indirect_vreg.scatter [tilespmem:s13], [sflag:$0x1], $0x80, v11, vm1, $0xb8;
	[tilespmem:$0x11700] =	vst v63  }
0x1f1: {  	_ = 	snop  }
0x1f2: {  	[hbm4b:s5+s3] =	stream.indirect_vreg.scatter [tilespmem:s14], [sflag:$0x1], $0x80, v10, vm1, $0xb8;
	[tilespmem:$0x11700] =	vst v63  }
0x1f3: {  	_ = 	snop  }
0x1f4: {  	[hbm4b:s8+s3] =	stream.indirect_vreg.scatter [tilespmem:s15], [sflag:$0x1], $0x80, v10, vm1, $0xb8;
	[tilespmem:$0x11700] =	vst v63  }
0x1f5: {  	_ = 	snop  }
0x1f6: {  	[hbm4b:s9+s3] =	stream.indirect_vreg.scatter [tilespmem:s16], [sflag:$0x1], $0x80, v10, vm1, $0xb8;
	[tilespmem:$0x11700] =	vst v63  }
0x1f7: {  	v10 =	vld [tilespmem:$0x15B0];
	_ =	sdelay $0x4  }
0x1f8: {  	v11 =	vshrl.u32 v10, $0x3  }
0x1f9: {  	v11 =	vmul.u32 $0x30, v11  }
0x1fa: {  	v10 =	vand.u32 $0x7, v10  }
0x1fb: {  	v10 =	vor.u32 v10, v11  }
0x1fc: {  	v11 =	vperm.xlane v10, v3;
	_ =	sdelay $0x1  }
0x1fd: {  	v11 =	vadd.s32 v5, v11;
	_ =	sdelay $0x3  }
0x1fe: {  	v10 =	vperm.xlane v10, v6  }
0x1ff: {  	[hbm4b:s5+s3] =	stream.indirect_vreg.scatter [tilespmem:s6], [sflag:$0x1], $0x80, v11, vm1, $0xb8;
	[tilespmem:$0x11700] =	vst v63  }
0x200: {  	v10 =	vadd.s32 v5, v10  }
0x201: {  	[hbm4b:s8+s3] =	stream.indirect_vreg.scatter [tilespmem:s12], [sflag:$0x1], $0x80, v11, vm1, $0xb8;
	[tilespmem:$0x11700] =	vst v63  }
0x202: {  	_ = 	snop  }
0x203: {  	[hbm4b:s9+s3] =	stream.indirect_vreg.scatter [tilespmem:s17], [sflag:$0x1], $0x80, v11, vm1, $0xb8;
	[tilespmem:$0x11700] =	vst v63  }
0x204: {  	_ = 	snop  }
0x205: {  	[hbm4b:s5+s3] =	stream.indirect_vreg.scatter [tilespmem:s18], [sflag:$0x1], $0x80, v10, vm1, $0xb8;
	[tilespmem:$0x11700] =	vst v63  }
0x206: {  	_ = 	snop  }
0x207: {  	[hbm4b:s8+s3] =	stream.indirect_vreg.scatter [tilespmem:s10], [sflag:$0x1], $0x80, v10, vm1, $0xb8;
	[tilespmem:$0x11700] =	vst v63  }
0x208: {  	_ = 	snop  }
0x209: {  	[hbm4b:s9+s3] =	stream.indirect_vreg.scatter [tilespmem:s7], [sflag:$0x1], $0x80, v10, vm1, $0xb8;
	[tilespmem:$0x11700] =	vst v63  }
0x20a: {  	v10 =	vld [tilespmem:$0x1600];
	_ =	sdelay $0x4  }
0x20b: {  	v11 =	vshrl.u32 v10, $0x3  }
0x20c: {  	v11 =	vmul.u32 $0x30, v11  }
0x20d: {  	v10 =	vand.u32 $0x7, v10  }
0x20e: {  	v10 =	vor.u32 v10, v11  }
0x20f: {  	v11 =	vperm.xlane v10, v3;
	_ =	sdelay $0x1  }
0x210: {  	v11 =	vadd.s32 v5, v11;
	_ =	sdelay $0x3  }
0x211: {  	v10 =	vperm.xlane v10, v6  }
0x212: {  	[hbm4b:s5+s3] =	stream.indirect_vreg.scatter [tilespmem:s20], [sflag:$0x1], $0x80, v11, vm1, $0xb8;
	[tilespmem:$0x11700] =	vst v63  }
0x213: {  	v10 =	vadd.s32 v5, v10  }
0x214: {  	[hbm4b:s8+s3] =	stream.indirect_vreg.scatter [tilespmem:s21], [sflag:$0x1], $0x80, v11, vm1, $0xb8;
	[tilespmem:$0x11700] =	vst v63  }
0x215: {  	_ = 	snop  }
0x216: {  	[hbm4b:s9+s3] =	stream.indirect_vreg.scatter [tilespmem:s22], [sflag:$0x1], $0x80, v11, vm1, $0xb8;
	[tilespmem:$0x11700] =	vst v63  }
0x217: {  	_ = 	snop  }
0x218: {  	[hbm4b:s5+s3] =	stream.indirect_vreg.scatter [tilespmem:s23], [sflag:$0x1], $0x80, v10, vm1, $0xb8;
	[tilespmem:$0x11700] =	vst v63  }
0x219: {  	_ = 	snop  }
0x21a: {  	[hbm4b:s8+s3] =	stream.indirect_vreg.scatter [tilespmem:s24], [sflag:$0x1], $0x80, v10, vm1, $0xb8;
	[tilespmem:$0x11700] =	vst v63  }
0x21b: {  	_ = 	snop  }
0x21c: {  	[hbm4b:s9+s3] =	stream.indirect_vreg.scatter [tilespmem:s25], [sflag:$0x1], $0x80, v10, vm1, $0xb8;
	[tilespmem:$0x11700] =	vst v63  }
0x21d: {  	v10 =	vld [tilespmem:$0x1610];
	_ =	sdelay $0x4  }
0x21e: {  	v11 =	vshrl.u32 v10, $0x3  }
0x21f: {  	v11 =	vmul.u32 $0x30, v11  }
0x220: {  	v10 =	vand.u32 $0x7, v10  }
0x221: {  	v10 =	vor.u32 v10, v11  }
0x222: {  	v11 =	vperm.xlane v10, v3;
	_ =	sdelay $0x1  }
0x223: {  	v11 =	vadd.s32 v5, v11;
	_ =	sdelay $0x3  }
0x224: {  	v10 =	vperm.xlane v10, v6  }
0x225: {  	[hbm4b:s5+s3] =	stream.indirect_vreg.scatter [tilespmem:s26], [sflag:$0x1], $0x80, v11, vm1, $0xb8;
	[tilespmem:$0x11700] =	vst v63  }
0x226: {  	v10 =	vadd.s32 v5, v10  }
0x227: {  	[hbm4b:s8+s3] =	stream.indirect_vreg.scatter [tilespmem:s28], [sflag:$0x1], $0x80, v11, vm1, $0xb8;
	[tilespmem:$0x11700] =	vst v63  }
0x228: {  	_ = 	snop  }
0x229: {  	[hbm4b:s9+s3] =	stream.indirect_vreg.scatter [tilespmem:s29], [sflag:$0x1], $0x80, v11, vm1, $0xb8;
	[tilespmem:$0x11700] =	vst v63  }
0x22a: {  	_ = 	snop  }
0x22b: {  	[hbm4b:s5+s3] =	stream.indirect_vreg.scatter [tilespmem:s30], [sflag:$0x1], $0x80, v10, vm1, $0xb8;
	[tilespmem:$0x11700] =	vst v63  }
0x22c: {  	_ = 	snop  }
0x22d: {  	[hbm4b:s8+s3] =	stream.indirect_vreg.scatter [tilespmem:s31], [sflag:$0x1], $0x80, v10, vm1, $0xb8;
	[tilespmem:$0x11700] =	vst v63  }
0x22e: {  	_ = 	snop  }
0x22f: {  	[hbm4b:s9+s3] =	stream.indirect_vreg.scatter [tilespmem:s19], [sflag:$0x1], $0x80, v10, vm1, $0xb8;
	[tilespmem:$0x11700] =	vst v63  }
0x230: {  	v10 =	vld [tilespmem:$0x1620];
	_ =	sdelay $0x4  }
0x231: {  	v11 =	vshrl.u32 v10, $0x3  }
0x232: {  	v11 =	vmul.u32 $0x30, v11  }
0x233: {  	v10 =	vand.u32 $0x7, v10  }
0x234: {  	v10 =	vor.u32 v10, v11  }
0x235: {  	v11 =	vperm.xlane v10, v3;
	_ =	sdelay $0x1  }
0x236: {  	v11 =	vadd.s32 v5, v11;
	_ =	sdelay $0x3  }
0x237: {  	v10 =	vperm.xlane v10, v6  }
0x238: {  	[hbm4b:s5+s3] =	stream.indirect_vreg.scatter [tilespmem:s4], [sflag:$0x1], $0x80, v11, vm1, $0xb8;
	[tilespmem:$0x11700] =	vst v63  }
0x239: {  	v10 =	vadd.s32 v5, v10  }
0x23a: {  	[hbm4b:s8+s3] =	stream.indirect_vreg.scatter [tilespmem:s2], [sflag:$0x1], $0x80, v11, vm1, $0xb8;
	[tilespmem:$0x11700] =	vst v63  }
0x23b: {  	_ = 	snop  }
0x23c: {  	[hbm4b:s9+s3] =	stream.indirect_vreg.scatter [tilespmem:s13], [sflag:$0x1], $0x80, v11, vm1, $0xb8;
	[tilespmem:$0x11700] =	vst v63  }
0x23d: {  	_ = 	snop  }
0x23e: {  	[hbm4b:s5+s3] =	stream.indirect_vreg.scatter [tilespmem:s14], [sflag:$0x1], $0x80, v10, vm1, $0xb8;
	[tilespmem:$0x11700] =	vst v63  }
0x23f: {  	_ = 	snop  }
0x240: {  	[hbm4b:s8+s3] =	stream.indirect_vreg.scatter [tilespmem:s15], [sflag:$0x1], $0x80, v10, vm1, $0xb8;
	[tilespmem:$0x11700] =	vst v63  }
0x241: {  	_ = 	snop  }
0x242: {  	[hbm4b:s9+s3] =	stream.indirect_vreg.scatter [tilespmem:s16], [sflag:$0x1], $0x80, v10, vm1, $0xb8;
	[tilespmem:$0x11700] =	vst v63  }
0x243: {  	v10 =	vld [tilespmem:$0x1630];
	_ =	sdelay $0x4  }
0x244: {  	v11 =	vshrl.u32 v10, $0x3  }
0x245: {  	v11 =	vmul.u32 $0x30, v11  }
0x246: {  	v10 =	vand.u32 $0x7, v10  }
0x247: {  	v10 =	vor.u32 v10, v11  }
0x248: {  	v11 =	vperm.xlane v10, v3;
	_ =	sdelay $0x1  }
0x249: {  	v11 =	vadd.s32 v5, v11;
	_ =	sdelay $0x3  }
0x24a: {  	v10 =	vperm.xlane v10, v6  }
0x24b: {  	[hbm4b:s5+s3] =	stream.indirect_vreg.scatter [tilespmem:s6], [sflag:$0x1], $0x80, v11, vm1, $0xb8;
	[tilespmem:$0x11700] =	vst v63  }
0x24c: {  	v10 =	vadd.s32 v5, v10  }
0x24d: {  	[hbm4b:s8+s3] =	stream.indirect_vreg.scatter [tilespmem:s12], [sflag:$0x1], $0x80, v11, vm1, $0xb8;
	[tilespmem:$0x11700] =	vst v63  }
0x24e: {  	_ = 	snop  }
0x24f: {  	[hbm4b:s9+s3] =	stream.indirect_vreg.scatter [tilespmem:s17], [sflag:$0x1], $0x80, v11, vm1, $0xb8;
	[tilespmem:$0x11700] =	vst v63  }
0x250: {  	_ = 	snop  }
0x251: {  	[hbm4b:s5+s3] =	stream.indirect_vreg.scatter [tilespmem:s18], [sflag:$0x1], $0x80, v10, vm1, $0xb8;
	[tilespmem:$0x11700] =	vst v63  }
0x252: {  	_ = 	snop  }
0x253: {  	[hbm4b:s8+s3] =	stream.indirect_vreg.scatter [tilespmem:s10], [sflag:$0x1], $0x80, v10, vm1, $0xb8;
	[tilespmem:$0x11700] =	vst v63  }
0x254: {  	s2 =	simm.s32 $0x2  }
0x255: {  	[hbm4b:s9+s3] =	stream.indirect_vreg.scatter [tilespmem:s7], [sflag:$0x1], $0x80, v10, vm1, $0xb8;
	[tilespmem:$0x11700] =	vst v63  }
0x256: {  	_ =	swait.ge [sflag:s2], $0x2000  }
0x257: {  	[sflag:s2] =	ssyncset.done $0x0  }
0x258: {  	[sflag:s2] =	ssyncadd.s32 $0xFFFFE000  }
0x259: {  	s19 =	simm.s32 $0xD700;
	s4 =	simm.s32 $0x1580;
	s20 =	rddreg [dreg:$0x2]  }
0x25a: {  	[hbm4b:s20+s11] =	stream.indirect.scatter [tilespmem:s19], [sflag:$0x2], $0x80, s4, s11, $0xb8;
	[tilespmem:$0x11700] =	vst v63  }
0x25b: {  	_ =	swait.ge [sflag:s2], $0x2000  }
0x25c: {  	s6 =	simm.s32 $0xF700;
	[sflag:s2] =	ssyncset.done $0x0  }
0x25d: {  	s7 =	simm.s32 $0x1680;
	s19 =	rddreg [dreg:$0x7];
	[sflag:s2] =	ssyncadd.s32 $0xFFFFE000  }
0x25e: {  	[tilespmem:s6], [sflag:$0x2] =	stream.indirect.gather [hbm4b:s19+s11], $0x80, s7, s11, $0xb8;
	[tilespmem:$0x11700] =	vst v63  }
0x25f: {  	_ =	swait.ge [sflag:s2], $0x2000  }
0x260: {  	[sflag:s2] =	ssyncset.done $0x0  }
0x261: {  	s7 =	simm.s32 $0x1600;
	[sflag:s2] =	ssyncadd.s32 $0xFFFFE000  }
0x262: {  	[hbm4b:s20+s11] =	stream.indirect.scatter [tilespmem:s6], [sflag:$0x2], $0x80, s7, s11, $0xb8;
	[tilespmem:$0x11700] =	vst v63  }
0x263: {  	_ =	swait.ge [sflag:s0], $0xC000  }
0x264: {  	[sflag:s0] =	ssyncset.done $0x0  }
0x265: {  	[sflag:s0] =	ssyncadd.s32 $0xFFFF4000  }
0x266: {  	_ =	swait.ge [sflag:s0], $0xC000  }
0x267: {  	[sflag:s0] =	ssyncset.done $0x0  }
0x268: {  	[sflag:s0] =	ssyncadd.s32 $0xFFFF4000  }
0x269: {  	_ =	swait.ge [sflag:s2], $0x2000  }
0x26a: {  	[sflag:s2] =	ssyncset.done $0x0  }
0x26b: {  	s6 =	simm.s32 $0x3;
	s0 =	rddreg [dreg:$0xa];
	[sflag:s2] =	ssyncadd.s32 $0xFFFFE000  }
0x26c: {  	[hbm4b:s0+s3] =	stream.linear.scatter [tilespmem:s4], [sflag:$0x3], $0x40, $0x38;
	[tilespmem:$0x11700] =	vst v63  }
0x26d: {  	_ =	swait.ge [sflag:s6], $0x40  }
0x26e: {  	p0 =	sne.s32 s1, $0x1;
	[sflag:s6] =	ssyncset.done $0x0  }
.Ltmp0:
0x26f: {  	s11 =	rddreg [dreg:$0xb];
	[sflag:s6] =	ssyncadd.s32 $0xFFFFFFC0;
	(pc) =	sbr.rel @p0 .LBB2_1-.Ltmp0, $4  }
0x270: {  	[hbm4b:s11+s3] =	stream.linear.scatter [tilespmem:s7], [sflag:$0x3], $0x40, $0x38;
	[tilespmem:$0x11700] =	vst v63  }
0x271: {  	_ =	swait.ge [sflag:s6], $0x40  }
0x272: {  	s20 =	simm.s32 $0x3;
	[sflag:s6] =	ssyncset.done $0x0  }
0x273: {  	s1 =	sadd.s32 $0xFFFFFFFF, s1;
	[sflag:s20] =	ssyncadd.s32 $0xFFFFFFC0  }
0x274: {  	_ =	sfence.sel $0x180000  }
0x275: {  	[bflag:$0x0] =	sbarrier.arrive $0xFFFF  }
0x276: {  	_ =	strace $0x90000047  }
0x277: {  	s0 =	stileid.u32;
	[bflag:$0x2] =	sbarrier.arrive $0xFFFF  }
0x278: {  	p0 =	sne.s32 s0, $0x0;
	s0 =	rddreg [dreg:$0x3]  }
0x279: {  	s0 =	sadd.s32 @!p0 $0x100000, s0  }
0x27a: {  	[sflag:s0] =	ssyncadd.tile.s32 @!p0 $0x1;
	_ =	shalt  }
.Lfunc_end2:
_tile_overlayer_lowered:
.L_overlay_start_2:
0x27b: {  	(tag) =	ssettag $0x2  }
0x27c: {  	s0 =	rddreg [dreg:$0x0];
	s2 =	stileid.u32  }
0x27d: {  	s1 =	rddreg [dreg:$0x1];
	p0 =	sne.s32 s2, $0x0  }
0x27e: {  	s3 =	rddreg [dreg:$0x2];
	[bflag:$0x3] =	sbarrier.arrive $0xFFFF;
	s2 =	simm.s32 @!p0 $0x1C03  }
0x27f: {  	[timem:s3], [sflag:s2] =	dma.local @!p0 [hbm:s0], s1  }
0x280: {  	s0 =	simm.s32 @!p0 $0x3  }
0x281: {  	_ =	swait.ge @!p0 [sflag:s0], s1  }
0x282: {  	s1 =	ssub.s32 @!p0 $0x0, s1;
	[sflag:s0] =	ssyncset.done @!p0 $0x0  }
0x283: {  	[sflag:s0] =	ssyncadd.s32 @!p0 s1  }
0x284: {  	[bflag:$0x3] =	sbarrier.arrive $0xFFFF  }
0x285: {  	_ =	shalt  }

// kernel: kernel.9.cloned.1.call-start
scs
__scs_entry_jumppad:
0x0: {  	(pc) =	sbr.rel $0x88, $3  }
0x1: {  	(tag) =	ssettag $0x0;
	lr =	simm.s32 $0x1  }
0x2: {  	[smem:$0x3F99] =	sst lr;
	_ =	strace $0xD0000000  }
0x3: {  	_ = 	snop  }
0x4: {  	_ = 	snop  }
0x5: {  	_ = 	snop  }
0x6: {  	_ = 	snop  }
0x7: {  	_ = 	snop  }
__scs_overlays_trampoline_lowered:
0x8: {  	[smem:$0x3FA8] =	sst s0  }
0x9: {  	[smem:$0x3FA9] =	sst s1  }
0xa: {  	[smem:$0x3FAA] =	sst s2  }
0xb: {  	[smem:$0x3FAB] =	sst s3  }
0xc: {  	[smem:$0x3FAC] =	sst s4  }
0xd: {  	[smem:$0x3FAD] =	sst s5  }
0xe: {  	[smem:$0x3FAE] =	sst s6  }
0xf: {  	[smem:$0x3FAF] =	sst s7  }
0x10: {  	[smem:$0x3FB0] =	sst s8  }
0x11: {  	[smem:$0x3FB1] =	sst s9;
	s0 =	simm.s32 @!p0 $0x0  }
0x12: {  	s1 =	sld [smem:$0x3F97];
	s0 =	simm.s32 @p0 $0x1  }
0x13: {  	[smem:$0x3FB2] =	sst s0;
	s0 =	simm.s32 @!p1 $0x0  }
0x14: {  	s2 =	sld [smem:$0x3F96];
	s0 =	simm.s32 @p1 $0x1  }
0x15: {  	[smem:$0x3FB3] =	sst s0;
	s0 =	simm.s32 @!p2 $0x0  }
0x16: {  	s3 =	sld [smem:$0x3FDB];
	s0 =	simm.s32 @p2 $0x1  }
0x17: {  	s4 =	simm.s32 $0x1BF5;
	[smem:$0x3FB5] =	sst s0  }
0x18: {  	s0 =	sld [smem:$0x3F98];
	_ =	swait.ge [sflag:s4], $0x0  }
0x19: {  	s7 =	sld [smem:$0x3F99]  }
0x1a: {  	s8 =	sadd.s32 $0xFFFFE003, lr  }
0x1b: {  	s9 =	sadd.s32 $0xFFFFFEF7, lr;
	s5 =	simm.s32 $0xFFFFFFFF;
	p2 =	slt.u32 s8, $0xFFFFF086  }
0x1c: {  	p1 =	slt.u32 s9, $0xF7A;
	s5 =	simm.s32 @!p2 $0x0  }
0x1d: {  	s5 =	simm.s32 @p1 $0x1;
	p0 =	seq.s32 s7, s2  }
0x1e: {  	s7 =	smul.u32 @!p0 $0xF7A, s2;
	p2 =	seq.s32 @!p0 s5, $0x0  }
0x1f: {  	s9 =	smul.u32 $0xF7A, s1;
	s8 =	simm.s32 @!p0 $0x1BF5;
	p2 =	por !p2, p0  }
0x20: {  	[sflag:s8] =	ssyncset.s32 @!p0 $0xFFFFF086;
	s6 =	sadd.s32 @!p0 s3, s7;
	s7 =	simm.s32 @!p0 $0x108  }
0x21: {  	s3 =	sadd.s32 s3, s9;
	s6 =	sadd.s32 @!p0 $0x88, s6;
	s7 =	simm.s32 @p2 $0x1082  }
0x22: {  	[simem:s7], [sflag:s8] =	dma.local @!p0 [hbm:s6], $0xF7A  }
0x23: {  	s9 =	sor.u32 $0xD0000000, s2;
	s6 =	simm.s32 $0x108;
	_ =	swait.ge @!p0 [sflag:s8], $0x0  }
0x24: {  	s3 =	sadd.s32 $0x88, s3;
	s6 =	simm.s32 @!p1 $0x1082;
	[sflag:s4] =	ssyncset.s32 $0xFFFFF086  }
0x25: {  	[simem:s6], [sflag:s4] =	dma.local [hbm:s3], $0xF7A  }
0x26: {  	[smem:$0x3F99] =	sst s1;
	(tag) =	ssettag s2;
	_ =	strace s9  }
0x27: {  	s1 =	sld [smem:$0x3FA9]  }
0x28: {  	s2 =	sld [smem:$0x3FAA]  }
0x29: {  	s4 =	sld [smem:$0x3FAC]  }
0x2a: {  	p0 =	seq.s32 s5, $0x0;
	s5 =	sld [smem:$0x3FAD]  }
0x2b: {  	s6 =	sld [smem:$0x3FAE]  }
0x2c: {  	s7 =	sld [smem:$0x3FAF]  }
0x2d: {  	s3 =	simm.s32 $0x108;
	s8 =	sld [smem:$0x3FB0]  }
0x2e: {  	s3 =	simm.s32 @!p0 $0x1082;
	s9 =	sld [smem:$0x3FB1]  }
0x2f: {  	lr =	sadd.s32 s0, s3;
	s0 =	sld [smem:$0x3FA8]  }
0x30: {  	s3 =	sld [smem:$0x3FAB]  }
0x31: {  	[smem:$0x3FB4] =	sst s10  }
0x32: {  	s10 =	sld [smem:$0x3FB2];
	_ =	sdelay $0x3  }
0x33: {  	p0 =	seq.s32 s10, $0x1;
	s10 =	sld [smem:$0x3FB4];
	_ =	sdelay $0x3  }
0x34: {  	[smem:$0x3FB4] =	sst s10  }
0x35: {  	s10 =	sld [smem:$0x3FB3];
	_ =	sdelay $0x3  }
0x36: {  	p1 =	seq.s32 s10, $0x1;
	s10 =	sld [smem:$0x3FB4];
	_ =	sdelay $0x3  }
0x37: {  	[smem:$0x3FB4] =	sst s10  }
0x38: {  	s10 =	sld [smem:$0x3FB5]  }
0x39: {  	_ = 	snop;
	(pc) =	sbr.ind lr, $3  }
0x3a: {  	_ = 	snop  }
0x3b: {  	_ = 	snop  }
0x3c: {  	p2 =	seq.s32 s10, $0x1;
	s10 =	sld [smem:$0x3FB4]  }
0x3d: {  	_ =	shalt  }
0x3e: {  	_ =	shalt  }
0x3f: {  	_ =	shalt  }
0x40: {  	_ =	shalt  }
0x41: {  	_ =	shalt  }
0x42: {  	_ =	shalt  }
0x43: {  	_ =	shalt  }
0x44: {  	_ =	shalt  }
0x45: {  	_ =	shalt  }
0x46: {  	_ =	shalt  }
0x47: {  	_ =	shalt  }
0x48: {  	_ =	shalt  }
0x49: {  	_ =	shalt  }
0x4a: {  	_ =	shalt  }
0x4b: {  	_ =	shalt  }
0x4c: {  	_ =	shalt  }
0x4d: {  	_ =	shalt  }
0x4e: {  	_ =	shalt  }
0x4f: {  	_ =	shalt  }
0x50: {  	_ =	shalt  }
0x51: {  	_ =	shalt  }
0x52: {  	_ =	shalt  }
0x53: {  	_ =	shalt  }
0x54: {  	_ =	shalt  }
0x55: {  	_ =	shalt  }
0x56: {  	_ =	shalt  }
0x57: {  	_ =	shalt  }
0x58: {  	_ =	shalt  }
0x59: {  	_ =	shalt  }
0x5a: {  	_ =	shalt  }
0x5b: {  	_ =	shalt  }
0x5c: {  	_ =	shalt  }
0x5d: {  	_ =	shalt  }
0x5e: {  	_ =	shalt  }
0x5f: {  	_ =	shalt  }
0x60: {  	_ =	shalt  }
0x61: {  	_ =	shalt  }
0x62: {  	_ =	shalt  }
0x63: {  	_ =	shalt  }
0x64: {  	_ =	shalt  }
0x65: {  	_ =	shalt  }
0x66: {  	_ =	shalt  }
0x67: {  	_ =	shalt  }
0x68: {  	_ =	shalt  }
0x69: {  	_ =	shalt  }
0x6a: {  	_ =	shalt  }
0x6b: {  	_ =	shalt  }
0x6c: {  	_ =	shalt  }
0x6d: {  	_ =	shalt  }
0x6e: {  	_ =	shalt  }
0x6f: {  	_ =	shalt  }
0x70: {  	_ =	shalt  }
0x71: {  	_ =	shalt  }
0x72: {  	_ =	shalt  }
0x73: {  	_ =	shalt  }
0x74: {  	_ =	shalt  }
0x75: {  	_ =	shalt  }
0x76: {  	_ =	shalt  }
0x77: {  	_ =	shalt  }
0x78: {  	_ =	shalt  }
0x79: {  	_ =	shalt  }
0x7a: {  	_ =	shalt  }
0x7b: {  	_ =	shalt  }
0x7c: {  	_ =	shalt  }
0x7d: {  	_ =	shalt  }
0x7e: {  	_ =	shalt  }
0x7f: {  	_ =	shalt  }
0x80: {  	_ =	shalt  }
0x81: {  	_ =	shalt  }
0x82: {  	_ =	shalt  }
0x83: {  	_ =	shalt  }
0x84: {  	_ =	shalt  }
0x85: {  	_ =	shalt  }
0x86: {  	_ =	shalt  }
0x87: {  	_ =	shalt  }
.Lfunc_end0:
.L_simem_size_0:
called_computation.1_lowered:
.L_overlay_start_0:
0x88: {  	s2 =	sld [smem:$0x3FD9]  }
0x89: {  	s3 =	sld [smem:$0x3FFE];
	_ =	sdelay $0x1  }
0x8a: {  	s1 =	srdreg.scid  }
0x8b: {  	s0 =	sand.u32 $0x1, s1  }
0x8c: {  	s17 =	sshll.u32 s0, $0xA;
	s2 =	sadd.s32 s3, s2  }
0x8d: {  	s2 =	sadd.s32 s2, s17  }
0x8e: {  	[smem:$0x3FC0] =	sst s2  }
0x8f: {  	_ = 	snop  }
0x90: {  	s2 =	sld [smem:$0x3FD0];
	(tm) =	ssettm $0x1  }
0x91: {  	s18 =	sld [smem:$0x3FFB];
	_ =	sdelay $0x3  }
0x92: {  	_ =	strace s18  }
0x93: {  	s3 =	sld [smem:$0x3FFC];
	_ =	sdelay $0x3  }
0x94: {  	_ =	strace s3  }
0x95: {  	s3 =	sld [smem:$0x3FFD];
	_ =	sdelay $0x3  }
0x96: {  	_ =	strace s3  }
0x97: {  	_ =	strace $0x8FFFFFFF  }
0x98: {  	s19 =	sld [smem:$0x3FDB];
	_ =	sdelay $0x1  }
0x99: {  	s4 =	simm.s32 $_scs_section_size  }
0x9a: {  	s5 =	simm.s32 $_size__tile_overlayer_lowered;
	s6 =	simm.s32 $_tile_overlayer_lowered  }
0x9b: {  	s22 =	simm.s32 $0x1BFF;
	s21 =	sshll.u32 s6, $0x1;
	s3 =	sadd.s32 s4, s19  }
0x9c: {  	s7 =	simm.s32 $0x0;
	s20 =	sshll.u32 s5, $0x1;
	s5 =	sadd.s32 s21, s3  }
0x9d: {  	[timem:s7], [sflag:s22] =	dma.local [hbm:s5], s20  }
0x9e: {  	_ =	swait.ge [sflag:s22], s20  }
0x9f: {  	s4 =	ssub.s32 $0x0, s20;
	[sflag:s22] =	ssyncset.done $0x0  }
0xa0: {  	[sflag:s22] =	ssyncadd.s32 s4;
	_ =	sdelay $0x1  }
0xa1: {  	s23 =	simm.s32 $0x1B8B  }
0xa2: {  	_ =	swait.ge [sflag:s23], $0x1  }
0xa3: {  	[sflag:s23] =	ssyncset.done $0x0  }
0xa4: {  	s25 =	simm.s32 $0x1B8E;
	s24 =	sld [smem:$0x3FFE];
	[sflag:s23] =	ssyncadd.s32 $0xFFFFFFFF  }
0xa5: {  	s26 =	simm.s32 $execute0_lowered;
	[smem:$0x3FD2] =	sst s25  }
0xa6: {  	s5 =	sshll.u32 s26, $0x1;
	_ =	strace $0x80000049;
	[dreg:$0x1] =	wrdreg $0xFFFFFFFF  }
0xa7: {  	s28 =	simm.s32 $_size_execute0_lowered;
	s3 =	sadd.s32 s3, s5;
	[dreg:$0x0] =	wrdreg $0x0  }
0xa8: {  	s5 =	sshll.u32 s28, $0x1;
	[dreg:$0x2] =	wrdreg s3  }
0xa9: {  	[dreg:$0x3] =	wrdreg s5  }
0xaa: {  	[dreg:$0x4] =	wrdreg $0xC0  }
0xab: {  	_ =	task [dreg:s7], $0x5FFFF  }
0xac: {  	[dreg:$0x1] =	wrdreg $0xFFFFFFFF  }
0xad: {  	[dreg:$0x0] =	wrdreg $0x60  }
0xae: {  	[dreg:$0x2] =	wrdreg s24  }
0xaf: {  	[dreg:$0x3] =	wrdreg s2  }
0xb0: {  	[dreg:$0x4] =	wrdreg $0x9  }
0xb1: {  	_ =	task.clear_ibuf [dreg:s7], $0x5FFFF;
	_ =	strace $0x90000049  }
0xb2: {  	s29 =	simm.s32 $0x9;
	_ =	strace $0x8000004B  }
0xb3: {  	_ =	swait.ge [sflag:s29], $0x1  }
0xb4: {  	[sflag:s29] =	ssyncadd.s32 $0xFFFFFFFF  }
0xb5: {  	_ =	strace $0x9000004B  }
0xb6: {  	_ =	sfence  }
0xb7: {  	s30 =	sld [smem:$0x0];
	_ =	sdelay $0x2  }
0xb8: {  	s31 =	sshll.u32 s1, $0xD;
	s1 =	sshrl.u32 s1, $0x2  }
0xb9: {  	s3 =	sand.u32 $0x4000, s31;
	s1 =	sadd.s32 s1, s30  }
0xba: {  	s0 =	sor.u32 s3, s0;
	s1 =	sshll.u32 s1, $0x11  }
0xbb: {  	s0 =	sor.u32 s1, s0  }
0xbc: {  	s0 =	sadd.s32 $0x8F2B, s0  }
0xbd: {  	[sflag:s0] =	ssyncadd.remote.s32 $0x1  }
0xbe: {  	_ =	sfence.sel $0xFFFF  }
0xbf: {  	[dreg:$0x0] =	wrdreg $0xFFFFFFFF;
	(pc) =	sbr.abs _section_cstart, $3  }
0xc0: {  	[dreg:$0x1] =	wrdreg $0xFFFFFFFF  }
0xc1: {  	_ =	task.clear_ibuf [dreg:s7], $0x2FFFF;
	_ =	strace $0x9FFFFFFF  }
0xc2: {  	(tm) =	ssettm $0x7FFFFFFF  }
0xc3: {  	_ =	shalt  }
tec
execute0_lowered:
.L_overlay_start_1:
0x0: {  	(tag) =	ssettag $0x1  }
0x1: {  	s0 =	rddreg [dreg:$0x0]  }
0x2: {  	s1 =	rddreg [dreg:$0x1];
	s2 =	simm.s32 $0x0  }
0x3: {  	s3 =	srdreg.scid;
	s5 =	stileid.u32;
	s10 =	simm.s32 $0x3  }
0x4: {  	s12 =	simm.s32 $0x100;
	s29 =	simm.s32 $0x12900;
	s30 =	simm.s32 $0x13100  }
0x5: {  	s31 =	simm.s32 $0x13900;
	s11 =	simm.s32 $0x15100;
	s13 =	simm.s32 $0x15900  }
0x6: {  	s14 =	simm.s32 $0x16100;
	s15 =	simm.s32 $0x16900;
	s16 =	simm.s32 $0x17100  }
0x7: {  	s17 =	simm.s32 $0x17900;
	s18 =	simm.s32 $0x1;
	s19 =	simm.s32 $0x2  }
0x8: {  	s20 =	simm.s32 $0x0;
	[smem:$0x7FF] =	sst s2;
	s4 =	sand.u32 $0x1, s3  }
0x9: {  	s5 =	sshll.u32 s5, $0x4;
	s3 =	sadd.s32 $0x1A00, s0;
	s6 =	sshll.u32 s4, $0x3  }
0xa: {  	_ =	strace $0x8000004A;
	s4 =	ssub.s32 $0x2, s4;
	s5 =	sor.u32 s6, s5  }
0xb: {  	s7 =	sshrl.u32 s4, $0x1;
	s6 =	sadd.s32 s5, s0;
	s8 =	smul.u32 $0x300, s5  }
0xc: {  	v2 =	vlaneseq.u32;
	s9 =	ssub.s32 s4, s7;
	s7 =	sadd.s32 $0x1C00, s0;
	s4 =	sadd.s32 $0xA2200, s6  }
0xd: {  	vm0 =	vmmov $0xffff;
	v1 =	vshrl.u32 v2, $0x3;
	s5 =	sadd.s32 $0xA2400, s6;
	s6 =	sadd.s32 $0x1B00, s0;
	s9 =	smax.u32 s9, $0x1  }
0xe: {  	v0 =	vand.u32 $0x7, v2;
	v2 =	vor.u32 $0x8, v2;
	v1 =	vmul.u32 $0x8, v1;
	s0 =	simm.s32 $0x14100;
	s8 =	sadd.s32 s1, s8;
	s1 =	simm.s32 $0x14900  }
.LBB2_1:
0xf: {  	[tilespmem:s2], [sflag:$0x3] =	stream.linear.gather [hbm4b:s4+s2], $0x40, $0x38;
	[tilespmem:$0x18100] =	vst v63  }
0x10: {  	_ =	swait.ge [sflag:s10], $0x40  }
0x11: {  	[sflag:s10] =	ssyncset.done $0x0  }
0x12: {  	s21 =	simm.s32 $0x80;
	[sflag:s10] =	ssyncadd.s32 $0xFFFFFFC0  }
0x13: {  	[tilespmem:s21], [sflag:$0x3] =	stream.linear.gather [hbm4b:s5+s2], $0x40, $0x38;
	[tilespmem:$0x18100] =	vst v63  }
0x14: {  	_ =	swait.ge [sflag:s10], $0x40  }
0x15: {  	[sflag:s10] =	ssyncset.done $0x0  }
0x16: {  	[sflag:s10] =	ssyncadd.s32 $0xFFFFFFC0  }
0x17: {  	v3 =	vld [tilespmem:$0x0];
	_ =	sdelay $0x4  }
0x18: {  	v4 =	vshrl.u32 v3, $0x3  }
0x19: {  	v4 =	vmul.u32 $0x30, v4  }
0x1a: {  	v3 =	vand.u32 $0x7, v3  }
0x1b: {  	v3 =	vor.u32 v3, v4  }
0x1c: {  	v4 =	vperm.xlane v3, v0;
	_ =	sdelay $0x1  }
0x1d: {  	v4 =	vadd.s32 v1, v4;
	_ =	sdelay $0x3  }
0x1e: {  	v3 =	vperm.xlane v3, v2  }
0x1f: {  	[tilespmem:s12], [sflag:$0x1] =	stream.indirect_vreg.gather [hbm4b:s3+s2], $0x80, v4, vm0, $0xb8;
	[tilespmem:$0x18100] =	vst v63  }
0x20: {  	s22 =	simm.s32 $0x900;
	v3 =	vadd.s32 v1, v3  }
0x21: {  	[tilespmem:s22], [sflag:$0x1] =	stream.indirect_vreg.gather [hbm4b:s6+s2], $0x80, v4, vm0, $0xb8;
	[tilespmem:$0x18100] =	vst v63  }
0x22: {  	s23 =	simm.s32 $0x1100  }
0x23: {  	[tilespmem:s23], [sflag:$0x1] =	stream.indirect_vreg.gather [hbm4b:s7+s2], $0x80, v4, vm0, $0xb8;
	[tilespmem:$0x18100] =	vst v63  }
0x24: {  	s24 =	simm.s32 $0x1900  }
0x25: {  	[tilespmem:s24], [sflag:$0x1] =	stream.indirect_vreg.gather [hbm4b:s3+s2], $0x80, v3, vm0, $0xb8;
	[tilespmem:$0x18100] =	vst v63  }
0x26: {  	s25 =	simm.s32 $0x2100  }
0x27: {  	[tilespmem:s25], [sflag:$0x1] =	stream.indirect_vreg.gather [hbm4b:s6+s2], $0x80, v3, vm0, $0xb8;
	[tilespmem:$0x18100] =	vst v63  }
0x28: {  	s26 =	simm.s32 $0x2900  }
0x29: {  	[tilespmem:s26], [sflag:$0x1] =	stream.indirect_vreg.gather [hbm4b:s7+s2], $0x80, v3, vm0, $0xb8;
	[tilespmem:$0x18100] =	vst v63  }
0x2a: {  	v3 =	vld [tilespmem:$0x10];
	_ =	sdelay $0x4  }
0x2b: {  	v57 =	vshrl.u32 v3, $0x3  }
0x2c: {  	v4 =	vmul.u32 $0x30, v57  }
0x2d: {  	v3 =	vand.u32 $0x7, v3  }
0x2e: {  	v3 =	vor.u32 v3, v4  }
0x2f: {  	v4 =	vperm.xlane v3, v0;
	_ =	sdelay $0x1  }
0x30: {  	v4 =	vadd.s32 v1, v4;
	_ =	sdelay $0x3  }
0x31: {  	s28 =	simm.s32 $0x3100;
	v3 =	vperm.xlane v3, v2  }
0x32: {  	[tilespmem:s28], [sflag:$0x1] =	stream.indirect_vreg.gather [hbm4b:s3+s2], $0x80, v4, vm0, $0xb8;
	[tilespmem:$0x18100] =	vst v63  }
0x33: {  	s22 =	simm.s32 $0x3900;
	v3 =	vadd.s32 v1, v3  }
0x34: {  	[tilespmem:s22], [sflag:$0x1] =	stream.indirect_vreg.gather [hbm4b:s6+s2], $0x80, v4, vm0, $0xb8;
	[tilespmem:$0x18100] =	vst v63  }
0x35: {  	s23 =	simm.s32 $0x4100  }
0x36: {  	[tilespmem:s23], [sflag:$0x1] =	stream.indirect_vreg.gather [hbm4b:s7+s2], $0x80, v4, vm0, $0xb8;
	[tilespmem:$0x18100] =	vst v63  }
0x37: {  	s24 =	simm.s32 $0x4900  }
0x38: {  	[tilespmem:s24], [sflag:$0x1] =	stream.indirect_vreg.gather [hbm4b:s3+s2], $0x80, v3, vm0, $0xb8;
	[tilespmem:$0x18100] =	vst v63  }
0x39: {  	s25 =	simm.s32 $0x5100  }
0x3a: {  	[tilespmem:s25], [sflag:$0x1] =	stream.indirect_vreg.gather [hbm4b:s6+s2], $0x80, v3, vm0, $0xb8;
	[tilespmem:$0x18100] =	vst v63  }
0x3b: {  	s26 =	simm.s32 $0x5900  }
0x3c: {  	[tilespmem:s26], [sflag:$0x1] =	stream.indirect_vreg.gather [hbm4b:s7+s2], $0x80, v3, vm0, $0xb8;
	[tilespmem:$0x18100] =	vst v63  }
0x3d: {  	v3 =	vld [tilespmem:$0x20];
	_ =	sdelay $0x4  }
0x3e: {  	v58 =	vshrl.u32 v3, $0x3  }
0x3f: {  	v4 =	vmul.u32 $0x30, v58  }
0x40: {  	v3 =	vand.u32 $0x7, v3  }
0x41: {  	v3 =	vor.u32 v3, v4  }
0x42: {  	v4 =	vperm.xlane v3, v0;
	_ =	sdelay $0x1  }
0x43: {  	v4 =	vadd.s32 v1, v4;
	_ =	sdelay $0x3  }
0x44: {  	s28 =	simm.s32 $0x6100;
	v3 =	vperm.xlane v3, v2  }
0x45: {  	[tilespmem:s28], [sflag:$0x1] =	stream.indirect_vreg.gather [hbm4b:s3+s2], $0x80, v4, vm0, $0xb8;
	[tilespmem:$0x18100] =	vst v63  }
0x46: {  	s22 =	simm.s32 $0x6900;
	v3 =	vadd.s32 v1, v3  }
0x47: {  	[tilespmem:s22], [sflag:$0x1] =	stream.indirect_vreg.gather [hbm4b:s6+s2], $0x80, v4, vm0, $0xb8;
	[tilespmem:$0x18100] =	vst v63  }
0x48: {  	s23 =	simm.s32 $0x7100  }
0x49: {  	[tilespmem:s23], [sflag:$0x1] =	stream.indirect_vreg.gather [hbm4b:s7+s2], $0x80, v4, vm0, $0xb8;
	[tilespmem:$0x18100] =	vst v63  }
0x4a: {  	s24 =	simm.s32 $0x7900  }
0x4b: {  	[tilespmem:s24], [sflag:$0x1] =	stream.indirect_vreg.gather [hbm4b:s3+s2], $0x80, v3, vm0, $0xb8;
	[tilespmem:$0x18100] =	vst v63  }
0x4c: {  	s25 =	simm.s32 $0x8100  }
0x4d: {  	[tilespmem:s25], [sflag:$0x1] =	stream.indirect_vreg.gather [hbm4b:s6+s2], $0x80, v3, vm0, $0xb8;
	[tilespmem:$0x18100] =	vst v63  }
0x4e: {  	s26 =	simm.s32 $0x8900  }
0x4f: {  	[tilespmem:s26], [sflag:$0x1] =	stream.indirect_vreg.gather [hbm4b:s7+s2], $0x80, v3, vm0, $0xb8;
	[tilespmem:$0x18100] =	vst v63  }
0x50: {  	v3 =	vld [tilespmem:$0x30];
	_ =	sdelay $0x4  }
0x51: {  	v59 =	vshrl.u32 v3, $0x3  }
0x52: {  	v4 =	vmul.u32 $0x30, v59  }
0x53: {  	v3 =	vand.u32 $0x7, v3  }
0x54: {  	v3 =	vor.u32 v3, v4  }
0x55: {  	v4 =	vperm.xlane v3, v0;
	_ =	sdelay $0x1  }
0x56: {  	v4 =	vadd.s32 v1, v4;
	_ =	sdelay $0x3  }
0x57: {  	s28 =	simm.s32 $0x9100;
	v3 =	vperm.xlane v3, v2  }
0x58: {  	[tilespmem:s28], [sflag:$0x1] =	stream.indirect_vreg.gather [hbm4b:s3+s2], $0x80, v4, vm0, $0xb8;
	[tilespmem:$0x18100] =	vst v63  }
0x59: {  	s22 =	simm.s32 $0x9900;
	v3 =	vadd.s32 v1, v3  }
0x5a: {  	[tilespmem:s22], [sflag:$0x1] =	stream.indirect_vreg.gather [hbm4b:s6+s2], $0x80, v4, vm0, $0xb8;
	[tilespmem:$0x18100] =	vst v63  }
0x5b: {  	s23 =	simm.s32 $0xA100  }
0x5c: {  	[tilespmem:s23], [sflag:$0x1] =	stream.indirect_vreg.gather [hbm4b:s7+s2], $0x80, v4, vm0, $0xb8;
	[tilespmem:$0x18100] =	vst v63  }
0x5d: {  	s24 =	simm.s32 $0xA900  }
0x5e: {  	[tilespmem:s24], [sflag:$0x1] =	stream.indirect_vreg.gather [hbm4b:s3+s2], $0x80, v3, vm0, $0xb8;
	[tilespmem:$0x18100] =	vst v63  }
0x5f: {  	s25 =	simm.s32 $0xB100  }
0x60: {  	[tilespmem:s25], [sflag:$0x1] =	stream.indirect_vreg.gather [hbm4b:s6+s2], $0x80, v3, vm0, $0xb8;
	[tilespmem:$0x18100] =	vst v63  }
0x61: {  	s26 =	simm.s32 $0xB900  }
0x62: {  	[tilespmem:s26], [sflag:$0x1] =	stream.indirect_vreg.gather [hbm4b:s7+s2], $0x80, v3, vm0, $0xb8;
	[tilespmem:$0x18100] =	vst v63  }
0x63: {  	v3 =	vld [tilespmem:$0x80];
	_ =	sdelay $0x4  }
0x64: {  	v60 =	vshrl.u32 v3, $0x3  }
0x65: {  	v4 =	vmul.u32 $0x30, v60  }
0x66: {  	v3 =	vand.u32 $0x7, v3  }
0x67: {  	v3 =	vor.u32 v3, v4  }
0x68: {  	v4 =	vperm.xlane v3, v0;
	_ =	sdelay $0x1  }
0x69: {  	v4 =	vadd.s32 v1, v4;
	_ =	sdelay $0x3  }
0x6a: {  	s28 =	simm.s32 $0xC100;
	v3 =	vperm.xlane v3, v2  }
0x6b: {  	[tilespmem:s28], [sflag:$0x2] =	stream.indirect_vreg.gather [hbm4b:s3+s2], $0x80, v4, vm0, $0xb8;
	[tilespmem:$0x18100] =	vst v63  }
0x6c: {  	s22 =	simm.s32 $0xC900;
	v3 =	vadd.s32 v1, v3  }
0x6d: {  	[tilespmem:s22], [sflag:$0x2] =	stream.indirect_vreg.gather [hbm4b:s6+s2], $0x80, v4, vm0, $0xb8;
	[tilespmem:$0x18100] =	vst v63  }
0x6e: {  	s23 =	simm.s32 $0xD100  }
0x6f: {  	[tilespmem:s23], [sflag:$0x2] =	stream.indirect_vreg.gather [hbm4b:s7+s2], $0x80, v4, vm0, $0xb8;
	[tilespmem:$0x18100] =	vst v63  }
0x70: {  	s24 =	simm.s32 $0xD900  }
0x71: {  	[tilespmem:s24], [sflag:$0x2] =	stream.indirect_vreg.gather [hbm4b:s3+s2], $0x80, v3, vm0, $0xb8;
	[tilespmem:$0x18100] =	vst v63  }
0x72: {  	s25 =	simm.s32 $0xE100  }
0x73: {  	[tilespmem:s25], [sflag:$0x2] =	stream.indirect_vreg.gather [hbm4b:s6+s2], $0x80, v3, vm0, $0xb8;
	[tilespmem:$0x18100] =	vst v63  }
0x74: {  	s26 =	simm.s32 $0xE900  }
0x75: {  	[tilespmem:s26], [sflag:$0x2] =	stream.indirect_vreg.gather [hbm4b:s7+s2], $0x80, v3, vm0, $0xb8;
	[tilespmem:$0x18100] =	vst v63  }
0x76: {  	v3 =	vld [tilespmem:$0x90];
	_ =	sdelay $0x4  }
0x77: {  	v61 =	vshrl.u32 v3, $0x3  }
0x78: {  	v4 =	vmul.u32 $0x30, v61  }
0x79: {  	v3 =	vand.u32 $0x7, v3  }
0x7a: {  	v3 =	vor.u32 v3, v4  }
0x7b: {  	v4 =	vperm.xlane v3, v0;
	_ =	sdelay $0x1  }
0x7c: {  	v4 =	vadd.s32 v1, v4;
	_ =	sdelay $0x3  }
0x7d: {  	s28 =	simm.s32 $0xF100;
	v3 =	vperm.xlane v3, v2  }
0x7e: {  	[tilespmem:s28], [sflag:$0x2] =	stream.indirect_vreg.gather [hbm4b:s3+s2], $0x80, v4, vm0, $0xb8;
	[tilespmem:$0x18100] =	vst v63  }
0x7f: {  	s22 =	simm.s32 $0xF900;
	v3 =	vadd.s32 v1, v3  }
0x80: {  	[tilespmem:s22], [sflag:$0x2] =	stream.indirect_vreg.gather [hbm4b:s6+s2], $0x80, v4, vm0, $0xb8;
	[tilespmem:$0x18100] =	vst v63  }
0x81: {  	s23 =	simm.s32 $0x10100  }
0x82: {  	[tilespmem:s23], [sflag:$0x2] =	stream.indirect_vreg.gather [hbm4b:s7+s2], $0x80, v4, vm0, $0xb8;
	[tilespmem:$0x18100] =	vst v63  }
0x83: {  	s24 =	simm.s32 $0x10900  }
0x84: {  	[tilespmem:s24], [sflag:$0x2] =	stream.indirect_vreg.gather [hbm4b:s3+s2], $0x80, v3, vm0, $0xb8;
	[tilespmem:$0x18100] =	vst v63  }
0x85: {  	s25 =	simm.s32 $0x11100  }
0x86: {  	[tilespmem:s25], [sflag:$0x2] =	stream.indirect_vreg.gather [hbm4b:s6+s2], $0x80, v3, vm0, $0xb8;
	[tilespmem:$0x18100] =	vst v63  }
0x87: {  	s26 =	simm.s32 $0x11900  }
0x88: {  	[tilespmem:s26], [sflag:$0x2] =	stream.indirect_vreg.gather [hbm4b:s7+s2], $0x80, v3, vm0, $0xb8;
	[tilespmem:$0x18100] =	vst v63  }
0x89: {  	v3 =	vld [tilespmem:$0xA0];
	_ =	sdelay $0x4  }
0x8a: {  	v62 =	vshrl.u32 v3, $0x3  }
0x8b: {  	v4 =	vmul.u32 $0x30, v62  }
0x8c: {  	v3 =	vand.u32 $0x7, v3  }
0x8d: {  	v3 =	vor.u32 v3, v4  }
0x8e: {  	v4 =	vperm.xlane v3, v0;
	_ =	sdelay $0x1  }
0x8f: {  	v4 =	vadd.s32 v1, v4;
	_ =	sdelay $0x3  }
0x90: {  	s28 =	simm.s32 $0x12100;
	v3 =	vperm.xlane v3, v2  }
0x91: {  	[tilespmem:s28], [sflag:$0x2] =	stream.indirect_vreg.gather [hbm4b:s3+s2], $0x80, v4, vm0, $0xb8;
	[tilespmem:$0x18100] =	vst v63  }
0x92: {  	v3 =	vadd.s32 v1, v3  }
0x93: {  	[tilespmem:s29], [sflag:$0x2] =	stream.indirect_vreg.gather [hbm4b:s6+s2], $0x80, v4, vm0, $0xb8;
	[tilespmem:$0x18100] =	vst v63  }
0x94: {  	_ = 	snop  }
0x95: {  	[tilespmem:s30], [sflag:$0x2] =	stream.indirect_vreg.gather [hbm4b:s7+s2], $0x80, v4, vm0, $0xb8;
	[tilespmem:$0x18100] =	vst v63  }
0x96: {  	_ = 	snop  }
0x97: {  	[tilespmem:s31], [sflag:$0x2] =	stream.indirect_vreg.gather [hbm4b:s3+s2], $0x80, v3, vm0, $0xb8;
	[tilespmem:$0x18100] =	vst v63  }
0x98: {  	_ = 	snop  }
0x99: {  	[tilespmem:s0], [sflag:$0x2] =	stream.indirect_vreg.gather [hbm4b:s6+s2], $0x80, v3, vm0, $0xb8;
	[tilespmem:$0x18100] =	vst v63  }
0x9a: {  	_ = 	snop  }
0x9b: {  	[tilespmem:s1], [sflag:$0x2] =	stream.indirect_vreg.gather [hbm4b:s7+s2], $0x80, v3, vm0, $0xb8;
	[tilespmem:$0x18100] =	vst v63  }
0x9c: {  	v3 =	vld [tilespmem:$0xB0];
	_ =	sdelay $0x4  }
0x9d: {  	v63 =	vshrl.u32 v3, $0x3  }
0x9e: {  	v4 =	vmul.u32 $0x30, v63  }
0x9f: {  	v3 =	vand.u32 $0x7, v3  }
0xa0: {  	v3 =	vor.u32 v3, v4  }
0xa1: {  	v4 =	vperm.xlane v3, v0;
	_ =	sdelay $0x1  }
0xa2: {  	v4 =	vadd.s32 v1, v4;
	_ =	sdelay $0x3  }
0xa3: {  	v3 =	vperm.xlane v3, v2  }
0xa4: {  	[tilespmem:s11], [sflag:$0x2] =	stream.indirect_vreg.gather [hbm4b:s3+s2], $0x80, v4, vm0, $0xb8;
	[tilespmem:$0x18100] =	vst v63  }
0xa5: {  	v3 =	vadd.s32 v1, v3  }
0xa6: {  	[tilespmem:s13], [sflag:$0x2] =	stream.indirect_vreg.gather [hbm4b:s6+s2], $0x80, v4, vm0, $0xb8;
	[tilespmem:$0x18100] =	vst v63  }
0xa7: {  	_ = 	snop  }
0xa8: {  	[tilespmem:s14], [sflag:$0x2] =	stream.indirect_vreg.gather [hbm4b:s7+s2], $0x80, v4, vm0, $0xb8;
	[tilespmem:$0x18100] =	vst v63  }
0xa9: {  	_ = 	snop  }
0xaa: {  	[tilespmem:s15], [sflag:$0x2] =	stream.indirect_vreg.gather [hbm4b:s3+s2], $0x80, v3, vm0, $0xb8;
	[tilespmem:$0x18100] =	vst v63  }
0xab: {  	_ = 	snop  }
0xac: {  	[tilespmem:s16], [sflag:$0x2] =	stream.indirect_vreg.gather [hbm4b:s6+s2], $0x80, v3, vm0, $0xb8;
	[tilespmem:$0x18100] =	vst v63  }
0xad: {  	_ = 	snop  }
0xae: {  	[tilespmem:s17], [sflag:$0x2] =	stream.indirect_vreg.gather [hbm4b:s7+s2], $0x80, v3, vm0, $0xb8;
	[tilespmem:$0x18100] =	vst v63  }
0xaf: {  	_ =	swait.ge [sflag:s18], $0xC000  }
0xb0: {  	[sflag:s18] =	ssyncset.done $0x0  }
0xb1: {  	[sflag:s18] =	ssyncadd.s32 $0xFFFF4000  }
0xb2: {  	_ =	swait.ge [sflag:s19], $0xC000  }
0xb3: {  	[sflag:s19] =	ssyncset.done $0x0  }
0xb4: {  	s21 =	simm.s32 $0x0;
	[sflag:s19] =	ssyncadd.s32 $0xFFFF4000  }
.LBB2_2:
0xb5: {  	s22 =	sshrl.u32 s21, $0x3  }
0xb6: {  	s23 =	sshll.u32 s21, $0x7;
	s22 =	smul.u32 $0x1800, s22  }
0xb7: {  	s24 =	simm.s32 $0x0;
	s23 =	sand.u32 $0x380, s23  }
0xb8: {  	s28 =	sand.u32 $0x1C00, s24;
	s22 =	sor.u32 s23, s22  }
0xb9: {  	s24 =	sand.u32 $0x70, s24;
	s23 =	sadd.s32 s22, s28  }
0xba: {  	s23 =	sor.u32 s24, s23  }
0xbb: {  	v3 =	vld [tilespmem:s23+$0xC100]  }
0xbc: {  	s25 =	simm.s32 $0x80;
	s24 =	simm.s32 $0x10  }
.LBB2_3:
0xbd: {  	s26 =	sand.u32 $0x1C00, s25  }
0xbe: {  	p0 =	sne.s32 s24, $0x2F0;
	s28 =	smov.u32 s24;
	s24 =	sadd.s32 $0x10, s24  }
.Ltmp0:
0xbf: {  	s28 =	sand.u32 $0x70, s28;
	s26 =	sadd.s32 s22, s26;
	(pc) =	sbr.rel @p0 .LBB2_3-.Ltmp0, $3  }
0xc0: {  	[tilespmem:s23+$0x100] =	vst.add.f32.msk $0xffff, v3;
	s23 =	sor.u32 s28, s26  }
0xc1: {  	v3 =	vld [tilespmem:s23+$0xC100];
	_ =	sdelay $0x1  }
0xc2: {  	s25 =	sadd.s32 $0x80, s25  }
0xc3: {  	s21 =	sadd.s32 $0x1, s21  }
0xc4: {  	p0 =	sne.s32 s21, $0x40  }
.Ltmp1:
0xc5: {  	_ = 	snop;
	(pc) =	sbr.rel @p0 .LBB2_2-.Ltmp1, $2  }
0xc6: {  	_ =	sdelay $0x2  }
0xc7: {  	[tilespmem:s23+$0x100] =	vst.add.f32.msk $0xffff, v3  }
0xc8: {  	s20 =	sadd.s32 $0x1, s20  }
0xc9: {  	p0 =	sne.s32 s20, s9  }
.Ltmp2:
0xca: {  	_ = 	snop;
	(pc) =	sbr.rel @p0 .LBB2_1-.Ltmp2, $4  }
0xcb: {  	[hbm4b:s8+s2] =	stream.linear.scatter [tilespmem:s12], [sflag:$0x3], $0xC000, $0x38;
	[tilespmem:$0x18100] =	vst v63  }
0xcc: {  	_ =	swait.ge [sflag:s10], $0xC000  }
0xcd: {  	[sflag:s10] =	ssyncset.done $0x0  }
0xce: {  	[sflag:s10] =	ssyncadd.s32 $0xFFFF4000  }
0xcf: {  	_ =	sfence.sel $0x180000  }
0xd0: {  	[bflag:$0x0] =	sbarrier.arrive $0xFFFF  }
0xd1: {  	_ =	strace $0x9000004A  }
0xd2: {  	s0 =	stileid.u32;
	[bflag:$0x2] =	sbarrier.arrive $0xFFFF  }
0xd3: {  	p0 =	sne.s32 s0, $0x0;
	s0 =	rddreg [dreg:$0x2]  }
0xd4: {  	s0 =	sadd.s32 @!p0 $0x100000, s0  }
0xd5: {  	[sflag:s0] =	ssyncadd.tile.s32 @!p0 $0x1;
	_ =	shalt  }
.Lfunc_end2:
_tile_overlayer_lowered:
.L_overlay_start_2:
0xd6: {  	(tag) =	ssettag $0x2  }
0xd7: {  	s0 =	rddreg [dreg:$0x0];
	s2 =	stileid.u32  }
0xd8: {  	s1 =	rddreg [dreg:$0x1];
	p0 =	sne.s32 s2, $0x0  }
0xd9: {  	s3 =	rddreg [dreg:$0x2];
	[bflag:$0x3] =	sbarrier.arrive $0xFFFF;
	s2 =	simm.s32 @!p0 $0x1C03  }
0xda: {  	[timem:s3], [sflag:s2] =	dma.local @!p0 [hbm:s0], s1  }
0xdb: {  	s0 =	simm.s32 @!p0 $0x3  }
0xdc: {  	_ =	swait.ge @!p0 [sflag:s0], s1  }
0xdd: {  	s1 =	ssub.s32 @!p0 $0x0, s1;
	[sflag:s0] =	ssyncset.done @!p0 $0x0  }
0xde: {  	[sflag:s0] =	ssyncadd.s32 @!p0 s1  }
0xdf: {  	[bflag:$0x3] =	sbarrier.arrive $0xFFFF  }
0xe0: {  	_ =	shalt  }

</sc_bundles>
